<compile_context>
chip_gen: v7x
topology: tpu7x:2x2x1
jax: 0.10.2.dev20260603
libtpu: 0.0.44.dev20260713+nightly
codegen_flags: <defaults>
</compile_context>

<pallas_src>
import functools

import jax
import jax.numpy as jnp
from jax import lax
from jax.experimental import pallas as pl
from jax.experimental.pallas import tpu as pltpu
from jax.experimental.pallas import tpu_sc as plsc

B = 2
L = 2048
D = 64
DG = 32
NH = 4
NB = 64
K = 64
BQ = 256
NEG = -1e9
THRESH = -1e8
NW = 32
RPW = B * L // NW
KV = L // 16
UNROLL = 16
LSHM = (0x3F, 0xFC0, 0x3F000, 0xFC0000)


def _hash_body(qt_ref, kt_ref, p0_ref, p1_ref, sig_ref, lsh_ref):
    for t, x_ref in enumerate((qt_ref, kt_ref)):
        xb = x_ref[0]
        for g, p_ref in enumerate((p0_ref, p1_ref)):
            xg = xb[g * DG:(g + 1) * DG, :]
            bits = (xg > 0).astype(jnp.int32)
            dio = lax.broadcasted_iota(jnp.int32, (DG, L), 0)
            sh = bits << (dio & 15)
            lo = jnp.sum(jnp.where(dio < 16, sh, 0), axis=0, keepdims=True)
            hi = jnp.sum(jnp.where(dio >= 16, sh, 0), axis=0, keepdims=True)
            sig = lo | (hi << 16)
            v = lax.dot_general(p_ref[...], xg, (((0,), (0,)), ((), ())),
                                preferred_element_type=jnp.float32)
            hb = (jnp.floor(v * 0.5).astype(jnp.int32)) & (NB - 1)
            hio = lax.broadcasted_iota(jnp.int32, (NH, L), 0)
            packed = jnp.sum(hb << (6 * hio), axis=0, keepdims=True)
            r = t * 2 + g
            sig_ref[0, r:r + 1, :] = sig
            lsh_ref[0, r:r + 1, :] = packed


def _hashes(qt, kt, p0, p1):
    return pl.pallas_call(
        _hash_body,
        grid=(B,),
        in_specs=[
            pl.BlockSpec((1, D, L), lambda b: (b, 0, 0)),
            pl.BlockSpec((1, D, L), lambda b: (b, 0, 0)),
            pl.BlockSpec((DG, NH), lambda b: (0, 0)),
            pl.BlockSpec((DG, NH), lambda b: (0, 0)),
        ],
        out_specs=[
            pl.BlockSpec((1, 4, L), lambda b: (b, 0, 0)),
            pl.BlockSpec((1, 4, L), lambda b: (b, 0, 0)),
        ],
        out_shape=[
            jax.ShapeDtypeStruct((B, 4, L), jnp.int32),
            jax.ShapeDtypeStruct((B, 4, L), jnp.int32),
        ],
    )(qt, kt, p0, p1)


def _sc_match(sig_hbm, lsh_hbm, cnt_hbm, mask_hbm,
              ksig_v, klsh_v, qsig_v, qlsh_v, cnt_v, row_v):
    wid = lax.axis_index("s") * 2 + lax.axis_index("c")
    b = wid // 16
    qbase = (wid % 16) * RPW
    pltpu.sync_copy(sig_hbm.at[b, pl.ds(2, 2)], ksig_v)
    pltpu.sync_copy(lsh_hbm.at[b, pl.ds(2, 2)], klsh_v)
    pltpu.sync_copy(sig_hbm.at[b, 0, pl.ds(qbase, RPW)],
                    qsig_v.at[pl.ds(0, RPW)])
    pltpu.sync_copy(sig_hbm.at[b, 1, pl.ds(qbase, RPW)],
                    qsig_v.at[pl.ds(RPW, RPW)])
    pltpu.sync_copy(lsh_hbm.at[b, 0, pl.ds(qbase, RPW)],
                    qlsh_v.at[pl.ds(0, RPW)])
    pltpu.sync_copy(lsh_hbm.at[b, 1, pl.ds(qbase, RPW)],
                    qlsh_v.at[pl.ds(RPW, RPW)])
    z16 = jnp.zeros((16,), jnp.int32)

    def row(qi, carry):
        qs0 = z16 + qsig_v[pl.ds(qi, 16)][0]
        qs1 = z16 + qsig_v[pl.ds(RPW + qi, 16)][0]

        def sweep(kj, acc):
            a = acc
            for u in range(UNROLL):
                sl = pl.ds((kj * UNROLL + u) * 16, 16)
                m = (ksig_v[0, sl] == qs0) | (ksig_v[1, sl] == qs1)
                a = a | jnp.where(m, 1, 0)
            return a
        hitw = lax.fori_loop(0, KV // UNROLL, sweep, z16)
        rc = jnp.sum(hitw)
        cnt_v[pl.ds(qi, 16)] = z16 + rc

        @pl.when(rc > 0)
        def _():
            ql0 = z16 + qlsh_v[pl.ds(qi, 16)][0]
            ql1 = z16 + qlsh_v[pl.ds(RPW + qi, 16)][0]

            def exact(kj, carry2):
                for u in range(UNROLL):
                    sl = pl.ds((kj * UNROLL + u) * 16, 16)
                    lx0 = klsh_v[0, sl] ^ ql0
                    lx1 = klsh_v[1, sl] ^ ql1
                    f0 = ((lx0 & LSHM[0]) == 0) | ((lx0 & LSHM[1]) == 0) | \
                         ((lx0 & LSHM[2]) == 0) | ((lx0 & LSHM[3]) == 0)
                    f1 = ((lx1 & LSHM[0]) == 0) | ((lx1 & LSHM[1]) == 0) | \
                         ((lx1 & LSHM[2]) == 0) | ((lx1 & LSHM[3]) == 0)
                    m = ((ksig_v[0, sl] == qs0) & f0) | \
                        ((ksig_v[1, sl] == qs1) & f1)
                    row_v[sl] = jnp.where(m, 1, 0)
                return carry2
            lax.fori_loop(0, KV // UNROLL, exact, 0)
            pltpu.sync_copy(row_v, mask_hbm.at[b, qbase + qi])
        return carry

    lax.fori_loop(0, RPW, row, 0)
    pltpu.sync_copy(cnt_v.at[pl.ds(0, RPW)], cnt_hbm.at[b, pl.ds(qbase, RPW)])


def _match(sig, lsh):
    mesh = plsc.VectorSubcoreMesh(core_axis_name="c", subcore_axis_name="s")
    f = functools.partial(
        pl.kernel, mesh=mesh,
        compiler_params=pltpu.CompilerParams(needs_layout_passes=False),
        out_type=[
            jax.ShapeDtypeStruct((B, L), jnp.int32),
            jax.ShapeDtypeStruct((B, L, L), jnp.int32),
        ],
        scratch_types=[
            pltpu.VMEM((2, L), jnp.int32),
            pltpu.VMEM((2, L), jnp.int32),
            pltpu.VMEM((2 * RPW + 128,), jnp.int32),
            pltpu.VMEM((2 * RPW + 128,), jnp.int32),
            pltpu.VMEM((RPW + 128,), jnp.int32),
            pltpu.VMEM((L,), jnp.int32),
        ],
    )(_sc_match)
    return f(sig, lsh)


def _score_body(q_ref, k_ref, cnt_ref, mask_ref, os_ref, oi_ref,
                msk_ref, done_ref):
    cntcol = cnt_ref[0]
    npos = jnp.sum(cntcol)
    os_ref[0] = jnp.full((BQ, K), NEG, jnp.float32)
    oi_ref[0] = jnp.full((BQ, K), -1, jnp.int32)
    done_ref[0] = jnp.where(npos > 0, 0, 1).astype(jnp.int32)

    @pl.when(npos > 0)
    def _():
        scores = lax.dot_general(q_ref[0], k_ref[0], (((1,), (1,)), ((), ())),
                                 preferred_element_type=jnp.float32)
        gate = (mask_ref[0] > 0) & (cntcol > 0)
        msk_ref[...] = jnp.where(gate, scores, NEG)

    kiota = lax.broadcasted_iota(jnp.int32, (BQ, L), 1)
    liota = lax.broadcasted_iota(jnp.int32, (BQ, K), 1)

    def step(j, carry):
        @pl.when(done_ref[0] == 0)
        def _():
            mm = msk_ref[...]
            m = jnp.max(mm, axis=1)
            bmax = jnp.max(m)

            @pl.when(bmax <= THRESH)
            def _():
                done_ref[0] = 1

            @pl.when(bmax > THRESH)
            def _():
                eq = mm == m[:, None]
                am = jnp.min(jnp.where(eq, kiota, L), axis=1)
                valid = m > THRESH
                sc = jnp.where(valid, m, NEG)
                ix = jnp.where(valid, am, -1)
                os_ref[0] = jnp.where(liota == j, sc[:, None], os_ref[0])
                oi_ref[0] = jnp.where(liota == j, ix[:, None], oi_ref[0])
                pop = (kiota == am[:, None]) & valid[:, None]
                msk_ref[...] = jnp.where(pop, NEG, mm)
        return carry

    lax.fori_loop(0, K, step, 0)


def _scores(q, k, cnt, mask):
    return pl.pallas_call(
        _score_body,
        grid=(B, L // BQ),
        in_specs=[
            pl.BlockSpec((1, BQ, D), lambda b, i: (b, i, 0)),
            pl.BlockSpec((1, L, D), lambda b, i: (b, 0, 0)),
            pl.BlockSpec((1, BQ, 1), lambda b, i: (b, i, 0)),
            pl.BlockSpec((1, BQ, L), lambda b, i: (b, i, 0)),
        ],
        out_specs=[
            pl.BlockSpec((1, BQ, K), lambda b, i: (b, i, 0)),
            pl.BlockSpec((1, BQ, K), lambda b, i: (b, i, 0)),
        ],
        out_shape=[
            jax.ShapeDtypeStruct((B, L, K), jnp.float32),
            jax.ShapeDtypeStruct((B, L, K), jnp.int32),
        ],
        scratch_shapes=[
            pltpu.VMEM((BQ, L), jnp.float32),
            pltpu.SMEM((1,), jnp.int32),
        ],
    )(q, k, cnt, mask)


@jax.jit
def _run(q, k, p0, p1):
    qt = jnp.transpose(q, (0, 2, 1))
    kt = jnp.transpose(k, (0, 2, 1))
    sig, lsh = _hashes(qt, kt, p0, p1)
    cnt, mask = _match(sig, lsh)
    return _scores(q, k, cnt[..., None], mask)


def kernel(query_up, key_up, lsh_proj_g0, lsh_proj_g1, head_idx=0):
    del head_idx
    return _run(query_up, key_up, lsh_proj_g0, lsh_proj_g1)

# --- scband reference (transcript-rebuilt; emitter-appended) ---
"""Pipeline reference for scband-candidate-finder-89429809038158 (READ-ONLY COPY).

The authoritative reference and input builder live on the scoring server;
editing this copy changes nothing except your own understanding.
"""

import jax, jax.numpy as jnp
import numpy as np

D_GROUPS = [32, 32]          # hyper_cuts_dim_groups
PREFIX_LEN = 8               # wu_manber_prefix_len
BANDWIDTH = 2.0              # lsh_bandwidth
BUCKETS = 64                 # lsh_buckets
N_HASHES = 4                 # n_lsh_hashes
K_MAX = 64                   # k_max


def setup_inputs(seed: int = 0) -> dict:
    key = jax.random.key(seed)
    k1, k2, k3, k4 = jax.random.split(key, 4)
    query_up = jax.random.normal(k1, (2, 2048, 64), dtype=jnp.float32)
    key_up = jax.random.normal(k2, (2, 2048, 64), dtype=jnp.float32)
    # Learned/random LSH projection per dimension group (n_lsh_tables=1, n_lsh_hashes=4)
    lsh_proj_g0 = jax.random.normal(k3, (32, N_HASHES), dtype=jnp.float32)
    lsh_proj_g1 = jax.random.normal(k4, (32, N_HASHES), dtype=jnp.float32)
    return {"query_up": query_up, "key_up": key_up,
            "lsh_proj_g0": lsh_proj_g0, "lsh_proj_g1": lsh_proj_g1,
            "head_idx": 0}


def _lsh_hash(x, proj):
    # bucketized random projection hash: floor(x @ w / bandwidth) mod buckets
    return (jnp.floor(x @ proj / BANDWIDTH).astype(jnp.int32)) % BUCKETS


def _exact_match_mask(qb, kb):
    # qb [B,Lq,d] in {0,1}, kb [B,Lk,d] in {0,1}; mismatch count via matmul
    mism = jnp.einsum('bqd,bkd->bqk', qb, 1.0 - kb) + jnp.einsum('bqd,bkd->bqk', 1.0 - qb, kb)
    return mism < 0.5


def _group_candidate_mask(q_g, k_g, proj):
    # LSH matches: any of the n_lsh_hashes buckets equal
    qh = _lsh_hash(q_g, proj)
    kh = _lsh_hash(k_g, proj)
    lsh = jnp.zeros((q_g.shape[0], q_g.shape[1], k_g.shape[1]), dtype=bool)
    for h in range(N_HASHES):
        lsh = lsh | (qh[:, :, None, h] == kh[:, None, :, h])
    # binary quantize (x > 0)
    qb = (q_g > 0).astype(jnp.float32)
    kb = (k_g > 0).astype(jnp.float32)
    # Wu-Manber: equal binary prefix of length PREFIX_LEN
    wu = _exact_match_mask(qb[..., :PREFIX_LEN], kb[..., :PREFIX_LEN])
    # Trie search: full binary vector path match (exact match of all quantized bits)
    trie = _exact_match_mask(qb, kb)
    # trie-refined wu-manber candidates, intersected with LSH matches
    return lsh & wu & trie


def reference(query_up, key_up, lsh_proj_g0, lsh_proj_g1, head_idx=0):
    projs = [lsh_proj_g0, lsh_proj_g1]
    # split features by hyper-cuts dimension groups
    mask = None
    start = 0
    for d, proj in zip(D_GROUPS, projs):
        q_g = query_up[:, :, start:start + d]
        k_g = key_up[:, :, start:start + d]
        m = _group_candidate_mask(q_g, k_g, proj)
        mask = m if mask is None else (mask | m)
        start += d
    # merged candidates across groups -> select top k_max by q.k score
    scores = jnp.einsum('bqd,bkd->bqk', query_up, key_up)
    masked = jnp.where(mask, scores, jnp.float32(-1e9))
    topk_scores, topk_idx = jax.lax.top_k(masked, K_MAX)
    topk_idx = jnp.where(topk_scores > jnp.float32(-1e8), topk_idx, -1)
    return topk_scores, topk_idx

if __name__ == "__main__":
    import jax
    _d = setup_inputs()
    print(jax.jit(kernel)(*tuple(_d.values())))

</pallas_src>

<mosaic_0001>
#map = affine_map<(d0, d1) -> (0, 0, 0)>
#map1 = affine_map<(d0, d1) -> (0, 0)>
module attributes {stable_mosaic.version = 14 : i64} {
  func.func @_sc_match(%arg0: i32, %arg1: i32, %arg2: memref<2x4x2048xi32, #tpu.memory_space<hbm>>, %arg3: memref<2x4x2048xi32, #tpu.memory_space<hbm>>, %arg4: memref<2x2048xi32, #tpu.memory_space<hbm>>, %arg5: memref<2x2048x2048xi32, #tpu.memory_space<hbm>>, %arg6: memref<2x2048xi32, #tpu.memory_space<vmem>>, %arg7: memref<2x2048xi32, #tpu.memory_space<vmem>>, %arg8: memref<384xi32, #tpu.memory_space<vmem>>, %arg9: memref<384xi32, #tpu.memory_space<vmem>>, %arg10: memref<256xi32, #tpu.memory_space<vmem>>, %arg11: memref<2048xi32, #tpu.memory_space<vmem>>) attributes {dimension_semantics = [#tpu.dimension_semantics<core_parallel>, #tpu.dimension_semantics<subcore_parallel>], iteration_bounds = array<i64: 2, 16>, scalar_prefetch = 0 : i64, scratch_operands = 6 : i64, tpu.core_type = #tpu.core_type<sc_vector_subcore>, window_params = [{transform_indices = #map}, {transform_indices = #map}, {transform_indices = #map1}, {transform_indices = #map}]} {
    %mul3A = arith.constant 2 : i32
    %mul3A_0 = arith.muli %arg1, %mul3A : i32
    %add3A = arith.addi %mul3A_0, %arg0 : i32
    %jit3A = arith.constant 16 : i32
    %div3A = arith.divsi %add3A, %jit3A : i32
    %sign3A = arith.constant 0 : i32
    %sign3A_1 = arith.cmpi sgt, %add3A, %sign3A : i32
    %sign3A_2 = arith.extui %sign3A_1 : i1 to i32
    %sign3A_3 = arith.constant 0 : i32
    %sign3A_4 = arith.cmpi slt, %add3A, %sign3A_3 : i32
    %sign3A_5 = arith.extui %sign3A_4 : i1 to i32
    %sign3A_6 = arith.subi %sign3A_2, %sign3A_5 : i32
    %sign3A_7 = arith.constant 0 : i32
    %sign3A_8 = arith.cmpi sgt, %jit3A, %sign3A_7 : i32
    %sign3A_9 = arith.extui %sign3A_8 : i1 to i32
    %sign3A_10 = arith.constant 0 : i32
    %sign3A_11 = arith.cmpi slt, %jit3A, %sign3A_10 : i32
    %sign3A_12 = arith.extui %sign3A_11 : i1 to i32
    %sign3A_13 = arith.subi %sign3A_9, %sign3A_12 : i32
    %ne3A = arith.cmpi ne, %sign3A_6, %sign3A_13 : i32
    %rem3A = arith.remsi %add3A, %jit3A : i32
    %ne3A_14 = arith.constant 0 : i32
    %ne3A_15 = arith.cmpi ne, %rem3A, %ne3A_14 : i32
    %and3A = arith.andi %ne3A, %ne3A_15 : i1
    %sub3A = arith.constant 1 : i32
    %sub3A_16 = arith.subi %div3A, %sub3A : i32
    %select_n3A = arith.select %and3A, %sub3A_16, %div3A : i32
    %jit3A_17 = arith.constant 16 : i32
    %eq3A = arith.constant 0 : i32
    %eq3A_18 = arith.cmpi eq, %jit3A_17, %eq3A : i32
    %jit3A_19 = arith.constant 1 : i32
    %select_n3A_20 = arith.select %eq3A_18, %jit3A_19, %jit3A_17 : i32
    %rem3A_21 = arith.remsi %add3A, %select_n3A_20 : i32
    %ne3A_22 = arith.constant 0 : i32
    %ne3A_23 = arith.cmpi ne, %rem3A_21, %ne3A_22 : i32
    %lt3A = arith.constant 0 : i32
    %lt3A_24 = arith.cmpi slt, %rem3A_21, %lt3A : i32
    %lt3A_25 = arith.constant 0 : i32
    %lt3A_26 = arith.cmpi slt, %select_n3A_20, %lt3A_25 : i32
    %ne3A_27 = arith.xori %lt3A_24, %lt3A_26 : i1
    %and3A_28 = arith.andi %ne3A_27, %ne3A_23 : i1
    %add3A_29 = arith.addi %rem3A_21, %select_n3A_20 : i32
    %select_n3A_30 = arith.select %and3A_28, %add3A_29, %rem3A_21 : i32
    %mul3A_31 = arith.constant 128 : i32
    %mul3A_32 = arith.muli %select_n3A_30, %mul3A_31 : i32
    "tpu.region"() ({
      %run_scoped3A_42 = tpu.sem_alloc : memref<!tpu.dma_semaphore, #tpu.memory_space<semaphore_mem>>
      %dma_start3A = arith.constant 2 : i32
      %dma_start3A_43 = arith.constant 0 : i32
      %dma_start3A_44 = tpu.memref_slice %arg2[%select_n3A, %dma_start3A, %dma_start3A_43] : memref<2x4x2048xi32, #tpu.memory_space<hbm>> -> memref<1x2x2048xi32, #tpu.memory_space<hbm>>
      %dma_start3A_45 = tpu.memref_squeeze %dma_start3A_44 : memref<1x2x2048xi32, #tpu.memory_space<hbm>> -> memref<2x2048xi32, #tpu.memory_space<hbm>>
      %dma_start3A_46 = arith.constant 2 : i32
      %dma_start3A_47 = arith.constant 0 : i32
      %dma_start3A_48 = tpu.memref_slice %arg2[%select_n3A, %dma_start3A_46, %dma_start3A_47] : memref<2x4x2048xi32, #tpu.memory_space<hbm>> -> memref<1x2x2048xi32, #tpu.memory_space<hbm>>
      %dma_start3A_49 = tpu.memref_squeeze %dma_start3A_48 : memref<1x2x2048xi32, #tpu.memory_space<hbm>> -> memref<2x2048xi32, #tpu.memory_space<hbm>>
      tpu.enqueue_dma source(%dma_start3A_49 : memref<2x2048xi32, #tpu.memory_space<hbm>>) target(%arg6 : memref<2x2048xi32, #tpu.memory_space<vmem>>) target_semaphore(%run_scoped3A_42 : memref<!tpu.dma_semaphore, #tpu.memory_space<semaphore_mem>>)
      %dma_wait3A = arith.constant 2 : i32
      %dma_wait3A_50 = arith.constant 0 : i32
      %dma_wait3A_51 = tpu.memref_slice %arg2[%select_n3A, %dma_wait3A, %dma_wait3A_50] : memref<2x4x2048xi32, #tpu.memory_space<hbm>> -> memref<1x2x2048xi32, #tpu.memory_space<hbm>>
      %dma_wait3A_52 = tpu.memref_squeeze %dma_wait3A_51 : memref<1x2x2048xi32, #tpu.memory_space<hbm>> -> memref<2x2048xi32, #tpu.memory_space<hbm>>
      %dma_wait3A_53 = arith.constant 2 : i32
      %dma_wait3A_54 = arith.constant 0 : i32
      %dma_wait3A_55 = tpu.memref_slice %arg2[%select_n3A, %dma_wait3A_53, %dma_wait3A_54] : memref<2x4x2048xi32, #tpu.memory_space<hbm>> -> memref<1x2x2048xi32, #tpu.memory_space<hbm>>
      %dma_wait3A_56 = tpu.memref_squeeze %dma_wait3A_55 : memref<1x2x2048xi32, #tpu.memory_space<hbm>> -> memref<2x2048xi32, #tpu.memory_space<hbm>>
      tpu.wait_dma2 semaphore(%run_scoped3A_42 : memref<!tpu.dma_semaphore, #tpu.memory_space<semaphore_mem>>) src(%dma_wait3A_56 : memref<2x2048xi32, #tpu.memory_space<hbm>>) dst(%arg6 : memref<2x2048xi32, #tpu.memory_space<vmem>>)
      tpu.yield
    }) : () -> ()
    "tpu.region"() ({
      %run_scoped3A_42 = tpu.sem_alloc : memref<!tpu.dma_semaphore, #tpu.memory_space<semaphore_mem>>
      %dma_start3A = arith.constant 2 : i32
      %dma_start3A_43 = arith.constant 0 : i32
      %dma_start3A_44 = tpu.memref_slice %arg3[%select_n3A, %dma_start3A, %dma_start3A_43] : memref<2x4x2048xi32, #tpu.memory_space<hbm>> -> memref<1x2x2048xi32, #tpu.memory_space<hbm>>
      %dma_start3A_45 = tpu.memref_squeeze %dma_start3A_44 : memref<1x2x2048xi32, #tpu.memory_space<hbm>> -> memref<2x2048xi32, #tpu.memory_space<hbm>>
      %dma_start3A_46 = arith.constant 2 : i32
      %dma_start3A_47 = arith.constant 0 : i32
      %dma_start3A_48 = tpu.memref_slice %arg3[%select_n3A, %dma_start3A_46, %dma_start3A_47] : memref<2x4x2048xi32, #tpu.memory_space<hbm>> -> memref<1x2x2048xi32, #tpu.memory_space<hbm>>
      %dma_start3A_49 = tpu.memref_squeeze %dma_start3A_48 : memref<1x2x2048xi32, #tpu.memory_space<hbm>> -> memref<2x2048xi32, #tpu.memory_space<hbm>>
      tpu.enqueue_dma source(%dma_start3A_49 : memref<2x2048xi32, #tpu.memory_space<hbm>>) target(%arg7 : memref<2x2048xi32, #tpu.memory_space<vmem>>) target_semaphore(%run_scoped3A_42 : memref<!tpu.dma_semaphore, #tpu.memory_space<semaphore_mem>>)
      %dma_wait3A = arith.constant 2 : i32
      %dma_wait3A_50 = arith.constant 0 : i32
      %dma_wait3A_51 = tpu.memref_slice %arg3[%select_n3A, %dma_wait3A, %dma_wait3A_50] : memref<2x4x2048xi32, #tpu.memory_space<hbm>> -> memref<1x2x2048xi32, #tpu.memory_space<hbm>>
      %dma_wait3A_52 = tpu.memref_squeeze %dma_wait3A_51 : memref<1x2x2048xi32, #tpu.memory_space<hbm>> -> memref<2x2048xi32, #tpu.memory_space<hbm>>
      %dma_wait3A_53 = arith.constant 2 : i32
      %dma_wait3A_54 = arith.constant 0 : i32
      %dma_wait3A_55 = tpu.memref_slice %arg3[%select_n3A, %dma_wait3A_53, %dma_wait3A_54] : memref<2x4x2048xi32, #tpu.memory_space<hbm>> -> memref<1x2x2048xi32, #tpu.memory_space<hbm>>
      %dma_wait3A_56 = tpu.memref_squeeze %dma_wait3A_55 : memref<1x2x2048xi32, #tpu.memory_space<hbm>> -> memref<2x2048xi32, #tpu.memory_space<hbm>>
      tpu.wait_dma2 semaphore(%run_scoped3A_42 : memref<!tpu.dma_semaphore, #tpu.memory_space<semaphore_mem>>) src(%dma_wait3A_56 : memref<2x2048xi32, #tpu.memory_space<hbm>>) dst(%arg7 : memref<2x2048xi32, #tpu.memory_space<vmem>>)
      tpu.yield
    }) : () -> ()
    %run_scoped3A = arith.constant 0 : i32
    "tpu.region"() ({
      %run_scoped3A_42 = tpu.sem_alloc : memref<!tpu.dma_semaphore, #tpu.memory_space<semaphore_mem>>
      %dma_start3A = arith.constant 0 : i32
      %dma_start3A_43 = tpu.memref_slice %arg8[%dma_start3A] : memref<384xi32, #tpu.memory_space<vmem>> -> memref<128xi32, #tpu.memory_space<vmem>>
      %dma_start3A_44 = tpu.memref_slice %arg2[%select_n3A, %run_scoped3A, %mul3A_32] : memref<2x4x2048xi32, #tpu.memory_space<hbm>> -> memref<1x1x128xi32, #tpu.memory_space<hbm>>
      %dma_start3A_45 = tpu.memref_squeeze %dma_start3A_44 : memref<1x1x128xi32, #tpu.memory_space<hbm>> -> memref<128xi32, #tpu.memory_space<hbm>>
      %dma_start3A_46 = arith.constant 0 : i32
      %dma_start3A_47 = tpu.memref_slice %arg8[%dma_start3A_46] : memref<384xi32, #tpu.memory_space<vmem>> -> memref<128xi32, #tpu.memory_space<vmem>>
      %dma_start3A_48 = tpu.memref_slice %arg2[%select_n3A, %run_scoped3A, %mul3A_32] : memref<2x4x2048xi32, #tpu.memory_space<hbm>> -> memref<1x1x128xi32, #tpu.memory_space<hbm>>
      %dma_start3A_49 = tpu.memref_squeeze %dma_start3A_48 : memref<1x1x128xi32, #tpu.memory_space<hbm>> -> memref<128xi32, #tpu.memory_space<hbm>>
      tpu.enqueue_dma source(%dma_start3A_49 : memref<128xi32, #tpu.memory_space<hbm>>) target(%dma_start3A_47 : memref<128xi32, #tpu.memory_space<vmem>>) target_semaphore(%run_scoped3A_42 : memref<!tpu.dma_semaphore, #tpu.memory_space<semaphore_mem>>)
      %dma_wait3A = arith.constant 0 : i32
      %dma_wait3A_50 = tpu.memref_slice %arg8[%dma_wait3A] : memref<384xi32, #tpu.memory_space<vmem>> -> memref<128xi32, #tpu.memory_space<vmem>>
      %dma_wait3A_51 = tpu.memref_slice %arg2[%select_n3A, %run_scoped3A, %mul3A_32] : memref<2x4x2048xi32, #tpu.memory_space<hbm>> -> memref<1x1x128xi32, #tpu.memory_space<hbm>>
      %dma_wait3A_52 = tpu.memref_squeeze %dma_wait3A_51 : memref<1x1x128xi32, #tpu.memory_space<hbm>> -> memref<128xi32, #tpu.memory_space<hbm>>
      %dma_wait3A_53 = arith.constant 0 : i32
      %dma_wait3A_54 = tpu.memref_slice %arg8[%dma_wait3A_53] : memref<384xi32, #tpu.memory_space<vmem>> -> memref<128xi32, #tpu.memory_space<vmem>>
      %dma_wait3A_55 = tpu.memref_slice %arg2[%select_n3A, %run_scoped3A, %mul3A_32] : memref<2x4x2048xi32, #tpu.memory_space<hbm>> -> memref<1x1x128xi32, #tpu.memory_space<hbm>>
      %dma_wait3A_56 = tpu.memref_squeeze %dma_wait3A_55 : memref<1x1x128xi32, #tpu.memory_space<hbm>> -> memref<128xi32, #tpu.memory_space<hbm>>
      tpu.wait_dma2 semaphore(%run_scoped3A_42 : memref<!tpu.dma_semaphore, #tpu.memory_space<semaphore_mem>>) src(%dma_wait3A_56 : memref<128xi32, #tpu.memory_space<hbm>>) dst(%dma_wait3A_54 : memref<128xi32, #tpu.memory_space<vmem>>)
      tpu.yield
    }) : () -> ()
    %run_scoped3A_33 = arith.constant 1 : i32
    "tpu.region"() ({
      %run_scoped3A_42 = tpu.sem_alloc : memref<!tpu.dma_semaphore, #tpu.memory_space<semaphore_mem>>
      %dma_start3A = arith.constant 128 : i32
      %dma_start3A_43 = tpu.memref_slice %arg8[%dma_start3A] : memref<384xi32, #tpu.memory_space<vmem>> -> memref<128xi32, #tpu.memory_space<vmem>>
      %dma_start3A_44 = tpu.memref_slice %arg2[%select_n3A, %run_scoped3A_33, %mul3A_32] : memref<2x4x2048xi32, #tpu.memory_space<hbm>> -> memref<1x1x128xi32, #tpu.memory_space<hbm>>
      %dma_start3A_45 = tpu.memref_squeeze %dma_start3A_44 : memref<1x1x128xi32, #tpu.memory_space<hbm>> -> memref<128xi32, #tpu.memory_space<hbm>>
      %dma_start3A_46 = arith.constant 128 : i32
      %dma_start3A_47 = tpu.memref_slice %arg8[%dma_start3A_46] : memref<384xi32, #tpu.memory_space<vmem>> -> memref<128xi32, #tpu.memory_space<vmem>>
      %dma_start3A_48 = tpu.memref_slice %arg2[%select_n3A, %run_scoped3A_33, %mul3A_32] : memref<2x4x2048xi32, #tpu.memory_space<hbm>> -> memref<1x1x128xi32, #tpu.memory_space<hbm>>
      %dma_start3A_49 = tpu.memref_squeeze %dma_start3A_48 : memref<1x1x128xi32, #tpu.memory_space<hbm>> -> memref<128xi32, #tpu.memory_space<hbm>>
      tpu.enqueue_dma source(%dma_start3A_49 : memref<128xi32, #tpu.memory_space<hbm>>) target(%dma_start3A_47 : memref<128xi32, #tpu.memory_space<vmem>>) target_semaphore(%run_scoped3A_42 : memref<!tpu.dma_semaphore, #tpu.memory_space<semaphore_mem>>)
      %dma_wait3A = arith.constant 128 : i32
      %dma_wait3A_50 = tpu.memref_slice %arg8[%dma_wait3A] : memref<384xi32, #tpu.memory_space<vmem>> -> memref<128xi32, #tpu.memory_space<vmem>>
      %dma_wait3A_51 = tpu.memref_slice %arg2[%select_n3A, %run_scoped3A_33, %mul3A_32] : memref<2x4x2048xi32, #tpu.memory_space<hbm>> -> memref<1x1x128xi32, #tpu.memory_space<hbm>>
      %dma_wait3A_52 = tpu.memref_squeeze %dma_wait3A_51 : memref<1x1x128xi32, #tpu.memory_space<hbm>> -> memref<128xi32, #tpu.memory_space<hbm>>
      %dma_wait3A_53 = arith.constant 128 : i32
      %dma_wait3A_54 = tpu.memref_slice %arg8[%dma_wait3A_53] : memref<384xi32, #tpu.memory_space<vmem>> -> memref<128xi32, #tpu.memory_space<vmem>>
      %dma_wait3A_55 = tpu.memref_slice %arg2[%select_n3A, %run_scoped3A_33, %mul3A_32] : memref<2x4x2048xi32, #tpu.memory_space<hbm>> -> memref<1x1x128xi32, #tpu.memory_space<hbm>>
      %dma_wait3A_56 = tpu.memref_squeeze %dma_wait3A_55 : memref<1x1x128xi32, #tpu.memory_space<hbm>> -> memref<128xi32, #tpu.memory_space<hbm>>
      tpu.wait_dma2 semaphore(%run_scoped3A_42 : memref<!tpu.dma_semaphore, #tpu.memory_space<semaphore_mem>>) src(%dma_wait3A_56 : memref<128xi32, #tpu.memory_space<hbm>>) dst(%dma_wait3A_54 : memref<128xi32, #tpu.memory_space<vmem>>)
      tpu.yield
    }) : () -> ()
    %run_scoped3A_34 = arith.constant 0 : i32
    "tpu.region"() ({
      %run_scoped3A_42 = tpu.sem_alloc : memref<!tpu.dma_semaphore, #tpu.memory_space<semaphore_mem>>
      %dma_start3A = arith.constant 0 : i32
      %dma_start3A_43 = tpu.memref_slice %arg9[%dma_start3A] : memref<384xi32, #tpu.memory_space<vmem>> -> memref<128xi32, #tpu.memory_space<vmem>>
      %dma_start3A_44 = tpu.memref_slice %arg3[%select_n3A, %run_scoped3A_34, %mul3A_32] : memref<2x4x2048xi32, #tpu.memory_space<hbm>> -> memref<1x1x128xi32, #tpu.memory_space<hbm>>
      %dma_start3A_45 = tpu.memref_squeeze %dma_start3A_44 : memref<1x1x128xi32, #tpu.memory_space<hbm>> -> memref<128xi32, #tpu.memory_space<hbm>>
      %dma_start3A_46 = arith.constant 0 : i32
      %dma_start3A_47 = tpu.memref_slice %arg9[%dma_start3A_46] : memref<384xi32, #tpu.memory_space<vmem>> -> memref<128xi32, #tpu.memory_space<vmem>>
      %dma_start3A_48 = tpu.memref_slice %arg3[%select_n3A, %run_scoped3A_34, %mul3A_32] : memref<2x4x2048xi32, #tpu.memory_space<hbm>> -> memref<1x1x128xi32, #tpu.memory_space<hbm>>
      %dma_start3A_49 = tpu.memref_squeeze %dma_start3A_48 : memref<1x1x128xi32, #tpu.memory_space<hbm>> -> memref<128xi32, #tpu.memory_space<hbm>>
      tpu.enqueue_dma source(%dma_start3A_49 : memref<128xi32, #tpu.memory_space<hbm>>) target(%dma_start3A_47 : memref<128xi32, #tpu.memory_space<vmem>>) target_semaphore(%run_scoped3A_42 : memref<!tpu.dma_semaphore, #tpu.memory_space<semaphore_mem>>)
      %dma_wait3A = arith.constant 0 : i32
      %dma_wait3A_50 = tpu.memref_slice %arg9[%dma_wait3A] : memref<384xi32, #tpu.memory_space<vmem>> -> memref<128xi32, #tpu.memory_space<vmem>>
      %dma_wait3A_51 = tpu.memref_slice %arg3[%select_n3A, %run_scoped3A_34, %mul3A_32] : memref<2x4x2048xi32, #tpu.memory_space<hbm>> -> memref<1x1x128xi32, #tpu.memory_space<hbm>>
      %dma_wait3A_52 = tpu.memref_squeeze %dma_wait3A_51 : memref<1x1x128xi32, #tpu.memory_space<hbm>> -> memref<128xi32, #tpu.memory_space<hbm>>
      %dma_wait3A_53 = arith.constant 0 : i32
      %dma_wait3A_54 = tpu.memref_slice %arg9[%dma_wait3A_53] : memref<384xi32, #tpu.memory_space<vmem>> -> memref<128xi32, #tpu.memory_space<vmem>>
      %dma_wait3A_55 = tpu.memref_slice %arg3[%select_n3A, %run_scoped3A_34, %mul3A_32] : memref<2x4x2048xi32, #tpu.memory_space<hbm>> -> memref<1x1x128xi32, #tpu.memory_space<hbm>>
      %dma_wait3A_56 = tpu.memref_squeeze %dma_wait3A_55 : memref<1x1x128xi32, #tpu.memory_space<hbm>> -> memref<128xi32, #tpu.memory_space<hbm>>
      tpu.wait_dma2 semaphore(%run_scoped3A_42 : memref<!tpu.dma_semaphore, #tpu.memory_space<semaphore_mem>>) src(%dma_wait3A_56 : memref<128xi32, #tpu.memory_space<hbm>>) dst(%dma_wait3A_54 : memref<128xi32, #tpu.memory_space<vmem>>)
      tpu.yield
    }) : () -> ()
    %run_scoped3A_35 = arith.constant 1 : i32
    "tpu.region"() ({
      %run_scoped3A_42 = tpu.sem_alloc : memref<!tpu.dma_semaphore, #tpu.memory_space<semaphore_mem>>
      %dma_start3A = arith.constant 128 : i32
      %dma_start3A_43 = tpu.memref_slice %arg9[%dma_start3A] : memref<384xi32, #tpu.memory_space<vmem>> -> memref<128xi32, #tpu.memory_space<vmem>>
      %dma_start3A_44 = tpu.memref_slice %arg3[%select_n3A, %run_scoped3A_35, %mul3A_32] : memref<2x4x2048xi32, #tpu.memory_space<hbm>> -> memref<1x1x128xi32, #tpu.memory_space<hbm>>
      %dma_start3A_45 = tpu.memref_squeeze %dma_start3A_44 : memref<1x1x128xi32, #tpu.memory_space<hbm>> -> memref<128xi32, #tpu.memory_space<hbm>>
      %dma_start3A_46 = arith.constant 128 : i32
      %dma_start3A_47 = tpu.memref_slice %arg9[%dma_start3A_46] : memref<384xi32, #tpu.memory_space<vmem>> -> memref<128xi32, #tpu.memory_space<vmem>>
      %dma_start3A_48 = tpu.memref_slice %arg3[%select_n3A, %run_scoped3A_35, %mul3A_32] : memref<2x4x2048xi32, #tpu.memory_space<hbm>> -> memref<1x1x128xi32, #tpu.memory_space<hbm>>
      %dma_start3A_49 = tpu.memref_squeeze %dma_start3A_48 : memref<1x1x128xi32, #tpu.memory_space<hbm>> -> memref<128xi32, #tpu.memory_space<hbm>>
      tpu.enqueue_dma source(%dma_start3A_49 : memref<128xi32, #tpu.memory_space<hbm>>) target(%dma_start3A_47 : memref<128xi32, #tpu.memory_space<vmem>>) target_semaphore(%run_scoped3A_42 : memref<!tpu.dma_semaphore, #tpu.memory_space<semaphore_mem>>)
      %dma_wait3A = arith.constant 128 : i32
      %dma_wait3A_50 = tpu.memref_slice %arg9[%dma_wait3A] : memref<384xi32, #tpu.memory_space<vmem>> -> memref<128xi32, #tpu.memory_space<vmem>>
      %dma_wait3A_51 = tpu.memref_slice %arg3[%select_n3A, %run_scoped3A_35, %mul3A_32] : memref<2x4x2048xi32, #tpu.memory_space<hbm>> -> memref<1x1x128xi32, #tpu.memory_space<hbm>>
      %dma_wait3A_52 = tpu.memref_squeeze %dma_wait3A_51 : memref<1x1x128xi32, #tpu.memory_space<hbm>> -> memref<128xi32, #tpu.memory_space<hbm>>
      %dma_wait3A_53 = arith.constant 128 : i32
      %dma_wait3A_54 = tpu.memref_slice %arg9[%dma_wait3A_53] : memref<384xi32, #tpu.memory_space<vmem>> -> memref<128xi32, #tpu.memory_space<vmem>>
      %dma_wait3A_55 = tpu.memref_slice %arg3[%select_n3A, %run_scoped3A_35, %mul3A_32] : memref<2x4x2048xi32, #tpu.memory_space<hbm>> -> memref<1x1x128xi32, #tpu.memory_space<hbm>>
      %dma_wait3A_56 = tpu.memref_squeeze %dma_wait3A_55 : memref<1x1x128xi32, #tpu.memory_space<hbm>> -> memref<128xi32, #tpu.memory_space<hbm>>
      tpu.wait_dma2 semaphore(%run_scoped3A_42 : memref<!tpu.dma_semaphore, #tpu.memory_space<semaphore_mem>>) src(%dma_wait3A_56 : memref<128xi32, #tpu.memory_space<hbm>>) dst(%dma_wait3A_54 : memref<128xi32, #tpu.memory_space<vmem>>)
      tpu.yield
    }) : () -> ()
    %broadcast_in_dim3A = arith.constant 0 : i32
    %broadcast_in_dim3A_36 = vector.broadcast %broadcast_in_dim3A : i32 to vector<16xi32>
    %scan3A = arith.constant 0 : i32
    %scan3A_37 = arith.constant 0 : i32
    %scan3A_38 = arith.constant 128 : i32
    %scan3A_39 = arith.addi %scan3A_37, %scan3A_38 : i32
    %scan3A_40 = arith.constant 1 : i32
    scf.for %scan3A_42 = %scan3A_37 to %scan3A_39 step %scan3A_40  : i32 {
      %get3A = arith.index_cast %scan3A_42 : i32 to index
      %get3A_43 = tpu.vector_load %arg8[%get3A] {strides = array<i32>} : memref<384xi32, #tpu.memory_space<vmem>>, vector<16xi32>,
      %slice3A = vector.extract_strided_slice %get3A_43 {offsets = [0], sizes = [1], strides = [1]} : vector<16xi32> to vector<1xi32>
      %squeeze3A = vector.extract %slice3A[0] : i32 from vector<1xi32>
      %add3A_44 = vector.broadcast %squeeze3A : i32 to vector<16xi32>
      %add3A_45 = arith.addi %broadcast_in_dim3A_36, %add3A_44 : vector<16xi32>
      %add3A_46 = arith.constant 128 : i32
      %add3A_47 = arith.addi %add3A_46, %scan3A_42 : i32
      %get3A_48 = arith.index_cast %add3A_47 : i32 to index
      %get3A_49 = tpu.vector_load %arg8[%get3A_48] {strides = array<i32>} : memref<384xi32, #tpu.memory_space<vmem>>, vector<16xi32>,
      %slice3A_50 = vector.extract_strided_slice %get3A_49 {offsets = [0], sizes = [1], strides = [1]} : vector<16xi32> to vector<1xi32>
      %squeeze3A_51 = vector.extract %slice3A_50[0] : i32 from vector<1xi32>
      %add3A_52 = vector.broadcast %squeeze3A_51 : i32 to vector<16xi32>
      %add3A_53 = arith.addi %broadcast_in_dim3A_36, %add3A_52 : vector<16xi32>
      %scan3A_54 = arith.constant 0 : i32
      %scan3A_55 = arith.constant 8 : i32
      %scan3A_56 = arith.addi %scan3A_54, %scan3A_55 : i32
      %scan3A_57 = arith.constant 1 : i32
      %scan3A_58 = scf.for %scan3A_68 = %scan3A_54 to %scan3A_56 step %scan3A_57 iter_args(%scan3A_69 = %broadcast_in_dim3A_36) -> (vector<16xi32>)  : i32 {
        %mul3A_70 = arith.constant 16 : i32
        %mul3A_71 = arith.muli %scan3A_68, %mul3A_70 : i32
        %add3A_72 = arith.constant 0 : i32
        %add3A_73 = arith.addi %mul3A_71, %add3A_72 : i32
        %mul3A_74 = arith.constant 16 : i32
        %mul3A_75 = arith.muli %add3A_73, %mul3A_74 : i32
        %get3A_76 = arith.constant 0 : i32
        %get3A_77 = arith.index_cast %get3A_76 : i32 to index
        %get3A_78 = arith.index_cast %mul3A_75 : i32 to index
        %get3A_79 = tpu.vector_load %arg6[%get3A_77, %get3A_78] {strides = array<i32>} : memref<2x2048xi32, #tpu.memory_space<vmem>>, vector<16xi32>,
        %eq3A_80 = arith.cmpi eq, %get3A_79, %add3A_45 : vector<16xi32>
        %get3A_81 = arith.constant 1 : i32
        %get3A_82 = arith.index_cast %get3A_81 : i32 to index
        %get3A_83 = arith.index_cast %mul3A_75 : i32 to index
        %get3A_84 = tpu.vector_load %arg6[%get3A_82, %get3A_83] {strides = array<i32>} : memref<2x2048xi32, #tpu.memory_space<vmem>>, vector<16xi32>,
        %eq3A_85 = arith.cmpi eq, %get3A_84, %add3A_53 : vector<16xi32>
        %or3A = arith.ori %eq3A_80, %eq3A_85 : vector<16xi1>
        %jit3A_86 = arith.constant 1 : i32
        %jit3A_87 = arith.constant 0 : i32
        %broadcast_in_dim3A_88 = vector.broadcast %jit3A_86 : i32 to vector<16xi32>
        %broadcast_in_dim3A_89 = vector.broadcast %jit3A_87 : i32 to vector<16xi32>
        %select_n3A_90 = arith.select %or3A, %broadcast_in_dim3A_88, %broadcast_in_dim3A_89 : vector<16xi1>, vector<16xi32>
        %or3A_91 = arith.ori %scan3A_69, %select_n3A_90 : vector<16xi32>
        %mul3A_92 = arith.constant 16 : i32
        %mul3A_93 = arith.muli %scan3A_68, %mul3A_92 : i32
        %add3A_94 = arith.constant 1 : i32
        %add3A_95 = arith.addi %mul3A_93, %add3A_94 : i32
        %mul3A_96 = arith.constant 16 : i32
        %mul3A_97 = arith.muli %add3A_95, %mul3A_96 : i32
        %get3A_98 = arith.constant 0 : i32
        %get3A_99 = arith.index_cast %get3A_98 : i32 to index
        %get3A_100 = arith.index_cast %mul3A_97 : i32 to index
        %get3A_101 = tpu.vector_load %arg6[%get3A_99, %get3A_100] {strides = array<i32>} : memref<2x2048xi32, #tpu.memory_space<vmem>>, vector<16xi32>,
        %eq3A_102 = arith.cmpi eq, %get3A_101, %add3A_45 : vector<16xi32>
        %get3A_103 = arith.constant 1 : i32
        %get3A_104 = arith.index_cast %get3A_103 : i32 to index
        %get3A_105 = arith.index_cast %mul3A_97 : i32 to index
        %get3A_106 = tpu.vector_load %arg6[%get3A_104, %get3A_105] {strides = array<i32>} : memref<2x2048xi32, #tpu.memory_space<vmem>>, vector<16xi32>,
        %eq3A_107 = arith.cmpi eq, %get3A_106, %add3A_53 : vector<16xi32>
        %or3A_108 = arith.ori %eq3A_102, %eq3A_107 : vector<16xi1>
        %jit3A_109 = arith.constant 1 : i32
        %jit3A_110 = arith.constant 0 : i32
        %broadcast_in_dim3A_111 = vector.broadcast %jit3A_109 : i32 to vector<16xi32>
        %broadcast_in_dim3A_112 = vector.broadcast %jit3A_110 : i32 to vector<16xi32>
        %select_n3A_113 = arith.select %or3A_108, %broadcast_in_dim3A_111, %broadcast_in_dim3A_112 : vector<16xi1>, vector<16xi32>
        %or3A_114 = arith.ori %or3A_91, %select_n3A_113 : vector<16xi32>
        %mul3A_115 = arith.constant 16 : i32
        %mul3A_116 = arith.muli %scan3A_68, %mul3A_115 : i32
        %add3A_117 = arith.constant 2 : i32
        %add3A_118 = arith.addi %mul3A_116, %add3A_117 : i32
        %mul3A_119 = arith.constant 16 : i32
        %mul3A_120 = arith.muli %add3A_118, %mul3A_119 : i32
        %get3A_121 = arith.constant 0 : i32
        %get3A_122 = arith.index_cast %get3A_121 : i32 to index
        %get3A_123 = arith.index_cast %mul3A_120 : i32 to index
        %get3A_124 = tpu.vector_load %arg6[%get3A_122, %get3A_123] {strides = array<i32>} : memref<2x2048xi32, #tpu.memory_space<vmem>>, vector<16xi32>,
        %eq3A_125 = arith.cmpi eq, %get3A_124, %add3A_45 : vector<16xi32>
        %get3A_126 = arith.constant 1 : i32
        %get3A_127 = arith.index_cast %get3A_126 : i32 to index
        %get3A_128 = arith.index_cast %mul3A_120 : i32 to index
        %get3A_129 = tpu.vector_load %arg6[%get3A_127, %get3A_128] {strides = array<i32>} : memref<2x2048xi32, #tpu.memory_space<vmem>>, vector<16xi32>,
        %eq3A_130 = arith.cmpi eq, %get3A_129, %add3A_53 : vector<16xi32>
        %or3A_131 = arith.ori %eq3A_125, %eq3A_130 : vector<16xi1>
        %jit3A_132 = arith.constant 1 : i32
        %jit3A_133 = arith.constant 0 : i32
        %broadcast_in_dim3A_134 = vector.broadcast %jit3A_132 : i32 to vector<16xi32>
        %broadcast_in_dim3A_135 = vector.broadcast %jit3A_133 : i32 to vector<16xi32>
        %select_n3A_136 = arith.select %or3A_131, %broadcast_in_dim3A_134, %broadcast_in_dim3A_135 : vector<16xi1>, vector<16xi32>
        %or3A_137 = arith.ori %or3A_114, %select_n3A_136 : vector<16xi32>
        %mul3A_138 = arith.constant 16 : i32
        %mul3A_139 = arith.muli %scan3A_68, %mul3A_138 : i32
        %add3A_140 = arith.constant 3 : i32
        %add3A_141 = arith.addi %mul3A_139, %add3A_140 : i32
        %mul3A_142 = arith.constant 16 : i32
        %mul3A_143 = arith.muli %add3A_141, %mul3A_142 : i32
        %get3A_144 = arith.constant 0 : i32
        %get3A_145 = arith.index_cast %get3A_144 : i32 to index
        %get3A_146 = arith.index_cast %mul3A_143 : i32 to index
        %get3A_147 = tpu.vector_load %arg6[%get3A_145, %get3A_146] {strides = array<i32>} : memref<2x2048xi32, #tpu.memory_space<vmem>>, vector<16xi32>,
        %eq3A_148 = arith.cmpi eq, %get3A_147, %add3A_45 : vector<16xi32>
        %get3A_149 = arith.constant 1 : i32
        %get3A_150 = arith.index_cast %get3A_149 : i32 to index
        %get3A_151 = arith.index_cast %mul3A_143 : i32 to index
        %get3A_152 = tpu.vector_load %arg6[%get3A_150, %get3A_151] {strides = array<i32>} : memref<2x2048xi32, #tpu.memory_space<vmem>>, vector<16xi32>,
        %eq3A_153 = arith.cmpi eq, %get3A_152, %add3A_53 : vector<16xi32>
        %or3A_154 = arith.ori %eq3A_148, %eq3A_153 : vector<16xi1>
        %jit3A_155 = arith.constant 1 : i32
        %jit3A_156 = arith.constant 0 : i32
        %broadcast_in_dim3A_157 = vector.broadcast %jit3A_155 : i32 to vector<16xi32>
        %broadcast_in_dim3A_158 = vector.broadcast %jit3A_156 : i32 to vector<16xi32>
        %select_n3A_159 = arith.select %or3A_154, %broadcast_in_dim3A_157, %broadcast_in_dim3A_158 : vector<16xi1>, vector<16xi32>
        %or3A_160 = arith.ori %or3A_137, %select_n3A_159 : vector<16xi32>
        %mul3A_161 = arith.constant 16 : i32
        %mul3A_162 = arith.muli %scan3A_68, %mul3A_161 : i32
        %add3A_163 = arith.constant 4 : i32
        %add3A_164 = arith.addi %mul3A_162, %add3A_163 : i32
        %mul3A_165 = arith.constant 16 : i32
        %mul3A_166 = arith.muli %add3A_164, %mul3A_165 : i32
        %get3A_167 = arith.constant 0 : i32
        %get3A_168 = arith.index_cast %get3A_167 : i32 to index
        %get3A_169 = arith.index_cast %mul3A_166 : i32 to index
        %get3A_170 = tpu.vector_load %arg6[%get3A_168, %get3A_169] {strides = array<i32>} : memref<2x2048xi32, #tpu.memory_space<vmem>>, vector<16xi32>,
        %eq3A_171 = arith.cmpi eq, %get3A_170, %add3A_45 : vector<16xi32>
        %get3A_172 = arith.constant 1 : i32
        %get3A_173 = arith.index_cast %get3A_172 : i32 to index
        %get3A_174 = arith.index_cast %mul3A_166 : i32 to index
        %get3A_175 = tpu.vector_load %arg6[%get3A_173, %get3A_174] {strides = array<i32>} : memref<2x2048xi32, #tpu.memory_space<vmem>>, vector<16xi32>,
        %eq3A_176 = arith.cmpi eq, %get3A_175, %add3A_53 : vector<16xi32>
        %or3A_177 = arith.ori %eq3A_171, %eq3A_176 : vector<16xi1>
        %jit3A_178 = arith.constant 1 : i32
        %jit3A_179 = arith.constant 0 : i32
        %broadcast_in_dim3A_180 = vector.broadcast %jit3A_178 : i32 to vector<16xi32>
        %broadcast_in_dim3A_181 = vector.broadcast %jit3A_179 : i32 to vector<16xi32>
        %select_n3A_182 = arith.select %or3A_177, %broadcast_in_dim3A_180, %broadcast_in_dim3A_181 : vector<16xi1>, vector<16xi32>
        %or3A_183 = arith.ori %or3A_160, %select_n3A_182 : vector<16xi32>
        %mul3A_184 = arith.constant 16 : i32
        %mul3A_185 = arith.muli %scan3A_68, %mul3A_184 : i32
        %add3A_186 = arith.constant 5 : i32
        %add3A_187 = arith.addi %mul3A_185, %add3A_186 : i32
        %mul3A_188 = arith.constant 16 : i32
        %mul3A_189 = arith.muli %add3A_187, %mul3A_188 : i32
        %get3A_190 = arith.constant 0 : i32
        %get3A_191 = arith.index_cast %get3A_190 : i32 to index
        %get3A_192 = arith.index_cast %mul3A_189 : i32 to index
        %get3A_193 = tpu.vector_load %arg6[%get3A_191, %get3A_192] {strides = array<i32>} : memref<2x2048xi32, #tpu.memory_space<vmem>>, vector<16xi32>,
        %eq3A_194 = arith.cmpi eq, %get3A_193, %add3A_45 : vector<16xi32>
        %get3A_195 = arith.constant 1 : i32
        %get3A_196 = arith.index_cast %get3A_195 : i32 to index
        %get3A_197 = arith.index_cast %mul3A_189 : i32 to index
        %get3A_198 = tpu.vector_load %arg6[%get3A_196, %get3A_197] {strides = array<i32>} : memref<2x2048xi32, #tpu.memory_space<vmem>>, vector<16xi32>,
        %eq3A_199 = arith.cmpi eq, %get3A_198, %add3A_53 : vector<16xi32>
        %or3A_200 = arith.ori %eq3A_194, %eq3A_199 : vector<16xi1>
        %jit3A_201 = arith.constant 1 : i32
        %jit3A_202 = arith.constant 0 : i32
        %broadcast_in_dim3A_203 = vector.broadcast %jit3A_201 : i32 to vector<16xi32>
        %broadcast_in_dim3A_204 = vector.broadcast %jit3A_202 : i32 to vector<16xi32>
        %select_n3A_205 = arith.select %or3A_200, %broadcast_in_dim3A_203, %broadcast_in_dim3A_204 : vector<16xi1>, vector<16xi32>
        %or3A_206 = arith.ori %or3A_183, %select_n3A_205 : vector<16xi32>
        %mul3A_207 = arith.constant 16 : i32
        %mul3A_208 = arith.muli %scan3A_68, %mul3A_207 : i32
        %add3A_209 = arith.constant 6 : i32
        %add3A_210 = arith.addi %mul3A_208, %add3A_209 : i32
        %mul3A_211 = arith.constant 16 : i32
        %mul3A_212 = arith.muli %add3A_210, %mul3A_211 : i32
        %get3A_213 = arith.constant 0 : i32
        %get3A_214 = arith.index_cast %get3A_213 : i32 to index
        %get3A_215 = arith.index_cast %mul3A_212 : i32 to index
        %get3A_216 = tpu.vector_load %arg6[%get3A_214, %get3A_215] {strides = array<i32>} : memref<2x2048xi32, #tpu.memory_space<vmem>>, vector<16xi32>,
        %eq3A_217 = arith.cmpi eq, %get3A_216, %add3A_45 : vector<16xi32>
        %get3A_218 = arith.constant 1 : i32
        %get3A_219 = arith.index_cast %get3A_218 : i32 to index
        %get3A_220 = arith.index_cast %mul3A_212 : i32 to index
        %get3A_221 = tpu.vector_load %arg6[%get3A_219, %get3A_220] {strides = array<i32>} : memref<2x2048xi32, #tpu.memory_space<vmem>>, vector<16xi32>,
        %eq3A_222 = arith.cmpi eq, %get3A_221, %add3A_53 : vector<16xi32>
        %or3A_223 = arith.ori %eq3A_217, %eq3A_222 : vector<16xi1>
        %jit3A_224 = arith.constant 1 : i32
        %jit3A_225 = arith.constant 0 : i32
        %broadcast_in_dim3A_226 = vector.broadcast %jit3A_224 : i32 to vector<16xi32>
        %broadcast_in_dim3A_227 = vector.broadcast %jit3A_225 : i32 to vector<16xi32>
        %select_n3A_228 = arith.select %or3A_223, %broadcast_in_dim3A_226, %broadcast_in_dim3A_227 : vector<16xi1>, vector<16xi32>
        %or3A_229 = arith.ori %or3A_206, %select_n3A_228 : vector<16xi32>
        %mul3A_230 = arith.constant 16 : i32
        %mul3A_231 = arith.muli %scan3A_68, %mul3A_230 : i32
        %add3A_232 = arith.constant 7 : i32
        %add3A_233 = arith.addi %mul3A_231, %add3A_232 : i32
        %mul3A_234 = arith.constant 16 : i32
        %mul3A_235 = arith.muli %add3A_233, %mul3A_234 : i32
        %get3A_236 = arith.constant 0 : i32
        %get3A_237 = arith.index_cast %get3A_236 : i32 to index
        %get3A_238 = arith.index_cast %mul3A_235 : i32 to index
        %get3A_239 = tpu.vector_load %arg6[%get3A_237, %get3A_238] {strides = array<i32>} : memref<2x2048xi32, #tpu.memory_space<vmem>>, vector<16xi32>,
        %eq3A_240 = arith.cmpi eq, %get3A_239, %add3A_45 : vector<16xi32>
        %get3A_241 = arith.constant 1 : i32
        %get3A_242 = arith.index_cast %get3A_241 : i32 to index
        %get3A_243 = arith.index_cast %mul3A_235 : i32 to index
        %get3A_244 = tpu.vector_load %arg6[%get3A_242, %get3A_243] {strides = array<i32>} : memref<2x2048xi32, #tpu.memory_space<vmem>>, vector<16xi32>,
        %eq3A_245 = arith.cmpi eq, %get3A_244, %add3A_53 : vector<16xi32>
        %or3A_246 = arith.ori %eq3A_240, %eq3A_245 : vector<16xi1>
        %jit3A_247 = arith.constant 1 : i32
        %jit3A_248 = arith.constant 0 : i32
        %broadcast_in_dim3A_249 = vector.broadcast %jit3A_247 : i32 to vector<16xi32>
        %broadcast_in_dim3A_250 = vector.broadcast %jit3A_248 : i32 to vector<16xi32>
        %select_n3A_251 = arith.select %or3A_246, %broadcast_in_dim3A_249, %broadcast_in_dim3A_250 : vector<16xi1>, vector<16xi32>
        %or3A_252 = arith.ori %or3A_229, %select_n3A_251 : vector<16xi32>
        %mul3A_253 = arith.constant 16 : i32
        %mul3A_254 = arith.muli %scan3A_68, %mul3A_253 : i32
        %add3A_255 = arith.constant 8 : i32
        %add3A_256 = arith.addi %mul3A_254, %add3A_255 : i32
        %mul3A_257 = arith.constant 16 : i32
        %mul3A_258 = arith.muli %add3A_256, %mul3A_257 : i32
        %get3A_259 = arith.constant 0 : i32
        %get3A_260 = arith.index_cast %get3A_259 : i32 to index
        %get3A_261 = arith.index_cast %mul3A_258 : i32 to index
        %get3A_262 = tpu.vector_load %arg6[%get3A_260, %get3A_261] {strides = array<i32>} : memref<2x2048xi32, #tpu.memory_space<vmem>>, vector<16xi32>,
        %eq3A_263 = arith.cmpi eq, %get3A_262, %add3A_45 : vector<16xi32>
        %get3A_264 = arith.constant 1 : i32
        %get3A_265 = arith.index_cast %get3A_264 : i32 to index
        %get3A_266 = arith.index_cast %mul3A_258 : i32 to index
        %get3A_267 = tpu.vector_load %arg6[%get3A_265, %get3A_266] {strides = array<i32>} : memref<2x2048xi32, #tpu.memory_space<vmem>>, vector<16xi32>,
        %eq3A_268 = arith.cmpi eq, %get3A_267, %add3A_53 : vector<16xi32>
        %or3A_269 = arith.ori %eq3A_263, %eq3A_268 : vector<16xi1>
        %jit3A_270 = arith.constant 1 : i32
        %jit3A_271 = arith.constant 0 : i32
        %broadcast_in_dim3A_272 = vector.broadcast %jit3A_270 : i32 to vector<16xi32>
        %broadcast_in_dim3A_273 = vector.broadcast %jit3A_271 : i32 to vector<16xi32>
        %select_n3A_274 = arith.select %or3A_269, %broadcast_in_dim3A_272, %broadcast_in_dim3A_273 : vector<16xi1>, vector<16xi32>
        %or3A_275 = arith.ori %or3A_252, %select_n3A_274 : vector<16xi32>
        %mul3A_276 = arith.constant 16 : i32
        %mul3A_277 = arith.muli %scan3A_68, %mul3A_276 : i32
        %add3A_278 = arith.constant 9 : i32
        %add3A_279 = arith.addi %mul3A_277, %add3A_278 : i32
        %mul3A_280 = arith.constant 16 : i32
        %mul3A_281 = arith.muli %add3A_279, %mul3A_280 : i32
        %get3A_282 = arith.constant 0 : i32
        %get3A_283 = arith.index_cast %get3A_282 : i32 to index
        %get3A_284 = arith.index_cast %mul3A_281 : i32 to index
        %get3A_285 = tpu.vector_load %arg6[%get3A_283, %get3A_284] {strides = array<i32>} : memref<2x2048xi32, #tpu.memory_space<vmem>>, vector<16xi32>,
        %eq3A_286 = arith.cmpi eq, %get3A_285, %add3A_45 : vector<16xi32>
        %get3A_287 = arith.constant 1 : i32
        %get3A_288 = arith.index_cast %get3A_287 : i32 to index
        %get3A_289 = arith.index_cast %mul3A_281 : i32 to index
        %get3A_290 = tpu.vector_load %arg6[%get3A_288, %get3A_289] {strides = array<i32>} : memref<2x2048xi32, #tpu.memory_space<vmem>>, vector<16xi32>,
        %eq3A_291 = arith.cmpi eq, %get3A_290, %add3A_53 : vector<16xi32>
        %or3A_292 = arith.ori %eq3A_286, %eq3A_291 : vector<16xi1>
        %jit3A_293 = arith.constant 1 : i32
        %jit3A_294 = arith.constant 0 : i32
        %broadcast_in_dim3A_295 = vector.broadcast %jit3A_293 : i32 to vector<16xi32>
        %broadcast_in_dim3A_296 = vector.broadcast %jit3A_294 : i32 to vector<16xi32>
        %select_n3A_297 = arith.select %or3A_292, %broadcast_in_dim3A_295, %broadcast_in_dim3A_296 : vector<16xi1>, vector<16xi32>
        %or3A_298 = arith.ori %or3A_275, %select_n3A_297 : vector<16xi32>
        %mul3A_299 = arith.constant 16 : i32
        %mul3A_300 = arith.muli %scan3A_68, %mul3A_299 : i32
        %add3A_301 = arith.constant 10 : i32
        %add3A_302 = arith.addi %mul3A_300, %add3A_301 : i32
        %mul3A_303 = arith.constant 16 : i32
        %mul3A_304 = arith.muli %add3A_302, %mul3A_303 : i32
        %get3A_305 = arith.constant 0 : i32
        %get3A_306 = arith.index_cast %get3A_305 : i32 to index
        %get3A_307 = arith.index_cast %mul3A_304 : i32 to index
        %get3A_308 = tpu.vector_load %arg6[%get3A_306, %get3A_307] {strides = array<i32>} : memref<2x2048xi32, #tpu.memory_space<vmem>>, vector<16xi32>,
        %eq3A_309 = arith.cmpi eq, %get3A_308, %add3A_45 : vector<16xi32>
        %get3A_310 = arith.constant 1 : i32
        %get3A_311 = arith.index_cast %get3A_310 : i32 to index
        %get3A_312 = arith.index_cast %mul3A_304 : i32 to index
        %get3A_313 = tpu.vector_load %arg6[%get3A_311, %get3A_312] {strides = array<i32>} : memref<2x2048xi32, #tpu.memory_space<vmem>>, vector<16xi32>,
        %eq3A_314 = arith.cmpi eq, %get3A_313, %add3A_53 : vector<16xi32>
        %or3A_315 = arith.ori %eq3A_309, %eq3A_314 : vector<16xi1>
        %jit3A_316 = arith.constant 1 : i32
        %jit3A_317 = arith.constant 0 : i32
        %broadcast_in_dim3A_318 = vector.broadcast %jit3A_316 : i32 to vector<16xi32>
        %broadcast_in_dim3A_319 = vector.broadcast %jit3A_317 : i32 to vector<16xi32>
        %select_n3A_320 = arith.select %or3A_315, %broadcast_in_dim3A_318, %broadcast_in_dim3A_319 : vector<16xi1>, vector<16xi32>
        %or3A_321 = arith.ori %or3A_298, %select_n3A_320 : vector<16xi32>
        %mul3A_322 = arith.constant 16 : i32
        %mul3A_323 = arith.muli %scan3A_68, %mul3A_322 : i32
        %add3A_324 = arith.constant 11 : i32
        %add3A_325 = arith.addi %mul3A_323, %add3A_324 : i32
        %mul3A_326 = arith.constant 16 : i32
        %mul3A_327 = arith.muli %add3A_325, %mul3A_326 : i32
        %get3A_328 = arith.constant 0 : i32
        %get3A_329 = arith.index_cast %get3A_328 : i32 to index
        %get3A_330 = arith.index_cast %mul3A_327 : i32 to index
        %get3A_331 = tpu.vector_load %arg6[%get3A_329, %get3A_330] {strides = array<i32>} : memref<2x2048xi32, #tpu.memory_space<vmem>>, vector<16xi32>,
        %eq3A_332 = arith.cmpi eq, %get3A_331, %add3A_45 : vector<16xi32>
        %get3A_333 = arith.constant 1 : i32
        %get3A_334 = arith.index_cast %get3A_333 : i32 to index
        %get3A_335 = arith.index_cast %mul3A_327 : i32 to index
        %get3A_336 = tpu.vector_load %arg6[%get3A_334, %get3A_335] {strides = array<i32>} : memref<2x2048xi32, #tpu.memory_space<vmem>>, vector<16xi32>,
        %eq3A_337 = arith.cmpi eq, %get3A_336, %add3A_53 : vector<16xi32>
        %or3A_338 = arith.ori %eq3A_332, %eq3A_337 : vector<16xi1>
        %jit3A_339 = arith.constant 1 : i32
        %jit3A_340 = arith.constant 0 : i32
        %broadcast_in_dim3A_341 = vector.broadcast %jit3A_339 : i32 to vector<16xi32>
        %broadcast_in_dim3A_342 = vector.broadcast %jit3A_340 : i32 to vector<16xi32>
        %select_n3A_343 = arith.select %or3A_338, %broadcast_in_dim3A_341, %broadcast_in_dim3A_342 : vector<16xi1>, vector<16xi32>
        %or3A_344 = arith.ori %or3A_321, %select_n3A_343 : vector<16xi32>
        %mul3A_345 = arith.constant 16 : i32
        %mul3A_346 = arith.muli %scan3A_68, %mul3A_345 : i32
        %add3A_347 = arith.constant 12 : i32
        %add3A_348 = arith.addi %mul3A_346, %add3A_347 : i32
        %mul3A_349 = arith.constant 16 : i32
        %mul3A_350 = arith.muli %add3A_348, %mul3A_349 : i32
        %get3A_351 = arith.constant 0 : i32
        %get3A_352 = arith.index_cast %get3A_351 : i32 to index
        %get3A_353 = arith.index_cast %mul3A_350 : i32 to index
        %get3A_354 = tpu.vector_load %arg6[%get3A_352, %get3A_353] {strides = array<i32>} : memref<2x2048xi32, #tpu.memory_space<vmem>>, vector<16xi32>,
        %eq3A_355 = arith.cmpi eq, %get3A_354, %add3A_45 : vector<16xi32>
        %get3A_356 = arith.constant 1 : i32
        %get3A_357 = arith.index_cast %get3A_356 : i32 to index
        %get3A_358 = arith.index_cast %mul3A_350 : i32 to index
        %get3A_359 = tpu.vector_load %arg6[%get3A_357, %get3A_358] {strides = array<i32>} : memref<2x2048xi32, #tpu.memory_space<vmem>>, vector<16xi32>,
        %eq3A_360 = arith.cmpi eq, %get3A_359, %add3A_53 : vector<16xi32>
        %or3A_361 = arith.ori %eq3A_355, %eq3A_360 : vector<16xi1>
        %jit3A_362 = arith.constant 1 : i32
        %jit3A_363 = arith.constant 0 : i32
        %broadcast_in_dim3A_364 = vector.broadcast %jit3A_362 : i32 to vector<16xi32>
        %broadcast_in_dim3A_365 = vector.broadcast %jit3A_363 : i32 to vector<16xi32>
        %select_n3A_366 = arith.select %or3A_361, %broadcast_in_dim3A_364, %broadcast_in_dim3A_365 : vector<16xi1>, vector<16xi32>
        %or3A_367 = arith.ori %or3A_344, %select_n3A_366 : vector<16xi32>
        %mul3A_368 = arith.constant 16 : i32
        %mul3A_369 = arith.muli %scan3A_68, %mul3A_368 : i32
        %add3A_370 = arith.constant 13 : i32
        %add3A_371 = arith.addi %mul3A_369, %add3A_370 : i32
        %mul3A_372 = arith.constant 16 : i32
        %mul3A_373 = arith.muli %add3A_371, %mul3A_372 : i32
        %get3A_374 = arith.constant 0 : i32
        %get3A_375 = arith.index_cast %get3A_374 : i32 to index
        %get3A_376 = arith.index_cast %mul3A_373 : i32 to index
        %get3A_377 = tpu.vector_load %arg6[%get3A_375, %get3A_376] {strides = array<i32>} : memref<2x2048xi32, #tpu.memory_space<vmem>>, vector<16xi32>,
        %eq3A_378 = arith.cmpi eq, %get3A_377, %add3A_45 : vector<16xi32>
        %get3A_379 = arith.constant 1 : i32
        %get3A_380 = arith.index_cast %get3A_379 : i32 to index
        %get3A_381 = arith.index_cast %mul3A_373 : i32 to index
        %get3A_382 = tpu.vector_load %arg6[%get3A_380, %get3A_381] {strides = array<i32>} : memref<2x2048xi32, #tpu.memory_space<vmem>>, vector<16xi32>,
        %eq3A_383 = arith.cmpi eq, %get3A_382, %add3A_53 : vector<16xi32>
        %or3A_384 = arith.ori %eq3A_378, %eq3A_383 : vector<16xi1>
        %jit3A_385 = arith.constant 1 : i32
        %jit3A_386 = arith.constant 0 : i32
        %broadcast_in_dim3A_387 = vector.broadcast %jit3A_385 : i32 to vector<16xi32>
        %broadcast_in_dim3A_388 = vector.broadcast %jit3A_386 : i32 to vector<16xi32>
        %select_n3A_389 = arith.select %or3A_384, %broadcast_in_dim3A_387, %broadcast_in_dim3A_388 : vector<16xi1>, vector<16xi32>
        %or3A_390 = arith.ori %or3A_367, %select_n3A_389 : vector<16xi32>
        %mul3A_391 = arith.constant 16 : i32
        %mul3A_392 = arith.muli %scan3A_68, %mul3A_391 : i32
        %add3A_393 = arith.constant 14 : i32
        %add3A_394 = arith.addi %mul3A_392, %add3A_393 : i32
        %mul3A_395 = arith.constant 16 : i32
        %mul3A_396 = arith.muli %add3A_394, %mul3A_395 : i32
        %get3A_397 = arith.constant 0 : i32
        %get3A_398 = arith.index_cast %get3A_397 : i32 to index
        %get3A_399 = arith.index_cast %mul3A_396 : i32 to index
        %get3A_400 = tpu.vector_load %arg6[%get3A_398, %get3A_399] {strides = array<i32>} : memref<2x2048xi32, #tpu.memory_space<vmem>>, vector<16xi32>,
        %eq3A_401 = arith.cmpi eq, %get3A_400, %add3A_45 : vector<16xi32>
        %get3A_402 = arith.constant 1 : i32
        %get3A_403 = arith.index_cast %get3A_402 : i32 to index
        %get3A_404 = arith.index_cast %mul3A_396 : i32 to index
        %get3A_405 = tpu.vector_load %arg6[%get3A_403, %get3A_404] {strides = array<i32>} : memref<2x2048xi32, #tpu.memory_space<vmem>>, vector<16xi32>,
        %eq3A_406 = arith.cmpi eq, %get3A_405, %add3A_53 : vector<16xi32>
        %or3A_407 = arith.ori %eq3A_401, %eq3A_406 : vector<16xi1>
        %jit3A_408 = arith.constant 1 : i32
        %jit3A_409 = arith.constant 0 : i32
        %broadcast_in_dim3A_410 = vector.broadcast %jit3A_408 : i32 to vector<16xi32>
        %broadcast_in_dim3A_411 = vector.broadcast %jit3A_409 : i32 to vector<16xi32>
        %select_n3A_412 = arith.select %or3A_407, %broadcast_in_dim3A_410, %broadcast_in_dim3A_411 : vector<16xi1>, vector<16xi32>
        %or3A_413 = arith.ori %or3A_390, %select_n3A_412 : vector<16xi32>
        %mul3A_414 = arith.constant 16 : i32
        %mul3A_415 = arith.muli %scan3A_68, %mul3A_414 : i32
        %add3A_416 = arith.constant 15 : i32
        %add3A_417 = arith.addi %mul3A_415, %add3A_416 : i32
        %mul3A_418 = arith.constant 16 : i32
        %mul3A_419 = arith.muli %add3A_417, %mul3A_418 : i32
        %get3A_420 = arith.constant 0 : i32
        %get3A_421 = arith.index_cast %get3A_420 : i32 to index
        %get3A_422 = arith.index_cast %mul3A_419 : i32 to index
        %get3A_423 = tpu.vector_load %arg6[%get3A_421, %get3A_422] {strides = array<i32>} : memref<2x2048xi32, #tpu.memory_space<vmem>>, vector<16xi32>,
        %eq3A_424 = arith.cmpi eq, %get3A_423, %add3A_45 : vector<16xi32>
        %get3A_425 = arith.constant 1 : i32
        %get3A_426 = arith.index_cast %get3A_425 : i32 to index
        %get3A_427 = arith.index_cast %mul3A_419 : i32 to index
        %get3A_428 = tpu.vector_load %arg6[%get3A_426, %get3A_427] {strides = array<i32>} : memref<2x2048xi32, #tpu.memory_space<vmem>>, vector<16xi32>,
        %eq3A_429 = arith.cmpi eq, %get3A_428, %add3A_53 : vector<16xi32>
        %or3A_430 = arith.ori %eq3A_424, %eq3A_429 : vector<16xi1>
        %jit3A_431 = arith.constant 1 : i32
        %jit3A_432 = arith.constant 0 : i32
        %broadcast_in_dim3A_433 = vector.broadcast %jit3A_431 : i32 to vector<16xi32>
        %broadcast_in_dim3A_434 = vector.broadcast %jit3A_432 : i32 to vector<16xi32>
        %select_n3A_435 = arith.select %or3A_430, %broadcast_in_dim3A_433, %broadcast_in_dim3A_434 : vector<16xi1>, vector<16xi32>
        %or3A_436 = arith.ori %or3A_413, %select_n3A_435 : vector<16xi32>
        scf.yield %or3A_436 : vector<16xi32>
      }
      %scan3A_59 = arith.constant 8 : i32
      %reduce_sum3A = arith.constant true
      %reduce_sum3A_60 = vector.broadcast %reduce_sum3A : i1 to vector<16xi1>
      %reduce_sum3A_61 = tpu.scan <sum>, %scan3A_58 masked %reduce_sum3A_60 : vector<16xi32>, vector<16xi1> -> vector<16xi32>
      %reduce_sum3A_62 = vector.extract %reduce_sum3A_61[15] : i32 from vector<16xi32>
      %add3A_63 = vector.broadcast %reduce_sum3A_62 : i32 to vector<16xi32>
      %add3A_64 = arith.addi %broadcast_in_dim3A_36, %add3A_63 : vector<16xi32>
      %swap3A = arith.index_cast %scan3A_42 : i32 to index
      %swap3A_65 = tpu.vector_load %arg10[%swap3A] {strides = array<i32>} : memref<256xi32, #tpu.memory_space<vmem>>, vector<16xi32>,
      tpu.vector_store %arg10[%swap3A], %add3A_64 {strides = array<i32>} : memref<256xi32, #tpu.memory_space<vmem>>, vector<16xi32>,
      %gt3A = arith.constant 0 : i32
      %gt3A_66 = arith.cmpi sgt, %reduce_sum3A_62, %gt3A : i32
      %convert_element_type3A = arith.extui %gt3A_66 : i1 to i32
      %cond3A = arith.constant 0 : i32
      %cond3A_67 = arith.cmpi ne, %convert_element_type3A, %cond3A : i32
      scf.if %cond3A_67 {
        %get3A_68 = arith.index_cast %scan3A_42 : i32 to index
        %get3A_69 = tpu.vector_load %arg9[%get3A_68] {strides = array<i32>} : memref<384xi32, #tpu.memory_space<vmem>>, vector<16xi32>,
        %slice3A_70 = vector.extract_strided_slice %get3A_69 {offsets = [0], sizes = [1], strides = [1]} : vector<16xi32> to vector<1xi32>
        %squeeze3A_71 = vector.extract %slice3A_70[0] : i32 from vector<1xi32>
        %add3A_72 = vector.broadcast %squeeze3A_71 : i32 to vector<16xi32>
        %add3A_73 = arith.addi %broadcast_in_dim3A_36, %add3A_72 : vector<16xi32>
        %add3A_74 = arith.constant 128 : i32
        %add3A_75 = arith.addi %add3A_74, %scan3A_42 : i32
        %get3A_76 = arith.index_cast %add3A_75 : i32 to index
        %get3A_77 = tpu.vector_load %arg9[%get3A_76] {strides = array<i32>} : memref<384xi32, #tpu.memory_space<vmem>>, vector<16xi32>,
        %slice3A_78 = vector.extract_strided_slice %get3A_77 {offsets = [0], sizes = [1], strides = [1]} : vector<16xi32> to vector<1xi32>
        %squeeze3A_79 = vector.extract %slice3A_78[0] : i32 from vector<1xi32>
        %add3A_80 = vector.broadcast %squeeze3A_79 : i32 to vector<16xi32>
        %add3A_81 = arith.addi %broadcast_in_dim3A_36, %add3A_80 : vector<16xi32>
        %scan3A_82 = arith.constant 0 : i32
        %scan3A_83 = arith.constant 0 : i32
        %scan3A_84 = arith.constant 8 : i32
        %scan3A_85 = arith.addi %scan3A_83, %scan3A_84 : i32
        %scan3A_86 = arith.constant 1 : i32
        scf.for %scan3A_89 = %scan3A_83 to %scan3A_85 step %scan3A_86  : i32 {
          %mul3A_90 = arith.constant 16 : i32
          %mul3A_91 = arith.muli %scan3A_89, %mul3A_90 : i32
          %add3A_92 = arith.constant 0 : i32
          %add3A_93 = arith.addi %mul3A_91, %add3A_92 : i32
          %mul3A_94 = arith.constant 16 : i32
          %mul3A_95 = arith.muli %add3A_93, %mul3A_94 : i32
          %get3A_96 = arith.constant 0 : i32
          %get3A_97 = arith.index_cast %get3A_96 : i32 to index
          %get3A_98 = arith.index_cast %mul3A_95 : i32 to index
          %get3A_99 = tpu.vector_load %arg7[%get3A_97, %get3A_98] {strides = array<i32>} : memref<2x2048xi32, #tpu.memory_space<vmem>>, vector<16xi32>,
          %xor3A = arith.xori %get3A_99, %add3A_73 : vector<16xi32>
          %get3A_100 = arith.constant 1 : i32
          %get3A_101 = arith.index_cast %get3A_100 : i32 to index
          %get3A_102 = arith.index_cast %mul3A_95 : i32 to index
          %get3A_103 = tpu.vector_load %arg7[%get3A_101, %get3A_102] {strides = array<i32>} : memref<2x2048xi32, #tpu.memory_space<vmem>>, vector<16xi32>,
          %xor3A_104 = arith.xori %get3A_103, %add3A_81 : vector<16xi32>
          %and3A_105 = arith.constant 63 : i32
          %and3A_106 = vector.broadcast %and3A_105 : i32 to vector<16xi32>
          %and3A_107 = arith.andi %xor3A, %and3A_106 : vector<16xi32>
          %eq3A_108 = arith.constant 0 : i32
          %eq3A_109 = vector.broadcast %eq3A_108 : i32 to vector<16xi32>
          %eq3A_110 = arith.cmpi eq, %and3A_107, %eq3A_109 : vector<16xi32>
          %and3A_111 = arith.constant 4032 : i32
          %and3A_112 = vector.broadcast %and3A_111 : i32 to vector<16xi32>
          %and3A_113 = arith.andi %xor3A, %and3A_112 : vector<16xi32>
          %eq3A_114 = arith.constant 0 : i32
          %eq3A_115 = vector.broadcast %eq3A_114 : i32 to vector<16xi32>
          %eq3A_116 = arith.cmpi eq, %and3A_113, %eq3A_115 : vector<16xi32>
          %or3A = arith.ori %eq3A_110, %eq3A_116 : vector<16xi1>
          %and3A_117 = arith.constant 258048 : i32
          %and3A_118 = vector.broadcast %and3A_117 : i32 to vector<16xi32>
          %and3A_119 = arith.andi %xor3A, %and3A_118 : vector<16xi32>
          %eq3A_120 = arith.constant 0 : i32
          %eq3A_121 = vector.broadcast %eq3A_120 : i32 to vector<16xi32>
          %eq3A_122 = arith.cmpi eq, %and3A_119, %eq3A_121 : vector<16xi32>
          %or3A_123 = arith.ori %or3A, %eq3A_122 : vector<16xi1>
          %and3A_124 = arith.constant 16515072 : i32
          %and3A_125 = vector.broadcast %and3A_124 : i32 to vector<16xi32>
          %and3A_126 = arith.andi %xor3A, %and3A_125 : vector<16xi32>
          %eq3A_127 = arith.constant 0 : i32
          %eq3A_128 = vector.broadcast %eq3A_127 : i32 to vector<16xi32>
          %eq3A_129 = arith.cmpi eq, %and3A_126, %eq3A_128 : vector<16xi32>
          %or3A_130 = arith.ori %or3A_123, %eq3A_129 : vector<16xi1>
          %and3A_131 = arith.constant 63 : i32
          %and3A_132 = vector.broadcast %and3A_131 : i32 to vector<16xi32>
          %and3A_133 = arith.andi %xor3A_104, %and3A_132 : vector<16xi32>
          %eq3A_134 = arith.constant 0 : i32
          %eq3A_135 = vector.broadcast %eq3A_134 : i32 to vector<16xi32>
          %eq3A_136 = arith.cmpi eq, %and3A_133, %eq3A_135 : vector<16xi32>
          %and3A_137 = arith.constant 4032 : i32
          %and3A_138 = vector.broadcast %and3A_137 : i32 to vector<16xi32>
          %and3A_139 = arith.andi %xor3A_104, %and3A_138 : vector<16xi32>
          %eq3A_140 = arith.constant 0 : i32
          %eq3A_141 = vector.broadcast %eq3A_140 : i32 to vector<16xi32>
          %eq3A_142 = arith.cmpi eq, %and3A_139, %eq3A_141 : vector<16xi32>
          %or3A_143 = arith.ori %eq3A_136, %eq3A_142 : vector<16xi1>
          %and3A_144 = arith.constant 258048 : i32
          %and3A_145 = vector.broadcast %and3A_144 : i32 to vector<16xi32>
          %and3A_146 = arith.andi %xor3A_104, %and3A_145 : vector<16xi32>
          %eq3A_147 = arith.constant 0 : i32
          %eq3A_148 = vector.broadcast %eq3A_147 : i32 to vector<16xi32>
          %eq3A_149 = arith.cmpi eq, %and3A_146, %eq3A_148 : vector<16xi32>
          %or3A_150 = arith.ori %or3A_143, %eq3A_149 : vector<16xi1>
          %and3A_151 = arith.constant 16515072 : i32
          %and3A_152 = vector.broadcast %and3A_151 : i32 to vector<16xi32>
          %and3A_153 = arith.andi %xor3A_104, %and3A_152 : vector<16xi32>
          %eq3A_154 = arith.constant 0 : i32
          %eq3A_155 = vector.broadcast %eq3A_154 : i32 to vector<16xi32>
          %eq3A_156 = arith.cmpi eq, %and3A_153, %eq3A_155 : vector<16xi32>
          %or3A_157 = arith.ori %or3A_150, %eq3A_156 : vector<16xi1>
          %get3A_158 = arith.constant 0 : i32
          %get3A_159 = arith.index_cast %get3A_158 : i32 to index
          %get3A_160 = arith.index_cast %mul3A_95 : i32 to index
          %get3A_161 = tpu.vector_load %arg6[%get3A_159, %get3A_160] {strides = array<i32>} : memref<2x2048xi32, #tpu.memory_space<vmem>>, vector<16xi32>,
          %eq3A_162 = arith.cmpi eq, %get3A_161, %add3A_45 : vector<16xi32>
          %and3A_163 = arith.andi %eq3A_162, %or3A_130 : vector<16xi1>
          %get3A_164 = arith.constant 1 : i32
          %get3A_165 = arith.index_cast %get3A_164 : i32 to index
          %get3A_166 = arith.index_cast %mul3A_95 : i32 to index
          %get3A_167 = tpu.vector_load %arg6[%get3A_165, %get3A_166] {strides = array<i32>} : memref<2x2048xi32, #tpu.memory_space<vmem>>, vector<16xi32>,
          %eq3A_168 = arith.cmpi eq, %get3A_167, %add3A_53 : vector<16xi32>
          %and3A_169 = arith.andi %eq3A_168, %or3A_157 : vector<16xi1>
          %or3A_170 = arith.ori %and3A_163, %and3A_169 : vector<16xi1>
          %jit3A_171 = arith.constant 1 : i32
          %jit3A_172 = arith.constant 0 : i32
          %broadcast_in_dim3A_173 = vector.broadcast %jit3A_171 : i32 to vector<16xi32>
          %broadcast_in_dim3A_174 = vector.broadcast %jit3A_172 : i32 to vector<16xi32>
          %select_n3A_175 = arith.select %or3A_170, %broadcast_in_dim3A_173, %broadcast_in_dim3A_174 : vector<16xi1>, vector<16xi32>
          %swap3A_176 = arith.index_cast %mul3A_95 : i32 to index
          %swap3A_177 = tpu.vector_load %arg11[%swap3A_176] {strides = array<i32>} : memref<2048xi32, #tpu.memory_space<vmem>>, vector<16xi32>,
          tpu.vector_store %arg11[%swap3A_176], %select_n3A_175 {strides = array<i32>} : memref<2048xi32, #tpu.memory_space<vmem>>, vector<16xi32>,
          %mul3A_178 = arith.constant 16 : i32
          %mul3A_179 = arith.muli %scan3A_89, %mul3A_178 : i32
          %add3A_180 = arith.constant 1 : i32
          %add3A_181 = arith.addi %mul3A_179, %add3A_180 : i32
          %mul3A_182 = arith.constant 16 : i32
          %mul3A_183 = arith.muli %add3A_181, %mul3A_182 : i32
          %get3A_184 = arith.constant 0 : i32
          %get3A_185 = arith.index_cast %get3A_184 : i32 to index
          %get3A_186 = arith.index_cast %mul3A_183 : i32 to index
          %get3A_187 = tpu.vector_load %arg7[%get3A_185, %get3A_186] {strides = array<i32>} : memref<2x2048xi32, #tpu.memory_space<vmem>>, vector<16xi32>,
          %xor3A_188 = arith.xori %get3A_187, %add3A_73 : vector<16xi32>
          %get3A_189 = arith.constant 1 : i32
          %get3A_190 = arith.index_cast %get3A_189 : i32 to index
          %get3A_191 = arith.index_cast %mul3A_183 : i32 to index
          %get3A_192 = tpu.vector_load %arg7[%get3A_190, %get3A_191] {strides = array<i32>} : memref<2x2048xi32, #tpu.memory_space<vmem>>, vector<16xi32>,
          %xor3A_193 = arith.xori %get3A_192, %add3A_81 : vector<16xi32>
          %and3A_194 = arith.constant 63 : i32
          %and3A_195 = vector.broadcast %and3A_194 : i32 to vector<16xi32>
          %and3A_196 = arith.andi %xor3A_188, %and3A_195 : vector<16xi32>
          %eq3A_197 = arith.constant 0 : i32
          %eq3A_198 = vector.broadcast %eq3A_197 : i32 to vector<16xi32>
          %eq3A_199 = arith.cmpi eq, %and3A_196, %eq3A_198 : vector<16xi32>
          %and3A_200 = arith.constant 4032 : i32
          %and3A_201 = vector.broadcast %and3A_200 : i32 to vector<16xi32>
          %and3A_202 = arith.andi %xor3A_188, %and3A_201 : vector<16xi32>
          %eq3A_203 = arith.constant 0 : i32
          %eq3A_204 = vector.broadcast %eq3A_203 : i32 to vector<16xi32>
          %eq3A_205 = arith.cmpi eq, %and3A_202, %eq3A_204 : vector<16xi32>
          %or3A_206 = arith.ori %eq3A_199, %eq3A_205 : vector<16xi1>
          %and3A_207 = arith.constant 258048 : i32
          %and3A_208 = vector.broadcast %and3A_207 : i32 to vector<16xi32>
          %and3A_209 = arith.andi %xor3A_188, %and3A_208 : vector<16xi32>
          %eq3A_210 = arith.constant 0 : i32
          %eq3A_211 = vector.broadcast %eq3A_210 : i32 to vector<16xi32>
          %eq3A_212 = arith.cmpi eq, %and3A_209, %eq3A_211 : vector<16xi32>
          %or3A_213 = arith.ori %or3A_206, %eq3A_212 : vector<16xi1>
          %and3A_214 = arith.constant 16515072 : i32
          %and3A_215 = vector.broadcast %and3A_214 : i32 to vector<16xi32>
          %and3A_216 = arith.andi %xor3A_188, %and3A_215 : vector<16xi32>
          %eq3A_217 = arith.constant 0 : i32
          %eq3A_218 = vector.broadcast %eq3A_217 : i32 to vector<16xi32>
          %eq3A_219 = arith.cmpi eq, %and3A_216, %eq3A_218 : vector<16xi32>
          %or3A_220 = arith.ori %or3A_213, %eq3A_219 : vector<16xi1>
          %and3A_221 = arith.constant 63 : i32
          %and3A_222 = vector.broadcast %and3A_221 : i32 to vector<16xi32>
          %and3A_223 = arith.andi %xor3A_193, %and3A_222 : vector<16xi32>
          %eq3A_224 = arith.constant 0 : i32
          %eq3A_225 = vector.broadcast %eq3A_224 : i32 to vector<16xi32>
          %eq3A_226 = arith.cmpi eq, %and3A_223, %eq3A_225 : vector<16xi32>
          %and3A_227 = arith.constant 4032 : i32
          %and3A_228 = vector.broadcast %and3A_227 : i32 to vector<16xi32>
          %and3A_229 = arith.andi %xor3A_193, %and3A_228 : vector<16xi32>
          %eq3A_230 = arith.constant 0 : i32
          %eq3A_231 = vector.broadcast %eq3A_230 : i32 to vector<16xi32>
          %eq3A_232 = arith.cmpi eq, %and3A_229, %eq3A_231 : vector<16xi32>
          %or3A_233 = arith.ori %eq3A_226, %eq3A_232 : vector<16xi1>
          %and3A_234 = arith.constant 258048 : i32
          %and3A_235 = vector.broadcast %and3A_234 : i32 to vector<16xi32>
          %and3A_236 = arith.andi %xor3A_193, %and3A_235 : vector<16xi32>
          %eq3A_237 = arith.constant 0 : i32
          %eq3A_238 = vector.broadcast %eq3A_237 : i32 to vector<16xi32>
          %eq3A_239 = arith.cmpi eq, %and3A_236, %eq3A_238 : vector<16xi32>
          %or3A_240 = arith.ori %or3A_233, %eq3A_239 : vector<16xi1>
          %and3A_241 = arith.constant 16515072 : i32
          %and3A_242 = vector.broadcast %and3A_241 : i32 to vector<16xi32>
          %and3A_243 = arith.andi %xor3A_193, %and3A_242 : vector<16xi32>
          %eq3A_244 = arith.constant 0 : i32
          %eq3A_245 = vector.broadcast %eq3A_244 : i32 to vector<16xi32>
          %eq3A_246 = arith.cmpi eq, %and3A_243, %eq3A_245 : vector<16xi32>
          %or3A_247 = arith.ori %or3A_240, %eq3A_246 : vector<16xi1>
          %get3A_248 = arith.constant 0 : i32
          %get3A_249 = arith.index_cast %get3A_248 : i32 to index
          %get3A_250 = arith.index_cast %mul3A_183 : i32 to index
          %get3A_251 = tpu.vector_load %arg6[%get3A_249, %get3A_250] {strides = array<i32>} : memref<2x2048xi32, #tpu.memory_space<vmem>>, vector<16xi32>,
          %eq3A_252 = arith.cmpi eq, %get3A_251, %add3A_45 : vector<16xi32>
          %and3A_253 = arith.andi %eq3A_252, %or3A_220 : vector<16xi1>
          %get3A_254 = arith.constant 1 : i32
          %get3A_255 = arith.index_cast %get3A_254 : i32 to index
          %get3A_256 = arith.index_cast %mul3A_183 : i32 to index
          %get3A_257 = tpu.vector_load %arg6[%get3A_255, %get3A_256] {strides = array<i32>} : memref<2x2048xi32, #tpu.memory_space<vmem>>, vector<16xi32>,
          %eq3A_258 = arith.cmpi eq, %get3A_257, %add3A_53 : vector<16xi32>
          %and3A_259 = arith.andi %eq3A_258, %or3A_247 : vector<16xi1>
          %or3A_260 = arith.ori %and3A_253, %and3A_259 : vector<16xi1>
          %jit3A_261 = arith.constant 1 : i32
          %jit3A_262 = arith.constant 0 : i32
          %broadcast_in_dim3A_263 = vector.broadcast %jit3A_261 : i32 to vector<16xi32>
          %broadcast_in_dim3A_264 = vector.broadcast %jit3A_262 : i32 to vector<16xi32>
          %select_n3A_265 = arith.select %or3A_260, %broadcast_in_dim3A_263, %broadcast_in_dim3A_264 : vector<16xi1>, vector<16xi32>
          %swap3A_266 = arith.index_cast %mul3A_183 : i32 to index
          %swap3A_267 = tpu.vector_load %arg11[%swap3A_266] {strides = array<i32>} : memref<2048xi32, #tpu.memory_space<vmem>>, vector<16xi32>,
          tpu.vector_store %arg11[%swap3A_266], %select_n3A_265 {strides = array<i32>} : memref<2048xi32, #tpu.memory_space<vmem>>, vector<16xi32>,
          %mul3A_268 = arith.constant 16 : i32
          %mul3A_269 = arith.muli %scan3A_89, %mul3A_268 : i32
          %add3A_270 = arith.constant 2 : i32
          %add3A_271 = arith.addi %mul3A_269, %add3A_270 : i32
          %mul3A_272 = arith.constant 16 : i32
          %mul3A_273 = arith.muli %add3A_271, %mul3A_272 : i32
          %get3A_274 = arith.constant 0 : i32
          %get3A_275 = arith.index_cast %get3A_274 : i32 to index
          %get3A_276 = arith.index_cast %mul3A_273 : i32 to index
          %get3A_277 = tpu.vector_load %arg7[%get3A_275, %get3A_276] {strides = array<i32>} : memref<2x2048xi32, #tpu.memory_space<vmem>>, vector<16xi32>,
          %xor3A_278 = arith.xori %get3A_277, %add3A_73 : vector<16xi32>
          %get3A_279 = arith.constant 1 : i32
          %get3A_280 = arith.index_cast %get3A_279 : i32 to index
          %get3A_281 = arith.index_cast %mul3A_273 : i32 to index
          %get3A_282 = tpu.vector_load %arg7[%get3A_280, %get3A_281] {strides = array<i32>} : memref<2x2048xi32, #tpu.memory_space<vmem>>, vector<16xi32>,
          %xor3A_283 = arith.xori %get3A_282, %add3A_81 : vector<16xi32>
          %and3A_284 = arith.constant 63 : i32
          %and3A_285 = vector.broadcast %and3A_284 : i32 to vector<16xi32>
          %and3A_286 = arith.andi %xor3A_278, %and3A_285 : vector<16xi32>
          %eq3A_287 = arith.constant 0 : i32
          %eq3A_288 = vector.broadcast %eq3A_287 : i32 to vector<16xi32>
          %eq3A_289 = arith.cmpi eq, %and3A_286, %eq3A_288 : vector<16xi32>
          %and3A_290 = arith.constant 4032 : i32
          %and3A_291 = vector.broadcast %and3A_290 : i32 to vector<16xi32>
          %and3A_292 = arith.andi %xor3A_278, %and3A_291 : vector<16xi32>
          %eq3A_293 = arith.constant 0 : i32
          %eq3A_294 = vector.broadcast %eq3A_293 : i32 to vector<16xi32>
          %eq3A_295 = arith.cmpi eq, %and3A_292, %eq3A_294 : vector<16xi32>
          %or3A_296 = arith.ori %eq3A_289, %eq3A_295 : vector<16xi1>
          %and3A_297 = arith.constant 258048 : i32
          %and3A_298 = vector.broadcast %and3A_297 : i32 to vector<16xi32>
          %and3A_299 = arith.andi %xor3A_278, %and3A_298 : vector<16xi32>
          %eq3A_300 = arith.constant 0 : i32
          %eq3A_301 = vector.broadcast %eq3A_300 : i32 to vector<16xi32>
          %eq3A_302 = arith.cmpi eq, %and3A_299, %eq3A_301 : vector<16xi32>
          %or3A_303 = arith.ori %or3A_296, %eq3A_302 : vector<16xi1>
          %and3A_304 = arith.constant 16515072 : i32
          %and3A_305 = vector.broadcast %and3A_304 : i32 to vector<16xi32>
          %and3A_306 = arith.andi %xor3A_278, %and3A_305 : vector<16xi32>
          %eq3A_307 = arith.constant 0 : i32
          %eq3A_308 = vector.broadcast %eq3A_307 : i32 to vector<16xi32>
          %eq3A_309 = arith.cmpi eq, %and3A_306, %eq3A_308 : vector<16xi32>
          %or3A_310 = arith.ori %or3A_303, %eq3A_309 : vector<16xi1>
          %and3A_311 = arith.constant 63 : i32
          %and3A_312 = vector.broadcast %and3A_311 : i32 to vector<16xi32>
          %and3A_313 = arith.andi %xor3A_283, %and3A_312 : vector<16xi32>
          %eq3A_314 = arith.constant 0 : i32
          %eq3A_315 = vector.broadcast %eq3A_314 : i32 to vector<16xi32>
          %eq3A_316 = arith.cmpi eq, %and3A_313, %eq3A_315 : vector<16xi32>
          %and3A_317 = arith.constant 4032 : i32
          %and3A_318 = vector.broadcast %and3A_317 : i32 to vector<16xi32>
          %and3A_319 = arith.andi %xor3A_283, %and3A_318 : vector<16xi32>
          %eq3A_320 = arith.constant 0 : i32
          %eq3A_321 = vector.broadcast %eq3A_320 : i32 to vector<16xi32>
          %eq3A_322 = arith.cmpi eq, %and3A_319, %eq3A_321 : vector<16xi32>
          %or3A_323 = arith.ori %eq3A_316, %eq3A_322 : vector<16xi1>
          %and3A_324 = arith.constant 258048 : i32
          %and3A_325 = vector.broadcast %and3A_324 : i32 to vector<16xi32>
          %and3A_326 = arith.andi %xor3A_283, %and3A_325 : vector<16xi32>
          %eq3A_327 = arith.constant 0 : i32
          %eq3A_328 = vector.broadcast %eq3A_327 : i32 to vector<16xi32>
          %eq3A_329 = arith.cmpi eq, %and3A_326, %eq3A_328 : vector<16xi32>
          %or3A_330 = arith.ori %or3A_323, %eq3A_329 : vector<16xi1>
          %and3A_331 = arith.constant 16515072 : i32
          %and3A_332 = vector.broadcast %and3A_331 : i32 to vector<16xi32>
          %and3A_333 = arith.andi %xor3A_283, %and3A_332 : vector<16xi32>
          %eq3A_334 = arith.constant 0 : i32
          %eq3A_335 = vector.broadcast %eq3A_334 : i32 to vector<16xi32>
          %eq3A_336 = arith.cmpi eq, %and3A_333, %eq3A_335 : vector<16xi32>
          %or3A_337 = arith.ori %or3A_330, %eq3A_336 : vector<16xi1>
          %get3A_338 = arith.constant 0 : i32
          %get3A_339 = arith.index_cast %get3A_338 : i32 to index
          %get3A_340 = arith.index_cast %mul3A_273 : i32 to index
          %get3A_341 = tpu.vector_load %arg6[%get3A_339, %get3A_340] {strides = array<i32>} : memref<2x2048xi32, #tpu.memory_space<vmem>>, vector<16xi32>,
          %eq3A_342 = arith.cmpi eq, %get3A_341, %add3A_45 : vector<16xi32>
          %and3A_343 = arith.andi %eq3A_342, %or3A_310 : vector<16xi1>
          %get3A_344 = arith.constant 1 : i32
          %get3A_345 = arith.index_cast %get3A_344 : i32 to index
          %get3A_346 = arith.index_cast %mul3A_273 : i32 to index
          %get3A_347 = tpu.vector_load %arg6[%get3A_345, %get3A_346] {strides = array<i32>} : memref<2x2048xi32, #tpu.memory_space<vmem>>, vector<16xi32>,
          %eq3A_348 = arith.cmpi eq, %get3A_347, %add3A_53 : vector<16xi32>
          %and3A_349 = arith.andi %eq3A_348, %or3A_337 : vector<16xi1>
          %or3A_350 = arith.ori %and3A_343, %and3A_349 : vector<16xi1>
          %jit3A_351 = arith.constant 1 : i32
          %jit3A_352 = arith.constant 0 : i32
          %broadcast_in_dim3A_353 = vector.broadcast %jit3A_351 : i32 to vector<16xi32>
          %broadcast_in_dim3A_354 = vector.broadcast %jit3A_352 : i32 to vector<16xi32>
          %select_n3A_355 = arith.select %or3A_350, %broadcast_in_dim3A_353, %broadcast_in_dim3A_354 : vector<16xi1>, vector<16xi32>
          %swap3A_356 = arith.index_cast %mul3A_273 : i32 to index
          %swap3A_357 = tpu.vector_load %arg11[%swap3A_356] {strides = array<i32>} : memref<2048xi32, #tpu.memory_space<vmem>>, vector<16xi32>,
          tpu.vector_store %arg11[%swap3A_356], %select_n3A_355 {strides = array<i32>} : memref<2048xi32, #tpu.memory_space<vmem>>, vector<16xi32>,
          %mul3A_358 = arith.constant 16 : i32
          %mul3A_359 = arith.muli %scan3A_89, %mul3A_358 : i32
          %add3A_360 = arith.constant 3 : i32
          %add3A_361 = arith.addi %mul3A_359, %add3A_360 : i32
          %mul3A_362 = arith.constant 16 : i32
          %mul3A_363 = arith.muli %add3A_361, %mul3A_362 : i32
          %get3A_364 = arith.constant 0 : i32
          %get3A_365 = arith.index_cast %get3A_364 : i32 to index
          %get3A_366 = arith.index_cast %mul3A_363 : i32 to index
          %get3A_367 = tpu.vector_load %arg7[%get3A_365, %get3A_366] {strides = array<i32>} : memref<2x2048xi32, #tpu.memory_space<vmem>>, vector<16xi32>,
          %xor3A_368 = arith.xori %get3A_367, %add3A_73 : vector<16xi32>
          %get3A_369 = arith.constant 1 : i32
          %get3A_370 = arith.index_cast %get3A_369 : i32 to index
          %get3A_371 = arith.index_cast %mul3A_363 : i32 to index
          %get3A_372 = tpu.vector_load %arg7[%get3A_370, %get3A_371] {strides = array<i32>} : memref<2x2048xi32, #tpu.memory_space<vmem>>, vector<16xi32>,
          %xor3A_373 = arith.xori %get3A_372, %add3A_81 : vector<16xi32>
          %and3A_374 = arith.constant 63 : i32
          %and3A_375 = vector.broadcast %and3A_374 : i32 to vector<16xi32>
          %and3A_376 = arith.andi %xor3A_368, %and3A_375 : vector<16xi32>
          %eq3A_377 = arith.constant 0 : i32
          %eq3A_378 = vector.broadcast %eq3A_377 : i32 to vector<16xi32>
          %eq3A_379 = arith.cmpi eq, %and3A_376, %eq3A_378 : vector<16xi32>
          %and3A_380 = arith.constant 4032 : i32
          %and3A_381 = vector.broadcast %and3A_380 : i32 to vector<16xi32>
          %and3A_382 = arith.andi %xor3A_368, %and3A_381 : vector<16xi32>
          %eq3A_383 = arith.constant 0 : i32
          %eq3A_384 = vector.broadcast %eq3A_383 : i32 to vector<16xi32>
          %eq3A_385 = arith.cmpi eq, %and3A_382, %eq3A_384 : vector<16xi32>
          %or3A_386 = arith.ori %eq3A_379, %eq3A_385 : vector<16xi1>
          %and3A_387 = arith.constant 258048 : i32
          %and3A_388 = vector.broadcast %and3A_387 : i32 to vector<16xi32>
          %and3A_389 = arith.andi %xor3A_368, %and3A_388 : vector<16xi32>
          %eq3A_390 = arith.constant 0 : i32
          %eq3A_391 = vector.broadcast %eq3A_390 : i32 to vector<16xi32>
          %eq3A_392 = arith.cmpi eq, %and3A_389, %eq3A_391 : vector<16xi32>
          %or3A_393 = arith.ori %or3A_386, %eq3A_392 : vector<16xi1>
          %and3A_394 = arith.constant 16515072 : i32
          %and3A_395 = vector.broadcast %and3A_394 : i32 to vector<16xi32>
          %and3A_396 = arith.andi %xor3A_368, %and3A_395 : vector<16xi32>
          %eq3A_397 = arith.constant 0 : i32
          %eq3A_398 = vector.broadcast %eq3A_397 : i32 to vector<16xi32>
          %eq3A_399 = arith.cmpi eq, %and3A_396, %eq3A_398 : vector<16xi32>
          %or3A_400 = arith.ori %or3A_393, %eq3A_399 : vector<16xi1>
          %and3A_401 = arith.constant 63 : i32
          %and3A_402 = vector.broadcast %and3A_401 : i32 to vector<16xi32>
          %and3A_403 = arith.andi %xor3A_373, %and3A_402 : vector<16xi32>
          %eq3A_404 = arith.constant 0 : i32
          %eq3A_405 = vector.broadcast %eq3A_404 : i32 to vector<16xi32>
          %eq3A_406 = arith.cmpi eq, %and3A_403, %eq3A_405 : vector<16xi32>
          %and3A_407 = arith.constant 4032 : i32
          %and3A_408 = vector.broadcast %and3A_407 : i32 to vector<16xi32>
          %and3A_409 = arith.andi %xor3A_373, %and3A_408 : vector<16xi32>
          %eq3A_410 = arith.constant 0 : i32
          %eq3A_411 = vector.broadcast %eq3A_410 : i32 to vector<16xi32>
          %eq3A_412 = arith.cmpi eq, %and3A_409, %eq3A_411 : vector<16xi32>
          %or3A_413 = arith.ori %eq3A_406, %eq3A_412 : vector<16xi1>
          %and3A_414 = arith.constant 258048 : i32
          %and3A_415 = vector.broadcast %and3A_414 : i32 to vector<16xi32>
          %and3A_416 = arith.andi %xor3A_373, %and3A_415 : vector<16xi32>
          %eq3A_417 = arith.constant 0 : i32
          %eq3A_418 = vector.broadcast %eq3A_417 : i32 to vector<16xi32>
          %eq3A_419 = arith.cmpi eq, %and3A_416, %eq3A_418 : vector<16xi32>
          %or3A_420 = arith.ori %or3A_413, %eq3A_419 : vector<16xi1>
          %and3A_421 = arith.constant 16515072 : i32
          %and3A_422 = vector.broadcast %and3A_421 : i32 to vector<16xi32>
          %and3A_423 = arith.andi %xor3A_373, %and3A_422 : vector<16xi32>
          %eq3A_424 = arith.constant 0 : i32
          %eq3A_425 = vector.broadcast %eq3A_424 : i32 to vector<16xi32>
          %eq3A_426 = arith.cmpi eq, %and3A_423, %eq3A_425 : vector<16xi32>
          %or3A_427 = arith.ori %or3A_420, %eq3A_426 : vector<16xi1>
          %get3A_428 = arith.constant 0 : i32
          %get3A_429 = arith.index_cast %get3A_428 : i32 to index
          %get3A_430 = arith.index_cast %mul3A_363 : i32 to index
          %get3A_431 = tpu.vector_load %arg6[%get3A_429, %get3A_430] {strides = array<i32>} : memref<2x2048xi32, #tpu.memory_space<vmem>>, vector<16xi32>,
          %eq3A_432 = arith.cmpi eq, %get3A_431, %add3A_45 : vector<16xi32>
          %and3A_433 = arith.andi %eq3A_432, %or3A_400 : vector<16xi1>
          %get3A_434 = arith.constant 1 : i32
          %get3A_435 = arith.index_cast %get3A_434 : i32 to index
          %get3A_436 = arith.index_cast %mul3A_363 : i32 to index
          %get3A_437 = tpu.vector_load %arg6[%get3A_435, %get3A_436] {strides = array<i32>} : memref<2x2048xi32, #tpu.memory_space<vmem>>, vector<16xi32>,
          %eq3A_438 = arith.cmpi eq, %get3A_437, %add3A_53 : vector<16xi32>
          %and3A_439 = arith.andi %eq3A_438, %or3A_427 : vector<16xi1>
          %or3A_440 = arith.ori %and3A_433, %and3A_439 : vector<16xi1>
          %jit3A_441 = arith.constant 1 : i32
          %jit3A_442 = arith.constant 0 : i32
          %broadcast_in_dim3A_443 = vector.broadcast %jit3A_441 : i32 to vector<16xi32>
          %broadcast_in_dim3A_444 = vector.broadcast %jit3A_442 : i32 to vector<16xi32>
          %select_n3A_445 = arith.select %or3A_440, %broadcast_in_dim3A_443, %broadcast_in_dim3A_444 : vector<16xi1>, vector<16xi32>
          %swap3A_446 = arith.index_cast %mul3A_363 : i32 to index
          %swap3A_447 = tpu.vector_load %arg11[%swap3A_446] {strides = array<i32>} : memref<2048xi32, #tpu.memory_space<vmem>>, vector<16xi32>,
          tpu.vector_store %arg11[%swap3A_446], %select_n3A_445 {strides = array<i32>} : memref<2048xi32, #tpu.memory_space<vmem>>, vector<16xi32>,
          %mul3A_448 = arith.constant 16 : i32
          %mul3A_449 = arith.muli %scan3A_89, %mul3A_448 : i32
          %add3A_450 = arith.constant 4 : i32
          %add3A_451 = arith.addi %mul3A_449, %add3A_450 : i32
          %mul3A_452 = arith.constant 16 : i32
          %mul3A_453 = arith.muli %add3A_451, %mul3A_452 : i32
          %get3A_454 = arith.constant 0 : i32
          %get3A_455 = arith.index_cast %get3A_454 : i32 to index
          %get3A_456 = arith.index_cast %mul3A_453 : i32 to index
          %get3A_457 = tpu.vector_load %arg7[%get3A_455, %get3A_456] {strides = array<i32>} : memref<2x2048xi32, #tpu.memory_space<vmem>>, vector<16xi32>,
          %xor3A_458 = arith.xori %get3A_457, %add3A_73 : vector<16xi32>
          %get3A_459 = arith.constant 1 : i32
          %get3A_460 = arith.index_cast %get3A_459 : i32 to index
          %get3A_461 = arith.index_cast %mul3A_453 : i32 to index
          %get3A_462 = tpu.vector_load %arg7[%get3A_460, %get3A_461] {strides = array<i32>} : memref<2x2048xi32, #tpu.memory_space<vmem>>, vector<16xi32>,
          %xor3A_463 = arith.xori %get3A_462, %add3A_81 : vector<16xi32>
          %and3A_464 = arith.constant 63 : i32
          %and3A_465 = vector.broadcast %and3A_464 : i32 to vector<16xi32>
          %and3A_466 = arith.andi %xor3A_458, %and3A_465 : vector<16xi32>
          %eq3A_467 = arith.constant 0 : i32
          %eq3A_468 = vector.broadcast %eq3A_467 : i32 to vector<16xi32>
          %eq3A_469 = arith.cmpi eq, %and3A_466, %eq3A_468 : vector<16xi32>
          %and3A_470 = arith.constant 4032 : i32
          %and3A_471 = vector.broadcast %and3A_470 : i32 to vector<16xi32>
          %and3A_472 = arith.andi %xor3A_458, %and3A_471 : vector<16xi32>
          %eq3A_473 = arith.constant 0 : i32
          %eq3A_474 = vector.broadcast %eq3A_473 : i32 to vector<16xi32>
          %eq3A_475 = arith.cmpi eq, %and3A_472, %eq3A_474 : vector<16xi32>
          %or3A_476 = arith.ori %eq3A_469, %eq3A_475 : vector<16xi1>
          %and3A_477 = arith.constant 258048 : i32
          %and3A_478 = vector.broadcast %and3A_477 : i32 to vector<16xi32>
          %and3A_479 = arith.andi %xor3A_458, %and3A_478 : vector<16xi32>
          %eq3A_480 = arith.constant 0 : i32
          %eq3A_481 = vector.broadcast %eq3A_480 : i32 to vector<16xi32>
          %eq3A_482 = arith.cmpi eq, %and3A_479, %eq3A_481 : vector<16xi32>
          %or3A_483 = arith.ori %or3A_476, %eq3A_482 : vector<16xi1>
          %and3A_484 = arith.constant 16515072 : i32
          %and3A_485 = vector.broadcast %and3A_484 : i32 to vector<16xi32>
          %and3A_486 = arith.andi %xor3A_458, %and3A_485 : vector<16xi32>
          %eq3A_487 = arith.constant 0 : i32
          %eq3A_488 = vector.broadcast %eq3A_487 : i32 to vector<16xi32>
          %eq3A_489 = arith.cmpi eq, %and3A_486, %eq3A_488 : vector<16xi32>
          %or3A_490 = arith.ori %or3A_483, %eq3A_489 : vector<16xi1>
          %and3A_491 = arith.constant 63 : i32
          %and3A_492 = vector.broadcast %and3A_491 : i32 to vector<16xi32>
          %and3A_493 = arith.andi %xor3A_463, %and3A_492 : vector<16xi32>
          %eq3A_494 = arith.constant 0 : i32
          %eq3A_495 = vector.broadcast %eq3A_494 : i32 to vector<16xi32>
          %eq3A_496 = arith.cmpi eq, %and3A_493, %eq3A_495 : vector<16xi32>
          %and3A_497 = arith.constant 4032 : i32
          %and3A_498 = vector.broadcast %and3A_497 : i32 to vector<16xi32>
          %and3A_499 = arith.andi %xor3A_463, %and3A_498 : vector<16xi32>
          %eq3A_500 = arith.constant 0 : i32
          %eq3A_501 = vector.broadcast %eq3A_500 : i32 to vector<16xi32>
          %eq3A_502 = arith.cmpi eq, %and3A_499, %eq3A_501 : vector<16xi32>
          %or3A_503 = arith.ori %eq3A_496, %eq3A_502 : vector<16xi1>
          %and3A_504 = arith.constant 258048 : i32
          %and3A_505 = vector.broadcast %and3A_504 : i32 to vector<16xi32>
          %and3A_506 = arith.andi %xor3A_463, %and3A_505 : vector<16xi32>
          %eq3A_507 = arith.constant 0 : i32
          %eq3A_508 = vector.broadcast %eq3A_507 : i32 to vector<16xi32>
          %eq3A_509 = arith.cmpi eq, %and3A_506, %eq3A_508 : vector<16xi32>
          %or3A_510 = arith.ori %or3A_503, %eq3A_509 : vector<16xi1>
          %and3A_511 = arith.constant 16515072 : i32
          %and3A_512 = vector.broadcast %and3A_511 : i32 to vector<16xi32>
          %and3A_513 = arith.andi %xor3A_463, %and3A_512 : vector<16xi32>
          %eq3A_514 = arith.constant 0 : i32
          %eq3A_515 = vector.broadcast %eq3A_514 : i32 to vector<16xi32>
          %eq3A_516 = arith.cmpi eq, %and3A_513, %eq3A_515 : vector<16xi32>
          %or3A_517 = arith.ori %or3A_510, %eq3A_516 : vector<16xi1>
          %get3A_518 = arith.constant 0 : i32
          %get3A_519 = arith.index_cast %get3A_518 : i32 to index
          %get3A_520 = arith.index_cast %mul3A_453 : i32 to index
          %get3A_521 = tpu.vector_load %arg6[%get3A_519, %get3A_520] {strides = array<i32>} : memref<2x2048xi32, #tpu.memory_space<vmem>>, vector<16xi32>,
          %eq3A_522 = arith.cmpi eq, %get3A_521, %add3A_45 : vector<16xi32>
          %and3A_523 = arith.andi %eq3A_522, %or3A_490 : vector<16xi1>
          %get3A_524 = arith.constant 1 : i32
          %get3A_525 = arith.index_cast %get3A_524 : i32 to index
          %get3A_526 = arith.index_cast %mul3A_453 : i32 to index
          %get3A_527 = tpu.vector_load %arg6[%get3A_525, %get3A_526] {strides = array<i32>} : memref<2x2048xi32, #tpu.memory_space<vmem>>, vector<16xi32>,
          %eq3A_528 = arith.cmpi eq, %get3A_527, %add3A_53 : vector<16xi32>
          %and3A_529 = arith.andi %eq3A_528, %or3A_517 : vector<16xi1>
          %or3A_530 = arith.ori %and3A_523, %and3A_529 : vector<16xi1>
          %jit3A_531 = arith.constant 1 : i32
          %jit3A_532 = arith.constant 0 : i32
          %broadcast_in_dim3A_533 = vector.broadcast %jit3A_531 : i32 to vector<16xi32>
          %broadcast_in_dim3A_534 = vector.broadcast %jit3A_532 : i32 to vector<16xi32>
          %select_n3A_535 = arith.select %or3A_530, %broadcast_in_dim3A_533, %broadcast_in_dim3A_534 : vector<16xi1>, vector<16xi32>
          %swap3A_536 = arith.index_cast %mul3A_453 : i32 to index
          %swap3A_537 = tpu.vector_load %arg11[%swap3A_536] {strides = array<i32>} : memref<2048xi32, #tpu.memory_space<vmem>>, vector<16xi32>,
          tpu.vector_store %arg11[%swap3A_536], %select_n3A_535 {strides = array<i32>} : memref<2048xi32, #tpu.memory_space<vmem>>, vector<16xi32>,
          %mul3A_538 = arith.constant 16 : i32
          %mul3A_539 = arith.muli %scan3A_89, %mul3A_538 : i32
          %add3A_540 = arith.constant 5 : i32
          %add3A_541 = arith.addi %mul3A_539, %add3A_540 : i32
          %mul3A_542 = arith.constant 16 : i32
          %mul3A_543 = arith.muli %add3A_541, %mul3A_542 : i32
          %get3A_544 = arith.constant 0 : i32
          %get3A_545 = arith.index_cast %get3A_544 : i32 to index
          %get3A_546 = arith.index_cast %mul3A_543 : i32 to index
          %get3A_547 = tpu.vector_load %arg7[%get3A_545, %get3A_546] {strides = array<i32>} : memref<2x2048xi32, #tpu.memory_space<vmem>>, vector<16xi32>,
          %xor3A_548 = arith.xori %get3A_547, %add3A_73 : vector<16xi32>
          %get3A_549 = arith.constant 1 : i32
          %get3A_550 = arith.index_cast %get3A_549 : i32 to index
          %get3A_551 = arith.index_cast %mul3A_543 : i32 to index
          %get3A_552 = tpu.vector_load %arg7[%get3A_550, %get3A_551] {strides = array<i32>} : memref<2x2048xi32, #tpu.memory_space<vmem>>, vector<16xi32>,
          %xor3A_553 = arith.xori %get3A_552, %add3A_81 : vector<16xi32>
          %and3A_554 = arith.constant 63 : i32
          %and3A_555 = vector.broadcast %and3A_554 : i32 to vector<16xi32>
          %and3A_556 = arith.andi %xor3A_548, %and3A_555 : vector<16xi32>
          %eq3A_557 = arith.constant 0 : i32
          %eq3A_558 = vector.broadcast %eq3A_557 : i32 to vector<16xi32>
          %eq3A_559 = arith.cmpi eq, %and3A_556, %eq3A_558 : vector<16xi32>
          %and3A_560 = arith.constant 4032 : i32
          %and3A_561 = vector.broadcast %and3A_560 : i32 to vector<16xi32>
          %and3A_562 = arith.andi %xor3A_548, %and3A_561 : vector<16xi32>
          %eq3A_563 = arith.constant 0 : i32
          %eq3A_564 = vector.broadcast %eq3A_563 : i32 to vector<16xi32>
          %eq3A_565 = arith.cmpi eq, %and3A_562, %eq3A_564 : vector<16xi32>
          %or3A_566 = arith.ori %eq3A_559, %eq3A_565 : vector<16xi1>
          %and3A_567 = arith.constant 258048 : i32
          %and3A_568 = vector.broadcast %and3A_567 : i32 to vector<16xi32>
          %and3A_569 = arith.andi %xor3A_548, %and3A_568 : vector<16xi32>
          %eq3A_570 = arith.constant 0 : i32
          %eq3A_571 = vector.broadcast %eq3A_570 : i32 to vector<16xi32>
          %eq3A_572 = arith.cmpi eq, %and3A_569, %eq3A_571 : vector<16xi32>
          %or3A_573 = arith.ori %or3A_566, %eq3A_572 : vector<16xi1>
          %and3A_574 = arith.constant 16515072 : i32
          %and3A_575 = vector.broadcast %and3A_574 : i32 to vector<16xi32>
          %and3A_576 = arith.andi %xor3A_548, %and3A_575 : vector<16xi32>
          %eq3A_577 = arith.constant 0 : i32
          %eq3A_578 = vector.broadcast %eq3A_577 : i32 to vector<16xi32>
          %eq3A_579 = arith.cmpi eq, %and3A_576, %eq3A_578 : vector<16xi32>
          %or3A_580 = arith.ori %or3A_573, %eq3A_579 : vector<16xi1>
          %and3A_581 = arith.constant 63 : i32
          %and3A_582 = vector.broadcast %and3A_581 : i32 to vector<16xi32>
          %and3A_583 = arith.andi %xor3A_553, %and3A_582 : vector<16xi32>
          %eq3A_584 = arith.constant 0 : i32
          %eq3A_585 = vector.broadcast %eq3A_584 : i32 to vector<16xi32>
          %eq3A_586 = arith.cmpi eq, %and3A_583, %eq3A_585 : vector<16xi32>
          %and3A_587 = arith.constant 4032 : i32
          %and3A_588 = vector.broadcast %and3A_587 : i32 to vector<16xi32>
          %and3A_589 = arith.andi %xor3A_553, %and3A_588 : vector<16xi32>
          %eq3A_590 = arith.constant 0 : i32
          %eq3A_591 = vector.broadcast %eq3A_590 : i32 to vector<16xi32>
          %eq3A_592 = arith.cmpi eq, %and3A_589, %eq3A_591 : vector<16xi32>
          %or3A_593 = arith.ori %eq3A_586, %eq3A_592 : vector<16xi1>
          %and3A_594 = arith.constant 258048 : i32
          %and3A_595 = vector.broadcast %and3A_594 : i32 to vector<16xi32>
          %and3A_596 = arith.andi %xor3A_553, %and3A_595 : vector<16xi32>
          %eq3A_597 = arith.constant 0 : i32
          %eq3A_598 = vector.broadcast %eq3A_597 : i32 to vector<16xi32>
          %eq3A_599 = arith.cmpi eq, %and3A_596, %eq3A_598 : vector<16xi32>
          %or3A_600 = arith.ori %or3A_593, %eq3A_599 : vector<16xi1>
          %and3A_601 = arith.constant 16515072 : i32
          %and3A_602 = vector.broadcast %and3A_601 : i32 to vector<16xi32>
          %and3A_603 = arith.andi %xor3A_553, %and3A_602 : vector<16xi32>
          %eq3A_604 = arith.constant 0 : i32
          %eq3A_605 = vector.broadcast %eq3A_604 : i32 to vector<16xi32>
          %eq3A_606 = arith.cmpi eq, %and3A_603, %eq3A_605 : vector<16xi32>
          %or3A_607 = arith.ori %or3A_600, %eq3A_606 : vector<16xi1>
          %get3A_608 = arith.constant 0 : i32
          %get3A_609 = arith.index_cast %get3A_608 : i32 to index
          %get3A_610 = arith.index_cast %mul3A_543 : i32 to index
          %get3A_611 = tpu.vector_load %arg6[%get3A_609, %get3A_610] {strides = array<i32>} : memref<2x2048xi32, #tpu.memory_space<vmem>>, vector<16xi32>,
          %eq3A_612 = arith.cmpi eq, %get3A_611, %add3A_45 : vector<16xi32>
          %and3A_613 = arith.andi %eq3A_612, %or3A_580 : vector<16xi1>
          %get3A_614 = arith.constant 1 : i32
          %get3A_615 = arith.index_cast %get3A_614 : i32 to index
          %get3A_616 = arith.index_cast %mul3A_543 : i32 to index
          %get3A_617 = tpu.vector_load %arg6[%get3A_615, %get3A_616] {strides = array<i32>} : memref<2x2048xi32, #tpu.memory_space<vmem>>, vector<16xi32>,
          %eq3A_618 = arith.cmpi eq, %get3A_617, %add3A_53 : vector<16xi32>
          %and3A_619 = arith.andi %eq3A_618, %or3A_607 : vector<16xi1>
          %or3A_620 = arith.ori %and3A_613, %and3A_619 : vector<16xi1>
          %jit3A_621 = arith.constant 1 : i32
          %jit3A_622 = arith.constant 0 : i32
          %broadcast_in_dim3A_623 = vector.broadcast %jit3A_621 : i32 to vector<16xi32>
          %broadcast_in_dim3A_624 = vector.broadcast %jit3A_622 : i32 to vector<16xi32>
          %select_n3A_625 = arith.select %or3A_620, %broadcast_in_dim3A_623, %broadcast_in_dim3A_624 : vector<16xi1>, vector<16xi32>
          %swap3A_626 = arith.index_cast %mul3A_543 : i32 to index
          %swap3A_627 = tpu.vector_load %arg11[%swap3A_626] {strides = array<i32>} : memref<2048xi32, #tpu.memory_space<vmem>>, vector<16xi32>,
          tpu.vector_store %arg11[%swap3A_626], %select_n3A_625 {strides = array<i32>} : memref<2048xi32, #tpu.memory_space<vmem>>, vector<16xi32>,
          %mul3A_628 = arith.constant 16 : i32
          %mul3A_629 = arith.muli %scan3A_89, %mul3A_628 : i32
          %add3A_630 = arith.constant 6 : i32
          %add3A_631 = arith.addi %mul3A_629, %add3A_630 : i32
          %mul3A_632 = arith.constant 16 : i32
          %mul3A_633 = arith.muli %add3A_631, %mul3A_632 : i32
          %get3A_634 = arith.constant 0 : i32
          %get3A_635 = arith.index_cast %get3A_634 : i32 to index
          %get3A_636 = arith.index_cast %mul3A_633 : i32 to index
          %get3A_637 = tpu.vector_load %arg7[%get3A_635, %get3A_636] {strides = array<i32>} : memref<2x2048xi32, #tpu.memory_space<vmem>>, vector<16xi32>,
          %xor3A_638 = arith.xori %get3A_637, %add3A_73 : vector<16xi32>
          %get3A_639 = arith.constant 1 : i32
          %get3A_640 = arith.index_cast %get3A_639 : i32 to index
          %get3A_641 = arith.index_cast %mul3A_633 : i32 to index
          %get3A_642 = tpu.vector_load %arg7[%get3A_640, %get3A_641] {strides = array<i32>} : memref<2x2048xi32, #tpu.memory_space<vmem>>, vector<16xi32>,
          %xor3A_643 = arith.xori %get3A_642, %add3A_81 : vector<16xi32>
          %and3A_644 = arith.constant 63 : i32
          %and3A_645 = vector.broadcast %and3A_644 : i32 to vector<16xi32>
          %and3A_646 = arith.andi %xor3A_638, %and3A_645 : vector<16xi32>
          %eq3A_647 = arith.constant 0 : i32
          %eq3A_648 = vector.broadcast %eq3A_647 : i32 to vector<16xi32>
          %eq3A_649 = arith.cmpi eq, %and3A_646, %eq3A_648 : vector<16xi32>
          %and3A_650 = arith.constant 4032 : i32
          %and3A_651 = vector.broadcast %and3A_650 : i32 to vector<16xi32>
          %and3A_652 = arith.andi %xor3A_638, %and3A_651 : vector<16xi32>
          %eq3A_653 = arith.constant 0 : i32
          %eq3A_654 = vector.broadcast %eq3A_653 : i32 to vector<16xi32>
          %eq3A_655 = arith.cmpi eq, %and3A_652, %eq3A_654 : vector<16xi32>
          %or3A_656 = arith.ori %eq3A_649, %eq3A_655 : vector<16xi1>
          %and3A_657 = arith.constant 258048 : i32
          %and3A_658 = vector.broadcast %and3A_657 : i32 to vector<16xi32>
          %and3A_659 = arith.andi %xor3A_638, %and3A_658 : vector<16xi32>
          %eq3A_660 = arith.constant 0 : i32
          %eq3A_661 = vector.broadcast %eq3A_660 : i32 to vector<16xi32>
          %eq3A_662 = arith.cmpi eq, %and3A_659, %eq3A_661 : vector<16xi32>
          %or3A_663 = arith.ori %or3A_656, %eq3A_662 : vector<16xi1>
          %and3A_664 = arith.constant 16515072 : i32
          %and3A_665 = vector.broadcast %and3A_664 : i32 to vector<16xi32>
          %and3A_666 = arith.andi %xor3A_638, %and3A_665 : vector<16xi32>
          %eq3A_667 = arith.constant 0 : i32
          %eq3A_668 = vector.broadcast %eq3A_667 : i32 to vector<16xi32>
          %eq3A_669 = arith.cmpi eq, %and3A_666, %eq3A_668 : vector<16xi32>
          %or3A_670 = arith.ori %or3A_663, %eq3A_669 : vector<16xi1>
          %and3A_671 = arith.constant 63 : i32
          %and3A_672 = vector.broadcast %and3A_671 : i32 to vector<16xi32>
          %and3A_673 = arith.andi %xor3A_643, %and3A_672 : vector<16xi32>
          %eq3A_674 = arith.constant 0 : i32
          %eq3A_675 = vector.broadcast %eq3A_674 : i32 to vector<16xi32>
          %eq3A_676 = arith.cmpi eq, %and3A_673, %eq3A_675 : vector<16xi32>
          %and3A_677 = arith.constant 4032 : i32
          %and3A_678 = vector.broadcast %and3A_677 : i32 to vector<16xi32>
          %and3A_679 = arith.andi %xor3A_643, %and3A_678 : vector<16xi32>
          %eq3A_680 = arith.constant 0 : i32
          %eq3A_681 = vector.broadcast %eq3A_680 : i32 to vector<16xi32>
          %eq3A_682 = arith.cmpi eq, %and3A_679, %eq3A_681 : vector<16xi32>
          %or3A_683 = arith.ori %eq3A_676, %eq3A_682 : vector<16xi1>
          %and3A_684 = arith.constant 258048 : i32
          %and3A_685 = vector.broadcast %and3A_684 : i32 to vector<16xi32>
          %and3A_686 = arith.andi %xor3A_643, %and3A_685 : vector<16xi32>
          %eq3A_687 = arith.constant 0 : i32
          %eq3A_688 = vector.broadcast %eq3A_687 : i32 to vector<16xi32>
          %eq3A_689 = arith.cmpi eq, %and3A_686, %eq3A_688 : vector<16xi32>
          %or3A_690 = arith.ori %or3A_683, %eq3A_689 : vector<16xi1>
          %and3A_691 = arith.constant 16515072 : i32
          %and3A_692 = vector.broadcast %and3A_691 : i32 to vector<16xi32>
          %and3A_693 = arith.andi %xor3A_643, %and3A_692 : vector<16xi32>
          %eq3A_694 = arith.constant 0 : i32
          %eq3A_695 = vector.broadcast %eq3A_694 : i32 to vector<16xi32>
          %eq3A_696 = arith.cmpi eq, %and3A_693, %eq3A_695 : vector<16xi32>
          %or3A_697 = arith.ori %or3A_690, %eq3A_696 : vector<16xi1>
          %get3A_698 = arith.constant 0 : i32
          %get3A_699 = arith.index_cast %get3A_698 : i32 to index
          %get3A_700 = arith.index_cast %mul3A_633 : i32 to index
          %get3A_701 = tpu.vector_load %arg6[%get3A_699, %get3A_700] {strides = array<i32>} : memref<2x2048xi32, #tpu.memory_space<vmem>>, vector<16xi32>,
          %eq3A_702 = arith.cmpi eq, %get3A_701, %add3A_45 : vector<16xi32>
          %and3A_703 = arith.andi %eq3A_702, %or3A_670 : vector<16xi1>
          %get3A_704 = arith.constant 1 : i32
          %get3A_705 = arith.index_cast %get3A_704 : i32 to index
          %get3A_706 = arith.index_cast %mul3A_633 : i32 to index
          %get3A_707 = tpu.vector_load %arg6[%get3A_705, %get3A_706] {strides = array<i32>} : memref<2x2048xi32, #tpu.memory_space<vmem>>, vector<16xi32>,
          %eq3A_708 = arith.cmpi eq, %get3A_707, %add3A_53 : vector<16xi32>
          %and3A_709 = arith.andi %eq3A_708, %or3A_697 : vector<16xi1>
          %or3A_710 = arith.ori %and3A_703, %and3A_709 : vector<16xi1>
          %jit3A_711 = arith.constant 1 : i32
          %jit3A_712 = arith.constant 0 : i32
          %broadcast_in_dim3A_713 = vector.broadcast %jit3A_711 : i32 to vector<16xi32>
          %broadcast_in_dim3A_714 = vector.broadcast %jit3A_712 : i32 to vector<16xi32>
          %select_n3A_715 = arith.select %or3A_710, %broadcast_in_dim3A_713, %broadcast_in_dim3A_714 : vector<16xi1>, vector<16xi32>
          %swap3A_716 = arith.index_cast %mul3A_633 : i32 to index
          %swap3A_717 = tpu.vector_load %arg11[%swap3A_716] {strides = array<i32>} : memref<2048xi32, #tpu.memory_space<vmem>>, vector<16xi32>,
          tpu.vector_store %arg11[%swap3A_716], %select_n3A_715 {strides = array<i32>} : memref<2048xi32, #tpu.memory_space<vmem>>, vector<16xi32>,
          %mul3A_718 = arith.constant 16 : i32
          %mul3A_719 = arith.muli %scan3A_89, %mul3A_718 : i32
          %add3A_720 = arith.constant 7 : i32
          %add3A_721 = arith.addi %mul3A_719, %add3A_720 : i32
          %mul3A_722 = arith.constant 16 : i32
          %mul3A_723 = arith.muli %add3A_721, %mul3A_722 : i32
          %get3A_724 = arith.constant 0 : i32
          %get3A_725 = arith.index_cast %get3A_724 : i32 to index
          %get3A_726 = arith.index_cast %mul3A_723 : i32 to index
          %get3A_727 = tpu.vector_load %arg7[%get3A_725, %get3A_726] {strides = array<i32>} : memref<2x2048xi32, #tpu.memory_space<vmem>>, vector<16xi32>,
          %xor3A_728 = arith.xori %get3A_727, %add3A_73 : vector<16xi32>
          %get3A_729 = arith.constant 1 : i32
          %get3A_730 = arith.index_cast %get3A_729 : i32 to index
          %get3A_731 = arith.index_cast %mul3A_723 : i32 to index
          %get3A_732 = tpu.vector_load %arg7[%get3A_730, %get3A_731] {strides = array<i32>} : memref<2x2048xi32, #tpu.memory_space<vmem>>, vector<16xi32>,
          %xor3A_733 = arith.xori %get3A_732, %add3A_81 : vector<16xi32>
          %and3A_734 = arith.constant 63 : i32
          %and3A_735 = vector.broadcast %and3A_734 : i32 to vector<16xi32>
          %and3A_736 = arith.andi %xor3A_728, %and3A_735 : vector<16xi32>
          %eq3A_737 = arith.constant 0 : i32
          %eq3A_738 = vector.broadcast %eq3A_737 : i32 to vector<16xi32>
          %eq3A_739 = arith.cmpi eq, %and3A_736, %eq3A_738 : vector<16xi32>
          %and3A_740 = arith.constant 4032 : i32
          %and3A_741 = vector.broadcast %and3A_740 : i32 to vector<16xi32>
          %and3A_742 = arith.andi %xor3A_728, %and3A_741 : vector<16xi32>
          %eq3A_743 = arith.constant 0 : i32
          %eq3A_744 = vector.broadcast %eq3A_743 : i32 to vector<16xi32>
          %eq3A_745 = arith.cmpi eq, %and3A_742, %eq3A_744 : vector<16xi32>
          %or3A_746 = arith.ori %eq3A_739, %eq3A_745 : vector<16xi1>
          %and3A_747 = arith.constant 258048 : i32
          %and3A_748 = vector.broadcast %and3A_747 : i32 to vector<16xi32>
          %and3A_749 = arith.andi %xor3A_728, %and3A_748 : vector<16xi32>
          %eq3A_750 = arith.constant 0 : i32
          %eq3A_751 = vector.broadcast %eq3A_750 : i32 to vector<16xi32>
          %eq3A_752 = arith.cmpi eq, %and3A_749, %eq3A_751 : vector<16xi32>
          %or3A_753 = arith.ori %or3A_746, %eq3A_752 : vector<16xi1>
          %and3A_754 = arith.constant 16515072 : i32
          %and3A_755 = vector.broadcast %and3A_754 : i32 to vector<16xi32>
          %and3A_756 = arith.andi %xor3A_728, %and3A_755 : vector<16xi32>
          %eq3A_757 = arith.constant 0 : i32
          %eq3A_758 = vector.broadcast %eq3A_757 : i32 to vector<16xi32>
          %eq3A_759 = arith.cmpi eq, %and3A_756, %eq3A_758 : vector<16xi32>
          %or3A_760 = arith.ori %or3A_753, %eq3A_759 : vector<16xi1>
          %and3A_761 = arith.constant 63 : i32
          %and3A_762 = vector.broadcast %and3A_761 : i32 to vector<16xi32>
          %and3A_763 = arith.andi %xor3A_733, %and3A_762 : vector<16xi32>
          %eq3A_764 = arith.constant 0 : i32
          %eq3A_765 = vector.broadcast %eq3A_764 : i32 to vector<16xi32>
          %eq3A_766 = arith.cmpi eq, %and3A_763, %eq3A_765 : vector<16xi32>
          %and3A_767 = arith.constant 4032 : i32
          %and3A_768 = vector.broadcast %and3A_767 : i32 to vector<16xi32>
          %and3A_769 = arith.andi %xor3A_733, %and3A_768 : vector<16xi32>
          %eq3A_770 = arith.constant 0 : i32
          %eq3A_771 = vector.broadcast %eq3A_770 : i32 to vector<16xi32>
          %eq3A_772 = arith.cmpi eq, %and3A_769, %eq3A_771 : vector<16xi32>
          %or3A_773 = arith.ori %eq3A_766, %eq3A_772 : vector<16xi1>
          %and3A_774 = arith.constant 258048 : i32
          %and3A_775 = vector.broadcast %and3A_774 : i32 to vector<16xi32>
          %and3A_776 = arith.andi %xor3A_733, %and3A_775 : vector<16xi32>
          %eq3A_777 = arith.constant 0 : i32
          %eq3A_778 = vector.broadcast %eq3A_777 : i32 to vector<16xi32>
          %eq3A_779 = arith.cmpi eq, %and3A_776, %eq3A_778 : vector<16xi32>
          %or3A_780 = arith.ori %or3A_773, %eq3A_779 : vector<16xi1>
          %and3A_781 = arith.constant 16515072 : i32
          %and3A_782 = vector.broadcast %and3A_781 : i32 to vector<16xi32>
          %and3A_783 = arith.andi %xor3A_733, %and3A_782 : vector<16xi32>
          %eq3A_784 = arith.constant 0 : i32
          %eq3A_785 = vector.broadcast %eq3A_784 : i32 to vector<16xi32>
          %eq3A_786 = arith.cmpi eq, %and3A_783, %eq3A_785 : vector<16xi32>
          %or3A_787 = arith.ori %or3A_780, %eq3A_786 : vector<16xi1>
          %get3A_788 = arith.constant 0 : i32
          %get3A_789 = arith.index_cast %get3A_788 : i32 to index
          %get3A_790 = arith.index_cast %mul3A_723 : i32 to index
          %get3A_791 = tpu.vector_load %arg6[%get3A_789, %get3A_790] {strides = array<i32>} : memref<2x2048xi32, #tpu.memory_space<vmem>>, vector<16xi32>,
          %eq3A_792 = arith.cmpi eq, %get3A_791, %add3A_45 : vector<16xi32>
          %and3A_793 = arith.andi %eq3A_792, %or3A_760 : vector<16xi1>
          %get3A_794 = arith.constant 1 : i32
          %get3A_795 = arith.index_cast %get3A_794 : i32 to index
          %get3A_796 = arith.index_cast %mul3A_723 : i32 to index
          %get3A_797 = tpu.vector_load %arg6[%get3A_795, %get3A_796] {strides = array<i32>} : memref<2x2048xi32, #tpu.memory_space<vmem>>, vector<16xi32>,
          %eq3A_798 = arith.cmpi eq, %get3A_797, %add3A_53 : vector<16xi32>
          %and3A_799 = arith.andi %eq3A_798, %or3A_787 : vector<16xi1>
          %or3A_800 = arith.ori %and3A_793, %and3A_799 : vector<16xi1>
          %jit3A_801 = arith.constant 1 : i32
          %jit3A_802 = arith.constant 0 : i32
          %broadcast_in_dim3A_803 = vector.broadcast %jit3A_801 : i32 to vector<16xi32>
          %broadcast_in_dim3A_804 = vector.broadcast %jit3A_802 : i32 to vector<16xi32>
          %select_n3A_805 = arith.select %or3A_800, %broadcast_in_dim3A_803, %broadcast_in_dim3A_804 : vector<16xi1>, vector<16xi32>
          %swap3A_806 = arith.index_cast %mul3A_723 : i32 to index
          %swap3A_807 = tpu.vector_load %arg11[%swap3A_806] {strides = array<i32>} : memref<2048xi32, #tpu.memory_space<vmem>>, vector<16xi32>,
          tpu.vector_store %arg11[%swap3A_806], %select_n3A_805 {strides = array<i32>} : memref<2048xi32, #tpu.memory_space<vmem>>, vector<16xi32>,
          %mul3A_808 = arith.constant 16 : i32
          %mul3A_809 = arith.muli %scan3A_89, %mul3A_808 : i32
          %add3A_810 = arith.constant 8 : i32
          %add3A_811 = arith.addi %mul3A_809, %add3A_810 : i32
          %mul3A_812 = arith.constant 16 : i32
          %mul3A_813 = arith.muli %add3A_811, %mul3A_812 : i32
          %get3A_814 = arith.constant 0 : i32
          %get3A_815 = arith.index_cast %get3A_814 : i32 to index
          %get3A_816 = arith.index_cast %mul3A_813 : i32 to index
          %get3A_817 = tpu.vector_load %arg7[%get3A_815, %get3A_816] {strides = array<i32>} : memref<2x2048xi32, #tpu.memory_space<vmem>>, vector<16xi32>,
          %xor3A_818 = arith.xori %get3A_817, %add3A_73 : vector<16xi32>
          %get3A_819 = arith.constant 1 : i32
          %get3A_820 = arith.index_cast %get3A_819 : i32 to index
          %get3A_821 = arith.index_cast %mul3A_813 : i32 to index
          %get3A_822 = tpu.vector_load %arg7[%get3A_820, %get3A_821] {strides = array<i32>} : memref<2x2048xi32, #tpu.memory_space<vmem>>, vector<16xi32>,
          %xor3A_823 = arith.xori %get3A_822, %add3A_81 : vector<16xi32>
          %and3A_824 = arith.constant 63 : i32
          %and3A_825 = vector.broadcast %and3A_824 : i32 to vector<16xi32>
          %and3A_826 = arith.andi %xor3A_818, %and3A_825 : vector<16xi32>
          %eq3A_827 = arith.constant 0 : i32
          %eq3A_828 = vector.broadcast %eq3A_827 : i32 to vector<16xi32>
          %eq3A_829 = arith.cmpi eq, %and3A_826, %eq3A_828 : vector<16xi32>
          %and3A_830 = arith.constant 4032 : i32
          %and3A_831 = vector.broadcast %and3A_830 : i32 to vector<16xi32>
          %and3A_832 = arith.andi %xor3A_818, %and3A_831 : vector<16xi32>
          %eq3A_833 = arith.constant 0 : i32
          %eq3A_834 = vector.broadcast %eq3A_833 : i32 to vector<16xi32>
          %eq3A_835 = arith.cmpi eq, %and3A_832, %eq3A_834 : vector<16xi32>
          %or3A_836 = arith.ori %eq3A_829, %eq3A_835 : vector<16xi1>
          %and3A_837 = arith.constant 258048 : i32
          %and3A_838 = vector.broadcast %and3A_837 : i32 to vector<16xi32>
          %and3A_839 = arith.andi %xor3A_818, %and3A_838 : vector<16xi32>
          %eq3A_840 = arith.constant 0 : i32
          %eq3A_841 = vector.broadcast %eq3A_840 : i32 to vector<16xi32>
          %eq3A_842 = arith.cmpi eq, %and3A_839, %eq3A_841 : vector<16xi32>
          %or3A_843 = arith.ori %or3A_836, %eq3A_842 : vector<16xi1>
          %and3A_844 = arith.constant 16515072 : i32
          %and3A_845 = vector.broadcast %and3A_844 : i32 to vector<16xi32>
          %and3A_846 = arith.andi %xor3A_818, %and3A_845 : vector<16xi32>
          %eq3A_847 = arith.constant 0 : i32
          %eq3A_848 = vector.broadcast %eq3A_847 : i32 to vector<16xi32>
          %eq3A_849 = arith.cmpi eq, %and3A_846, %eq3A_848 : vector<16xi32>
          %or3A_850 = arith.ori %or3A_843, %eq3A_849 : vector<16xi1>
          %and3A_851 = arith.constant 63 : i32
          %and3A_852 = vector.broadcast %and3A_851 : i32 to vector<16xi32>
          %and3A_853 = arith.andi %xor3A_823, %and3A_852 : vector<16xi32>
          %eq3A_854 = arith.constant 0 : i32
          %eq3A_855 = vector.broadcast %eq3A_854 : i32 to vector<16xi32>
          %eq3A_856 = arith.cmpi eq, %and3A_853, %eq3A_855 : vector<16xi32>
          %and3A_857 = arith.constant 4032 : i32
          %and3A_858 = vector.broadcast %and3A_857 : i32 to vector<16xi32>
          %and3A_859 = arith.andi %xor3A_823, %and3A_858 : vector<16xi32>
          %eq3A_860 = arith.constant 0 : i32
          %eq3A_861 = vector.broadcast %eq3A_860 : i32 to vector<16xi32>
          %eq3A_862 = arith.cmpi eq, %and3A_859, %eq3A_861 : vector<16xi32>
          %or3A_863 = arith.ori %eq3A_856, %eq3A_862 : vector<16xi1>
          %and3A_864 = arith.constant 258048 : i32
          %and3A_865 = vector.broadcast %and3A_864 : i32 to vector<16xi32>
          %and3A_866 = arith.andi %xor3A_823, %and3A_865 : vector<16xi32>
          %eq3A_867 = arith.constant 0 : i32
          %eq3A_868 = vector.broadcast %eq3A_867 : i32 to vector<16xi32>
          %eq3A_869 = arith.cmpi eq, %and3A_866, %eq3A_868 : vector<16xi32>
          %or3A_870 = arith.ori %or3A_863, %eq3A_869 : vector<16xi1>
          %and3A_871 = arith.constant 16515072 : i32
          %and3A_872 = vector.broadcast %and3A_871 : i32 to vector<16xi32>
          %and3A_873 = arith.andi %xor3A_823, %and3A_872 : vector<16xi32>
          %eq3A_874 = arith.constant 0 : i32
          %eq3A_875 = vector.broadcast %eq3A_874 : i32 to vector<16xi32>
          %eq3A_876 = arith.cmpi eq, %and3A_873, %eq3A_875 : vector<16xi32>
          %or3A_877 = arith.ori %or3A_870, %eq3A_876 : vector<16xi1>
          %get3A_878 = arith.constant 0 : i32
          %get3A_879 = arith.index_cast %get3A_878 : i32 to index
          %get3A_880 = arith.index_cast %mul3A_813 : i32 to index
          %get3A_881 = tpu.vector_load %arg6[%get3A_879, %get3A_880] {strides = array<i32>} : memref<2x2048xi32, #tpu.memory_space<vmem>>, vector<16xi32>,
          %eq3A_882 = arith.cmpi eq, %get3A_881, %add3A_45 : vector<16xi32>
          %and3A_883 = arith.andi %eq3A_882, %or3A_850 : vector<16xi1>
          %get3A_884 = arith.constant 1 : i32
          %get3A_885 = arith.index_cast %get3A_884 : i32 to index
          %get3A_886 = arith.index_cast %mul3A_813 : i32 to index
          %get3A_887 = tpu.vector_load %arg6[%get3A_885, %get3A_886] {strides = array<i32>} : memref<2x2048xi32, #tpu.memory_space<vmem>>, vector<16xi32>,
          %eq3A_888 = arith.cmpi eq, %get3A_887, %add3A_53 : vector<16xi32>
          %and3A_889 = arith.andi %eq3A_888, %or3A_877 : vector<16xi1>
          %or3A_890 = arith.ori %and3A_883, %and3A_889 : vector<16xi1>
          %jit3A_891 = arith.constant 1 : i32
          %jit3A_892 = arith.constant 0 : i32
          %broadcast_in_dim3A_893 = vector.broadcast %jit3A_891 : i32 to vector<16xi32>
          %broadcast_in_dim3A_894 = vector.broadcast %jit3A_892 : i32 to vector<16xi32>
          %select_n3A_895 = arith.select %or3A_890, %broadcast_in_dim3A_893, %broadcast_in_dim3A_894 : vector<16xi1>, vector<16xi32>
          %swap3A_896 = arith.index_cast %mul3A_813 : i32 to index
          %swap3A_897 = tpu.vector_load %arg11[%swap3A_896] {strides = array<i32>} : memref<2048xi32, #tpu.memory_space<vmem>>, vector<16xi32>,
          tpu.vector_store %arg11[%swap3A_896], %select_n3A_895 {strides = array<i32>} : memref<2048xi32, #tpu.memory_space<vmem>>, vector<16xi32>,
          %mul3A_898 = arith.constant 16 : i32
          %mul3A_899 = arith.muli %scan3A_89, %mul3A_898 : i32
          %add3A_900 = arith.constant 9 : i32
          %add3A_901 = arith.addi %mul3A_899, %add3A_900 : i32
          %mul3A_902 = arith.constant 16 : i32
          %mul3A_903 = arith.muli %add3A_901, %mul3A_902 : i32
          %get3A_904 = arith.constant 0 : i32
          %get3A_905 = arith.index_cast %get3A_904 : i32 to index
          %get3A_906 = arith.index_cast %mul3A_903 : i32 to index
          %get3A_907 = tpu.vector_load %arg7[%get3A_905, %get3A_906] {strides = array<i32>} : memref<2x2048xi32, #tpu.memory_space<vmem>>, vector<16xi32>,
          %xor3A_908 = arith.xori %get3A_907, %add3A_73 : vector<16xi32>
          %get3A_909 = arith.constant 1 : i32
          %get3A_910 = arith.index_cast %get3A_909 : i32 to index
          %get3A_911 = arith.index_cast %mul3A_903 : i32 to index
          %get3A_912 = tpu.vector_load %arg7[%get3A_910, %get3A_911] {strides = array<i32>} : memref<2x2048xi32, #tpu.memory_space<vmem>>, vector<16xi32>,
          %xor3A_913 = arith.xori %get3A_912, %add3A_81 : vector<16xi32>
          %and3A_914 = arith.constant 63 : i32
          %and3A_915 = vector.broadcast %and3A_914 : i32 to vector<16xi32>
          %and3A_916 = arith.andi %xor3A_908, %and3A_915 : vector<16xi32>
          %eq3A_917 = arith.constant 0 : i32
          %eq3A_918 = vector.broadcast %eq3A_917 : i32 to vector<16xi32>
          %eq3A_919 = arith.cmpi eq, %and3A_916, %eq3A_918 : vector<16xi32>
          %and3A_920 = arith.constant 4032 : i32
          %and3A_921 = vector.broadcast %and3A_920 : i32 to vector<16xi32>
          %and3A_922 = arith.andi %xor3A_908, %and3A_921 : vector<16xi32>
          %eq3A_923 = arith.constant 0 : i32
          %eq3A_924 = vector.broadcast %eq3A_923 : i32 to vector<16xi32>
          %eq3A_925 = arith.cmpi eq, %and3A_922, %eq3A_924 : vector<16xi32>
          %or3A_926 = arith.ori %eq3A_919, %eq3A_925 : vector<16xi1>
          %and3A_927 = arith.constant 258048 : i32
          %and3A_928 = vector.broadcast %and3A_927 : i32 to vector<16xi32>
          %and3A_929 = arith.andi %xor3A_908, %and3A_928 : vector<16xi32>
          %eq3A_930 = arith.constant 0 : i32
          %eq3A_931 = vector.broadcast %eq3A_930 : i32 to vector<16xi32>
          %eq3A_932 = arith.cmpi eq, %and3A_929, %eq3A_931 : vector<16xi32>
          %or3A_933 = arith.ori %or3A_926, %eq3A_932 : vector<16xi1>
          %and3A_934 = arith.constant 16515072 : i32
          %and3A_935 = vector.broadcast %and3A_934 : i32 to vector<16xi32>
          %and3A_936 = arith.andi %xor3A_908, %and3A_935 : vector<16xi32>
          %eq3A_937 = arith.constant 0 : i32
          %eq3A_938 = vector.broadcast %eq3A_937 : i32 to vector<16xi32>
          %eq3A_939 = arith.cmpi eq, %and3A_936, %eq3A_938 : vector<16xi32>
          %or3A_940 = arith.ori %or3A_933, %eq3A_939 : vector<16xi1>
          %and3A_941 = arith.constant 63 : i32
          %and3A_942 = vector.broadcast %and3A_941 : i32 to vector<16xi32>
          %and3A_943 = arith.andi %xor3A_913, %and3A_942 : vector<16xi32>
          %eq3A_944 = arith.constant 0 : i32
          %eq3A_945 = vector.broadcast %eq3A_944 : i32 to vector<16xi32>
          %eq3A_946 = arith.cmpi eq, %and3A_943, %eq3A_945 : vector<16xi32>
          %and3A_947 = arith.constant 4032 : i32
          %and3A_948 = vector.broadcast %and3A_947 : i32 to vector<16xi32>
          %and3A_949 = arith.andi %xor3A_913, %and3A_948 : vector<16xi32>
          %eq3A_950 = arith.constant 0 : i32
          %eq3A_951 = vector.broadcast %eq3A_950 : i32 to vector<16xi32>
          %eq3A_952 = arith.cmpi eq, %and3A_949, %eq3A_951 : vector<16xi32>
          %or3A_953 = arith.ori %eq3A_946, %eq3A_952 : vector<16xi1>
          %and3A_954 = arith.constant 258048 : i32
          %and3A_955 = vector.broadcast %and3A_954 : i32 to vector<16xi32>
          %and3A_956 = arith.andi %xor3A_913, %and3A_955 : vector<16xi32>
          %eq3A_957 = arith.constant 0 : i32
          %eq3A_958 = vector.broadcast %eq3A_957 : i32 to vector<16xi32>
          %eq3A_959 = arith.cmpi eq, %and3A_956, %eq3A_958 : vector<16xi32>
          %or3A_960 = arith.ori %or3A_953, %eq3A_959 : vector<16xi1>
          %and3A_961 = arith.constant 16515072 : i32
          %and3A_962 = vector.broadcast %and3A_961 : i32 to vector<16xi32>
          %and3A_963 = arith.andi %xor3A_913, %and3A_962 : vector<16xi32>
          %eq3A_964 = arith.constant 0 : i32
          %eq3A_965 = vector.broadcast %eq3A_964 : i32 to vector<16xi32>
          %eq3A_966 = arith.cmpi eq, %and3A_963, %eq3A_965 : vector<16xi32>
          %or3A_967 = arith.ori %or3A_960, %eq3A_966 : vector<16xi1>
          %get3A_968 = arith.constant 0 : i32
          %get3A_969 = arith.index_cast %get3A_968 : i32 to index
          %get3A_970 = arith.index_cast %mul3A_903 : i32 to index
          %get3A_971 = tpu.vector_load %arg6[%get3A_969, %get3A_970] {strides = array<i32>} : memref<2x2048xi32, #tpu.memory_space<vmem>>, vector<16xi32>,
          %eq3A_972 = arith.cmpi eq, %get3A_971, %add3A_45 : vector<16xi32>
          %and3A_973 = arith.andi %eq3A_972, %or3A_940 : vector<16xi1>
          %get3A_974 = arith.constant 1 : i32
          %get3A_975 = arith.index_cast %get3A_974 : i32 to index
          %get3A_976 = arith.index_cast %mul3A_903 : i32 to index
          %get3A_977 = tpu.vector_load %arg6[%get3A_975, %get3A_976] {strides = array<i32>} : memref<2x2048xi32, #tpu.memory_space<vmem>>, vector<16xi32>,
          %eq3A_978 = arith.cmpi eq, %get3A_977, %add3A_53 : vector<16xi32>
          %and3A_979 = arith.andi %eq3A_978, %or3A_967 : vector<16xi1>
          %or3A_980 = arith.ori %and3A_973, %and3A_979 : vector<16xi1>
          %jit3A_981 = arith.constant 1 : i32
          %jit3A_982 = arith.constant 0 : i32
          %broadcast_in_dim3A_983 = vector.broadcast %jit3A_981 : i32 to vector<16xi32>
          %broadcast_in_dim3A_984 = vector.broadcast %jit3A_982 : i32 to vector<16xi32>
          %select_n3A_985 = arith.select %or3A_980, %broadcast_in_dim3A_983, %broadcast_in_dim3A_984 : vector<16xi1>, vector<16xi32>
          %swap3A_986 = arith.index_cast %mul3A_903 : i32 to index
          %swap3A_987 = tpu.vector_load %arg11[%swap3A_986] {strides = array<i32>} : memref<2048xi32, #tpu.memory_space<vmem>>, vector<16xi32>,
          tpu.vector_store %arg11[%swap3A_986], %select_n3A_985 {strides = array<i32>} : memref<2048xi32, #tpu.memory_space<vmem>>, vector<16xi32>,
          %mul3A_988 = arith.constant 16 : i32
          %mul3A_989 = arith.muli %scan3A_89, %mul3A_988 : i32
          %add3A_990 = arith.constant 10 : i32
          %add3A_991 = arith.addi %mul3A_989, %add3A_990 : i32
          %mul3A_992 = arith.constant 16 : i32
          %mul3A_993 = arith.muli %add3A_991, %mul3A_992 : i32
          %get3A_994 = arith.constant 0 : i32
          %get3A_995 = arith.index_cast %get3A_994 : i32 to index
          %get3A_996 = arith.index_cast %mul3A_993 : i32 to index
          %get3A_997 = tpu.vector_load %arg7[%get3A_995, %get3A_996] {strides = array<i32>} : memref<2x2048xi32, #tpu.memory_space<vmem>>, vector<16xi32>,
          %xor3A_998 = arith.xori %get3A_997, %add3A_73 : vector<16xi32>
          %get3A_999 = arith.constant 1 : i32
          %get3A_1000 = arith.index_cast %get3A_999 : i32 to index
          %get3A_1001 = arith.index_cast %mul3A_993 : i32 to index
          %get3A_1002 = tpu.vector_load %arg7[%get3A_1000, %get3A_1001] {strides = array<i32>} : memref<2x2048xi32, #tpu.memory_space<vmem>>, vector<16xi32>,
          %xor3A_1003 = arith.xori %get3A_1002, %add3A_81 : vector<16xi32>
          %and3A_1004 = arith.constant 63 : i32
          %and3A_1005 = vector.broadcast %and3A_1004 : i32 to vector<16xi32>
          %and3A_1006 = arith.andi %xor3A_998, %and3A_1005 : vector<16xi32>
          %eq3A_1007 = arith.constant 0 : i32
          %eq3A_1008 = vector.broadcast %eq3A_1007 : i32 to vector<16xi32>
          %eq3A_1009 = arith.cmpi eq, %and3A_1006, %eq3A_1008 : vector<16xi32>
          %and3A_1010 = arith.constant 4032 : i32
          %and3A_1011 = vector.broadcast %and3A_1010 : i32 to vector<16xi32>
          %and3A_1012 = arith.andi %xor3A_998, %and3A_1011 : vector<16xi32>
          %eq3A_1013 = arith.constant 0 : i32
          %eq3A_1014 = vector.broadcast %eq3A_1013 : i32 to vector<16xi32>
          %eq3A_1015 = arith.cmpi eq, %and3A_1012, %eq3A_1014 : vector<16xi32>
          %or3A_1016 = arith.ori %eq3A_1009, %eq3A_1015 : vector<16xi1>
          %and3A_1017 = arith.constant 258048 : i32
          %and3A_1018 = vector.broadcast %and3A_1017 : i32 to vector<16xi32>
          %and3A_1019 = arith.andi %xor3A_998, %and3A_1018 : vector<16xi32>
          %eq3A_1020 = arith.constant 0 : i32
          %eq3A_1021 = vector.broadcast %eq3A_1020 : i32 to vector<16xi32>
          %eq3A_1022 = arith.cmpi eq, %and3A_1019, %eq3A_1021 : vector<16xi32>
          %or3A_1023 = arith.ori %or3A_1016, %eq3A_1022 : vector<16xi1>
          %and3A_1024 = arith.constant 16515072 : i32
          %and3A_1025 = vector.broadcast %and3A_1024 : i32 to vector<16xi32>
          %and3A_1026 = arith.andi %xor3A_998, %and3A_1025 : vector<16xi32>
          %eq3A_1027 = arith.constant 0 : i32
          %eq3A_1028 = vector.broadcast %eq3A_1027 : i32 to vector<16xi32>
          %eq3A_1029 = arith.cmpi eq, %and3A_1026, %eq3A_1028 : vector<16xi32>
          %or3A_1030 = arith.ori %or3A_1023, %eq3A_1029 : vector<16xi1>
          %and3A_1031 = arith.constant 63 : i32
          %and3A_1032 = vector.broadcast %and3A_1031 : i32 to vector<16xi32>
          %and3A_1033 = arith.andi %xor3A_1003, %and3A_1032 : vector<16xi32>
          %eq3A_1034 = arith.constant 0 : i32
          %eq3A_1035 = vector.broadcast %eq3A_1034 : i32 to vector<16xi32>
          %eq3A_1036 = arith.cmpi eq, %and3A_1033, %eq3A_1035 : vector<16xi32>
          %and3A_1037 = arith.constant 4032 : i32
          %and3A_1038 = vector.broadcast %and3A_1037 : i32 to vector<16xi32>
          %and3A_1039 = arith.andi %xor3A_1003, %and3A_1038 : vector<16xi32>
          %eq3A_1040 = arith.constant 0 : i32
          %eq3A_1041 = vector.broadcast %eq3A_1040 : i32 to vector<16xi32>
          %eq3A_1042 = arith.cmpi eq, %and3A_1039, %eq3A_1041 : vector<16xi32>
          %or3A_1043 = arith.ori %eq3A_1036, %eq3A_1042 : vector<16xi1>
          %and3A_1044 = arith.constant 258048 : i32
          %and3A_1045 = vector.broadcast %and3A_1044 : i32 to vector<16xi32>
          %and3A_1046 = arith.andi %xor3A_1003, %and3A_1045 : vector<16xi32>
          %eq3A_1047 = arith.constant 0 : i32
          %eq3A_1048 = vector.broadcast %eq3A_1047 : i32 to vector<16xi32>
          %eq3A_1049 = arith.cmpi eq, %and3A_1046, %eq3A_1048 : vector<16xi32>
          %or3A_1050 = arith.ori %or3A_1043, %eq3A_1049 : vector<16xi1>
          %and3A_1051 = arith.constant 16515072 : i32
          %and3A_1052 = vector.broadcast %and3A_1051 : i32 to vector<16xi32>
          %and3A_1053 = arith.andi %xor3A_1003, %and3A_1052 : vector<16xi32>
          %eq3A_1054 = arith.constant 0 : i32
          %eq3A_1055 = vector.broadcast %eq3A_1054 : i32 to vector<16xi32>
          %eq3A_1056 = arith.cmpi eq, %and3A_1053, %eq3A_1055 : vector<16xi32>
          %or3A_1057 = arith.ori %or3A_1050, %eq3A_1056 : vector<16xi1>
          %get3A_1058 = arith.constant 0 : i32
          %get3A_1059 = arith.index_cast %get3A_1058 : i32 to index
          %get3A_1060 = arith.index_cast %mul3A_993 : i32 to index
          %get3A_1061 = tpu.vector_load %arg6[%get3A_1059, %get3A_1060] {strides = array<i32>} : memref<2x2048xi32, #tpu.memory_space<vmem>>, vector<16xi32>,
          %eq3A_1062 = arith.cmpi eq, %get3A_1061, %add3A_45 : vector<16xi32>
          %and3A_1063 = arith.andi %eq3A_1062, %or3A_1030 : vector<16xi1>
          %get3A_1064 = arith.constant 1 : i32
          %get3A_1065 = arith.index_cast %get3A_1064 : i32 to index
          %get3A_1066 = arith.index_cast %mul3A_993 : i32 to index
          %get3A_1067 = tpu.vector_load %arg6[%get3A_1065, %get3A_1066] {strides = array<i32>} : memref<2x2048xi32, #tpu.memory_space<vmem>>, vector<16xi32>,
          %eq3A_1068 = arith.cmpi eq, %get3A_1067, %add3A_53 : vector<16xi32>
          %and3A_1069 = arith.andi %eq3A_1068, %or3A_1057 : vector<16xi1>
          %or3A_1070 = arith.ori %and3A_1063, %and3A_1069 : vector<16xi1>
          %jit3A_1071 = arith.constant 1 : i32
          %jit3A_1072 = arith.constant 0 : i32
          %broadcast_in_dim3A_1073 = vector.broadcast %jit3A_1071 : i32 to vector<16xi32>
          %broadcast_in_dim3A_1074 = vector.broadcast %jit3A_1072 : i32 to vector<16xi32>
          %select_n3A_1075 = arith.select %or3A_1070, %broadcast_in_dim3A_1073, %broadcast_in_dim3A_1074 : vector<16xi1>, vector<16xi32>
          %swap3A_1076 = arith.index_cast %mul3A_993 : i32 to index
          %swap3A_1077 = tpu.vector_load %arg11[%swap3A_1076] {strides = array<i32>} : memref<2048xi32, #tpu.memory_space<vmem>>, vector<16xi32>,
          tpu.vector_store %arg11[%swap3A_1076], %select_n3A_1075 {strides = array<i32>} : memref<2048xi32, #tpu.memory_space<vmem>>, vector<16xi32>,
          %mul3A_1078 = arith.constant 16 : i32
          %mul3A_1079 = arith.muli %scan3A_89, %mul3A_1078 : i32
          %add3A_1080 = arith.constant 11 : i32
          %add3A_1081 = arith.addi %mul3A_1079, %add3A_1080 : i32
          %mul3A_1082 = arith.constant 16 : i32
          %mul3A_1083 = arith.muli %add3A_1081, %mul3A_1082 : i32
          %get3A_1084 = arith.constant 0 : i32
          %get3A_1085 = arith.index_cast %get3A_1084 : i32 to index
          %get3A_1086 = arith.index_cast %mul3A_1083 : i32 to index
          %get3A_1087 = tpu.vector_load %arg7[%get3A_1085, %get3A_1086] {strides = array<i32>} : memref<2x2048xi32, #tpu.memory_space<vmem>>, vector<16xi32>,
          %xor3A_1088 = arith.xori %get3A_1087, %add3A_73 : vector<16xi32>
          %get3A_1089 = arith.constant 1 : i32
          %get3A_1090 = arith.index_cast %get3A_1089 : i32 to index
          %get3A_1091 = arith.index_cast %mul3A_1083 : i32 to index
          %get3A_1092 = tpu.vector_load %arg7[%get3A_1090, %get3A_1091] {strides = array<i32>} : memref<2x2048xi32, #tpu.memory_space<vmem>>, vector<16xi32>,
          %xor3A_1093 = arith.xori %get3A_1092, %add3A_81 : vector<16xi32>
          %and3A_1094 = arith.constant 63 : i32
          %and3A_1095 = vector.broadcast %and3A_1094 : i32 to vector<16xi32>
          %and3A_1096 = arith.andi %xor3A_1088, %and3A_1095 : vector<16xi32>
          %eq3A_1097 = arith.constant 0 : i32
          %eq3A_1098 = vector.broadcast %eq3A_1097 : i32 to vector<16xi32>
          %eq3A_1099 = arith.cmpi eq, %and3A_1096, %eq3A_1098 : vector<16xi32>
          %and3A_1100 = arith.constant 4032 : i32
          %and3A_1101 = vector.broadcast %and3A_1100 : i32 to vector<16xi32>
          %and3A_1102 = arith.andi %xor3A_1088, %and3A_1101 : vector<16xi32>
          %eq3A_1103 = arith.constant 0 : i32
          %eq3A_1104 = vector.broadcast %eq3A_1103 : i32 to vector<16xi32>
          %eq3A_1105 = arith.cmpi eq, %and3A_1102, %eq3A_1104 : vector<16xi32>
          %or3A_1106 = arith.ori %eq3A_1099, %eq3A_1105 : vector<16xi1>
          %and3A_1107 = arith.constant 258048 : i32
          %and3A_1108 = vector.broadcast %and3A_1107 : i32 to vector<16xi32>
          %and3A_1109 = arith.andi %xor3A_1088, %and3A_1108 : vector<16xi32>
          %eq3A_1110 = arith.constant 0 : i32
          %eq3A_1111 = vector.broadcast %eq3A_1110 : i32 to vector<16xi32>
          %eq3A_1112 = arith.cmpi eq, %and3A_1109, %eq3A_1111 : vector<16xi32>
          %or3A_1113 = arith.ori %or3A_1106, %eq3A_1112 : vector<16xi1>
          %and3A_1114 = arith.constant 16515072 : i32
          %and3A_1115 = vector.broadcast %and3A_1114 : i32 to vector<16xi32>
          %and3A_1116 = arith.andi %xor3A_1088, %and3A_1115 : vector<16xi32>
          %eq3A_1117 = arith.constant 0 : i32
          %eq3A_1118 = vector.broadcast %eq3A_1117 : i32 to vector<16xi32>
          %eq3A_1119 = arith.cmpi eq, %and3A_1116, %eq3A_1118 : vector<16xi32>
          %or3A_1120 = arith.ori %or3A_1113, %eq3A_1119 : vector<16xi1>
          %and3A_1121 = arith.constant 63 : i32
          %and3A_1122 = vector.broadcast %and3A_1121 : i32 to vector<16xi32>
          %and3A_1123 = arith.andi %xor3A_1093, %and3A_1122 : vector<16xi32>
          %eq3A_1124 = arith.constant 0 : i32
          %eq3A_1125 = vector.broadcast %eq3A_1124 : i32 to vector<16xi32>
          %eq3A_1126 = arith.cmpi eq, %and3A_1123, %eq3A_1125 : vector<16xi32>
          %and3A_1127 = arith.constant 4032 : i32
          %and3A_1128 = vector.broadcast %and3A_1127 : i32 to vector<16xi32>
          %and3A_1129 = arith.andi %xor3A_1093, %and3A_1128 : vector<16xi32>
          %eq3A_1130 = arith.constant 0 : i32
          %eq3A_1131 = vector.broadcast %eq3A_1130 : i32 to vector<16xi32>
          %eq3A_1132 = arith.cmpi eq, %and3A_1129, %eq3A_1131 : vector<16xi32>
          %or3A_1133 = arith.ori %eq3A_1126, %eq3A_1132 : vector<16xi1>
          %and3A_1134 = arith.constant 258048 : i32
          %and3A_1135 = vector.broadcast %and3A_1134 : i32 to vector<16xi32>
          %and3A_1136 = arith.andi %xor3A_1093, %and3A_1135 : vector<16xi32>
          %eq3A_1137 = arith.constant 0 : i32
          %eq3A_1138 = vector.broadcast %eq3A_1137 : i32 to vector<16xi32>
          %eq3A_1139 = arith.cmpi eq, %and3A_1136, %eq3A_1138 : vector<16xi32>
          %or3A_1140 = arith.ori %or3A_1133, %eq3A_1139 : vector<16xi1>
          %and3A_1141 = arith.constant 16515072 : i32
          %and3A_1142 = vector.broadcast %and3A_1141 : i32 to vector<16xi32>
          %and3A_1143 = arith.andi %xor3A_1093, %and3A_1142 : vector<16xi32>
          %eq3A_1144 = arith.constant 0 : i32
          %eq3A_1145 = vector.broadcast %eq3A_1144 : i32 to vector<16xi32>
          %eq3A_1146 = arith.cmpi eq, %and3A_1143, %eq3A_1145 : vector<16xi32>
          %or3A_1147 = arith.ori %or3A_1140, %eq3A_1146 : vector<16xi1>
          %get3A_1148 = arith.constant 0 : i32
          %get3A_1149 = arith.index_cast %get3A_1148 : i32 to index
          %get3A_1150 = arith.index_cast %mul3A_1083 : i32 to index
          %get3A_1151 = tpu.vector_load %arg6[%get3A_1149, %get3A_1150] {strides = array<i32>} : memref<2x2048xi32, #tpu.memory_space<vmem>>, vector<16xi32>,
          %eq3A_1152 = arith.cmpi eq, %get3A_1151, %add3A_45 : vector<16xi32>
          %and3A_1153 = arith.andi %eq3A_1152, %or3A_1120 : vector<16xi1>
          %get3A_1154 = arith.constant 1 : i32
          %get3A_1155 = arith.index_cast %get3A_1154 : i32 to index
          %get3A_1156 = arith.index_cast %mul3A_1083 : i32 to index
          %get3A_1157 = tpu.vector_load %arg6[%get3A_1155, %get3A_1156] {strides = array<i32>} : memref<2x2048xi32, #tpu.memory_space<vmem>>, vector<16xi32>,
          %eq3A_1158 = arith.cmpi eq, %get3A_1157, %add3A_53 : vector<16xi32>
          %and3A_1159 = arith.andi %eq3A_1158, %or3A_1147 : vector<16xi1>
          %or3A_1160 = arith.ori %and3A_1153, %and3A_1159 : vector<16xi1>
          %jit3A_1161 = arith.constant 1 : i32
          %jit3A_1162 = arith.constant 0 : i32
          %broadcast_in_dim3A_1163 = vector.broadcast %jit3A_1161 : i32 to vector<16xi32>
          %broadcast_in_dim3A_1164 = vector.broadcast %jit3A_1162 : i32 to vector<16xi32>
          %select_n3A_1165 = arith.select %or3A_1160, %broadcast_in_dim3A_1163, %broadcast_in_dim3A_1164 : vector<16xi1>, vector<16xi32>
          %swap3A_1166 = arith.index_cast %mul3A_1083 : i32 to index
          %swap3A_1167 = tpu.vector_load %arg11[%swap3A_1166] {strides = array<i32>} : memref<2048xi32, #tpu.memory_space<vmem>>, vector<16xi32>,
          tpu.vector_store %arg11[%swap3A_1166], %select_n3A_1165 {strides = array<i32>} : memref<2048xi32, #tpu.memory_space<vmem>>, vector<16xi32>,
          %mul3A_1168 = arith.constant 16 : i32
          %mul3A_1169 = arith.muli %scan3A_89, %mul3A_1168 : i32
          %add3A_1170 = arith.constant 12 : i32
          %add3A_1171 = arith.addi %mul3A_1169, %add3A_1170 : i32
          %mul3A_1172 = arith.constant 16 : i32
          %mul3A_1173 = arith.muli %add3A_1171, %mul3A_1172 : i32
          %get3A_1174 = arith.constant 0 : i32
          %get3A_1175 = arith.index_cast %get3A_1174 : i32 to index
          %get3A_1176 = arith.index_cast %mul3A_1173 : i32 to index
          %get3A_1177 = tpu.vector_load %arg7[%get3A_1175, %get3A_1176] {strides = array<i32>} : memref<2x2048xi32, #tpu.memory_space<vmem>>, vector<16xi32>,
          %xor3A_1178 = arith.xori %get3A_1177, %add3A_73 : vector<16xi32>
          %get3A_1179 = arith.constant 1 : i32
          %get3A_1180 = arith.index_cast %get3A_1179 : i32 to index
          %get3A_1181 = arith.index_cast %mul3A_1173 : i32 to index
          %get3A_1182 = tpu.vector_load %arg7[%get3A_1180, %get3A_1181] {strides = array<i32>} : memref<2x2048xi32, #tpu.memory_space<vmem>>, vector<16xi32>,
          %xor3A_1183 = arith.xori %get3A_1182, %add3A_81 : vector<16xi32>
          %and3A_1184 = arith.constant 63 : i32
          %and3A_1185 = vector.broadcast %and3A_1184 : i32 to vector<16xi32>
          %and3A_1186 = arith.andi %xor3A_1178, %and3A_1185 : vector<16xi32>
          %eq3A_1187 = arith.constant 0 : i32
          %eq3A_1188 = vector.broadcast %eq3A_1187 : i32 to vector<16xi32>
          %eq3A_1189 = arith.cmpi eq, %and3A_1186, %eq3A_1188 : vector<16xi32>
          %and3A_1190 = arith.constant 4032 : i32
          %and3A_1191 = vector.broadcast %and3A_1190 : i32 to vector<16xi32>
          %and3A_1192 = arith.andi %xor3A_1178, %and3A_1191 : vector<16xi32>
          %eq3A_1193 = arith.constant 0 : i32
          %eq3A_1194 = vector.broadcast %eq3A_1193 : i32 to vector<16xi32>
          %eq3A_1195 = arith.cmpi eq, %and3A_1192, %eq3A_1194 : vector<16xi32>
          %or3A_1196 = arith.ori %eq3A_1189, %eq3A_1195 : vector<16xi1>
          %and3A_1197 = arith.constant 258048 : i32
          %and3A_1198 = vector.broadcast %and3A_1197 : i32 to vector<16xi32>
          %and3A_1199 = arith.andi %xor3A_1178, %and3A_1198 : vector<16xi32>
          %eq3A_1200 = arith.constant 0 : i32
          %eq3A_1201 = vector.broadcast %eq3A_1200 : i32 to vector<16xi32>
          %eq3A_1202 = arith.cmpi eq, %and3A_1199, %eq3A_1201 : vector<16xi32>
          %or3A_1203 = arith.ori %or3A_1196, %eq3A_1202 : vector<16xi1>
          %and3A_1204 = arith.constant 16515072 : i32
          %and3A_1205 = vector.broadcast %and3A_1204 : i32 to vector<16xi32>
          %and3A_1206 = arith.andi %xor3A_1178, %and3A_1205 : vector<16xi32>
          %eq3A_1207 = arith.constant 0 : i32
          %eq3A_1208 = vector.broadcast %eq3A_1207 : i32 to vector<16xi32>
          %eq3A_1209 = arith.cmpi eq, %and3A_1206, %eq3A_1208 : vector<16xi32>
          %or3A_1210 = arith.ori %or3A_1203, %eq3A_1209 : vector<16xi1>
          %and3A_1211 = arith.constant 63 : i32
          %and3A_1212 = vector.broadcast %and3A_1211 : i32 to vector<16xi32>
          %and3A_1213 = arith.andi %xor3A_1183, %and3A_1212 : vector<16xi32>
          %eq3A_1214 = arith.constant 0 : i32
          %eq3A_1215 = vector.broadcast %eq3A_1214 : i32 to vector<16xi32>
          %eq3A_1216 = arith.cmpi eq, %and3A_1213, %eq3A_1215 : vector<16xi32>
          %and3A_1217 = arith.constant 4032 : i32
          %and3A_1218 = vector.broadcast %and3A_1217 : i32 to vector<16xi32>
          %and3A_1219 = arith.andi %xor3A_1183, %and3A_1218 : vector<16xi32>
          %eq3A_1220 = arith.constant 0 : i32
          %eq3A_1221 = vector.broadcast %eq3A_1220 : i32 to vector<16xi32>
          %eq3A_1222 = arith.cmpi eq, %and3A_1219, %eq3A_1221 : vector<16xi32>
          %or3A_1223 = arith.ori %eq3A_1216, %eq3A_1222 : vector<16xi1>
          %and3A_1224 = arith.constant 258048 : i32
          %and3A_1225 = vector.broadcast %and3A_1224 : i32 to vector<16xi32>
          %and3A_1226 = arith.andi %xor3A_1183, %and3A_1225 : vector<16xi32>
          %eq3A_1227 = arith.constant 0 : i32
          %eq3A_1228 = vector.broadcast %eq3A_1227 : i32 to vector<16xi32>
          %eq3A_1229 = arith.cmpi eq, %and3A_1226, %eq3A_1228 : vector<16xi32>
          %or3A_1230 = arith.ori %or3A_1223, %eq3A_1229 : vector<16xi1>
          %and3A_1231 = arith.constant 16515072 : i32
          %and3A_1232 = vector.broadcast %and3A_1231 : i32 to vector<16xi32>
          %and3A_1233 = arith.andi %xor3A_1183, %and3A_1232 : vector<16xi32>
          %eq3A_1234 = arith.constant 0 : i32
          %eq3A_1235 = vector.broadcast %eq3A_1234 : i32 to vector<16xi32>
          %eq3A_1236 = arith.cmpi eq, %and3A_1233, %eq3A_1235 : vector<16xi32>
          %or3A_1237 = arith.ori %or3A_1230, %eq3A_1236 : vector<16xi1>
          %get3A_1238 = arith.constant 0 : i32
          %get3A_1239 = arith.index_cast %get3A_1238 : i32 to index
          %get3A_1240 = arith.index_cast %mul3A_1173 : i32 to index
          %get3A_1241 = tpu.vector_load %arg6[%get3A_1239, %get3A_1240] {strides = array<i32>} : memref<2x2048xi32, #tpu.memory_space<vmem>>, vector<16xi32>,
          %eq3A_1242 = arith.cmpi eq, %get3A_1241, %add3A_45 : vector<16xi32>
          %and3A_1243 = arith.andi %eq3A_1242, %or3A_1210 : vector<16xi1>
          %get3A_1244 = arith.constant 1 : i32
          %get3A_1245 = arith.index_cast %get3A_1244 : i32 to index
          %get3A_1246 = arith.index_cast %mul3A_1173 : i32 to index
          %get3A_1247 = tpu.vector_load %arg6[%get3A_1245, %get3A_1246] {strides = array<i32>} : memref<2x2048xi32, #tpu.memory_space<vmem>>, vector<16xi32>,
          %eq3A_1248 = arith.cmpi eq, %get3A_1247, %add3A_53 : vector<16xi32>
          %and3A_1249 = arith.andi %eq3A_1248, %or3A_1237 : vector<16xi1>
          %or3A_1250 = arith.ori %and3A_1243, %and3A_1249 : vector<16xi1>
          %jit3A_1251 = arith.constant 1 : i32
          %jit3A_1252 = arith.constant 0 : i32
          %broadcast_in_dim3A_1253 = vector.broadcast %jit3A_1251 : i32 to vector<16xi32>
          %broadcast_in_dim3A_1254 = vector.broadcast %jit3A_1252 : i32 to vector<16xi32>
          %select_n3A_1255 = arith.select %or3A_1250, %broadcast_in_dim3A_1253, %broadcast_in_dim3A_1254 : vector<16xi1>, vector<16xi32>
          %swap3A_1256 = arith.index_cast %mul3A_1173 : i32 to index
          %swap3A_1257 = tpu.vector_load %arg11[%swap3A_1256] {strides = array<i32>} : memref<2048xi32, #tpu.memory_space<vmem>>, vector<16xi32>,
          tpu.vector_store %arg11[%swap3A_1256], %select_n3A_1255 {strides = array<i32>} : memref<2048xi32, #tpu.memory_space<vmem>>, vector<16xi32>,
          %mul3A_1258 = arith.constant 16 : i32
          %mul3A_1259 = arith.muli %scan3A_89, %mul3A_1258 : i32
          %add3A_1260 = arith.constant 13 : i32
          %add3A_1261 = arith.addi %mul3A_1259, %add3A_1260 : i32
          %mul3A_1262 = arith.constant 16 : i32
          %mul3A_1263 = arith.muli %add3A_1261, %mul3A_1262 : i32
          %get3A_1264 = arith.constant 0 : i32
          %get3A_1265 = arith.index_cast %get3A_1264 : i32 to index
          %get3A_1266 = arith.index_cast %mul3A_1263 : i32 to index
          %get3A_1267 = tpu.vector_load %arg7[%get3A_1265, %get3A_1266] {strides = array<i32>} : memref<2x2048xi32, #tpu.memory_space<vmem>>, vector<16xi32>,
          %xor3A_1268 = arith.xori %get3A_1267, %add3A_73 : vector<16xi32>
          %get3A_1269 = arith.constant 1 : i32
          %get3A_1270 = arith.index_cast %get3A_1269 : i32 to index
          %get3A_1271 = arith.index_cast %mul3A_1263 : i32 to index
          %get3A_1272 = tpu.vector_load %arg7[%get3A_1270, %get3A_1271] {strides = array<i32>} : memref<2x2048xi32, #tpu.memory_space<vmem>>, vector<16xi32>,
          %xor3A_1273 = arith.xori %get3A_1272, %add3A_81 : vector<16xi32>
          %and3A_1274 = arith.constant 63 : i32
          %and3A_1275 = vector.broadcast %and3A_1274 : i32 to vector<16xi32>
          %and3A_1276 = arith.andi %xor3A_1268, %and3A_1275 : vector<16xi32>
          %eq3A_1277 = arith.constant 0 : i32
          %eq3A_1278 = vector.broadcast %eq3A_1277 : i32 to vector<16xi32>
          %eq3A_1279 = arith.cmpi eq, %and3A_1276, %eq3A_1278 : vector<16xi32>
          %and3A_1280 = arith.constant 4032 : i32
          %and3A_1281 = vector.broadcast %and3A_1280 : i32 to vector<16xi32>
          %and3A_1282 = arith.andi %xor3A_1268, %and3A_1281 : vector<16xi32>
          %eq3A_1283 = arith.constant 0 : i32
          %eq3A_1284 = vector.broadcast %eq3A_1283 : i32 to vector<16xi32>
          %eq3A_1285 = arith.cmpi eq, %and3A_1282, %eq3A_1284 : vector<16xi32>
          %or3A_1286 = arith.ori %eq3A_1279, %eq3A_1285 : vector<16xi1>
          %and3A_1287 = arith.constant 258048 : i32
          %and3A_1288 = vector.broadcast %and3A_1287 : i32 to vector<16xi32>
          %and3A_1289 = arith.andi %xor3A_1268, %and3A_1288 : vector<16xi32>
          %eq3A_1290 = arith.constant 0 : i32
          %eq3A_1291 = vector.broadcast %eq3A_1290 : i32 to vector<16xi32>
          %eq3A_1292 = arith.cmpi eq, %and3A_1289, %eq3A_1291 : vector<16xi32>
          %or3A_1293 = arith.ori %or3A_1286, %eq3A_1292 : vector<16xi1>
          %and3A_1294 = arith.constant 16515072 : i32
          %and3A_1295 = vector.broadcast %and3A_1294 : i32 to vector<16xi32>
          %and3A_1296 = arith.andi %xor3A_1268, %and3A_1295 : vector<16xi32>
          %eq3A_1297 = arith.constant 0 : i32
          %eq3A_1298 = vector.broadcast %eq3A_1297 : i32 to vector<16xi32>
          %eq3A_1299 = arith.cmpi eq, %and3A_1296, %eq3A_1298 : vector<16xi32>
          %or3A_1300 = arith.ori %or3A_1293, %eq3A_1299 : vector<16xi1>
          %and3A_1301 = arith.constant 63 : i32
          %and3A_1302 = vector.broadcast %and3A_1301 : i32 to vector<16xi32>
          %and3A_1303 = arith.andi %xor3A_1273, %and3A_1302 : vector<16xi32>
          %eq3A_1304 = arith.constant 0 : i32
          %eq3A_1305 = vector.broadcast %eq3A_1304 : i32 to vector<16xi32>
          %eq3A_1306 = arith.cmpi eq, %and3A_1303, %eq3A_1305 : vector<16xi32>
          %and3A_1307 = arith.constant 4032 : i32
          %and3A_1308 = vector.broadcast %and3A_1307 : i32 to vector<16xi32>
          %and3A_1309 = arith.andi %xor3A_1273, %and3A_1308 : vector<16xi32>
          %eq3A_1310 = arith.constant 0 : i32
          %eq3A_1311 = vector.broadcast %eq3A_1310 : i32 to vector<16xi32>
          %eq3A_1312 = arith.cmpi eq, %and3A_1309, %eq3A_1311 : vector<16xi32>
          %or3A_1313 = arith.ori %eq3A_1306, %eq3A_1312 : vector<16xi1>
          %and3A_1314 = arith.constant 258048 : i32
          %and3A_1315 = vector.broadcast %and3A_1314 : i32 to vector<16xi32>
          %and3A_1316 = arith.andi %xor3A_1273, %and3A_1315 : vector<16xi32>
          %eq3A_1317 = arith.constant 0 : i32
          %eq3A_1318 = vector.broadcast %eq3A_1317 : i32 to vector<16xi32>
          %eq3A_1319 = arith.cmpi eq, %and3A_1316, %eq3A_1318 : vector<16xi32>
          %or3A_1320 = arith.ori %or3A_1313, %eq3A_1319 : vector<16xi1>
          %and3A_1321 = arith.constant 16515072 : i32
          %and3A_1322 = vector.broadcast %and3A_1321 : i32 to vector<16xi32>
          %and3A_1323 = arith.andi %xor3A_1273, %and3A_1322 : vector<16xi32>
          %eq3A_1324 = arith.constant 0 : i32
          %eq3A_1325 = vector.broadcast %eq3A_1324 : i32 to vector<16xi32>
          %eq3A_1326 = arith.cmpi eq, %and3A_1323, %eq3A_1325 : vector<16xi32>
          %or3A_1327 = arith.ori %or3A_1320, %eq3A_1326 : vector<16xi1>
          %get3A_1328 = arith.constant 0 : i32
          %get3A_1329 = arith.index_cast %get3A_1328 : i32 to index
          %get3A_1330 = arith.index_cast %mul3A_1263 : i32 to index
          %get3A_1331 = tpu.vector_load %arg6[%get3A_1329, %get3A_1330] {strides = array<i32>} : memref<2x2048xi32, #tpu.memory_space<vmem>>, vector<16xi32>,
          %eq3A_1332 = arith.cmpi eq, %get3A_1331, %add3A_45 : vector<16xi32>
          %and3A_1333 = arith.andi %eq3A_1332, %or3A_1300 : vector<16xi1>
          %get3A_1334 = arith.constant 1 : i32
          %get3A_1335 = arith.index_cast %get3A_1334 : i32 to index
          %get3A_1336 = arith.index_cast %mul3A_1263 : i32 to index
          %get3A_1337 = tpu.vector_load %arg6[%get3A_1335, %get3A_1336] {strides = array<i32>} : memref<2x2048xi32, #tpu.memory_space<vmem>>, vector<16xi32>,
          %eq3A_1338 = arith.cmpi eq, %get3A_1337, %add3A_53 : vector<16xi32>
          %and3A_1339 = arith.andi %eq3A_1338, %or3A_1327 : vector<16xi1>
          %or3A_1340 = arith.ori %and3A_1333, %and3A_1339 : vector<16xi1>
          %jit3A_1341 = arith.constant 1 : i32
          %jit3A_1342 = arith.constant 0 : i32
          %broadcast_in_dim3A_1343 = vector.broadcast %jit3A_1341 : i32 to vector<16xi32>
          %broadcast_in_dim3A_1344 = vector.broadcast %jit3A_1342 : i32 to vector<16xi32>
          %select_n3A_1345 = arith.select %or3A_1340, %broadcast_in_dim3A_1343, %broadcast_in_dim3A_1344 : vector<16xi1>, vector<16xi32>
          %swap3A_1346 = arith.index_cast %mul3A_1263 : i32 to index
          %swap3A_1347 = tpu.vector_load %arg11[%swap3A_1346] {strides = array<i32>} : memref<2048xi32, #tpu.memory_space<vmem>>, vector<16xi32>,
          tpu.vector_store %arg11[%swap3A_1346], %select_n3A_1345 {strides = array<i32>} : memref<2048xi32, #tpu.memory_space<vmem>>, vector<16xi32>,
          %mul3A_1348 = arith.constant 16 : i32
          %mul3A_1349 = arith.muli %scan3A_89, %mul3A_1348 : i32
          %add3A_1350 = arith.constant 14 : i32
          %add3A_1351 = arith.addi %mul3A_1349, %add3A_1350 : i32
          %mul3A_1352 = arith.constant 16 : i32
          %mul3A_1353 = arith.muli %add3A_1351, %mul3A_1352 : i32
          %get3A_1354 = arith.constant 0 : i32
          %get3A_1355 = arith.index_cast %get3A_1354 : i32 to index
          %get3A_1356 = arith.index_cast %mul3A_1353 : i32 to index
          %get3A_1357 = tpu.vector_load %arg7[%get3A_1355, %get3A_1356] {strides = array<i32>} : memref<2x2048xi32, #tpu.memory_space<vmem>>, vector<16xi32>,
          %xor3A_1358 = arith.xori %get3A_1357, %add3A_73 : vector<16xi32>
          %get3A_1359 = arith.constant 1 : i32
          %get3A_1360 = arith.index_cast %get3A_1359 : i32 to index
          %get3A_1361 = arith.index_cast %mul3A_1353 : i32 to index
          %get3A_1362 = tpu.vector_load %arg7[%get3A_1360, %get3A_1361] {strides = array<i32>} : memref<2x2048xi32, #tpu.memory_space<vmem>>, vector<16xi32>,
          %xor3A_1363 = arith.xori %get3A_1362, %add3A_81 : vector<16xi32>
          %and3A_1364 = arith.constant 63 : i32
          %and3A_1365 = vector.broadcast %and3A_1364 : i32 to vector<16xi32>
          %and3A_1366 = arith.andi %xor3A_1358, %and3A_1365 : vector<16xi32>
          %eq3A_1367 = arith.constant 0 : i32
          %eq3A_1368 = vector.broadcast %eq3A_1367 : i32 to vector<16xi32>
          %eq3A_1369 = arith.cmpi eq, %and3A_1366, %eq3A_1368 : vector<16xi32>
          %and3A_1370 = arith.constant 4032 : i32
          %and3A_1371 = vector.broadcast %and3A_1370 : i32 to vector<16xi32>
          %and3A_1372 = arith.andi %xor3A_1358, %and3A_1371 : vector<16xi32>
          %eq3A_1373 = arith.constant 0 : i32
          %eq3A_1374 = vector.broadcast %eq3A_1373 : i32 to vector<16xi32>
          %eq3A_1375 = arith.cmpi eq, %and3A_1372, %eq3A_1374 : vector<16xi32>
          %or3A_1376 = arith.ori %eq3A_1369, %eq3A_1375 : vector<16xi1>
          %and3A_1377 = arith.constant 258048 : i32
          %and3A_1378 = vector.broadcast %and3A_1377 : i32 to vector<16xi32>
          %and3A_1379 = arith.andi %xor3A_1358, %and3A_1378 : vector<16xi32>
          %eq3A_1380 = arith.constant 0 : i32
          %eq3A_1381 = vector.broadcast %eq3A_1380 : i32 to vector<16xi32>
          %eq3A_1382 = arith.cmpi eq, %and3A_1379, %eq3A_1381 : vector<16xi32>
          %or3A_1383 = arith.ori %or3A_1376, %eq3A_1382 : vector<16xi1>
          %and3A_1384 = arith.constant 16515072 : i32
          %and3A_1385 = vector.broadcast %and3A_1384 : i32 to vector<16xi32>
          %and3A_1386 = arith.andi %xor3A_1358, %and3A_1385 : vector<16xi32>
          %eq3A_1387 = arith.constant 0 : i32
          %eq3A_1388 = vector.broadcast %eq3A_1387 : i32 to vector<16xi32>
          %eq3A_1389 = arith.cmpi eq, %and3A_1386, %eq3A_1388 : vector<16xi32>
          %or3A_1390 = arith.ori %or3A_1383, %eq3A_1389 : vector<16xi1>
          %and3A_1391 = arith.constant 63 : i32
          %and3A_1392 = vector.broadcast %and3A_1391 : i32 to vector<16xi32>
          %and3A_1393 = arith.andi %xor3A_1363, %and3A_1392 : vector<16xi32>
          %eq3A_1394 = arith.constant 0 : i32
          %eq3A_1395 = vector.broadcast %eq3A_1394 : i32 to vector<16xi32>
          %eq3A_1396 = arith.cmpi eq, %and3A_1393, %eq3A_1395 : vector<16xi32>
          %and3A_1397 = arith.constant 4032 : i32
          %and3A_1398 = vector.broadcast %and3A_1397 : i32 to vector<16xi32>
          %and3A_1399 = arith.andi %xor3A_1363, %and3A_1398 : vector<16xi32>
          %eq3A_1400 = arith.constant 0 : i32
          %eq3A_1401 = vector.broadcast %eq3A_1400 : i32 to vector<16xi32>
          %eq3A_1402 = arith.cmpi eq, %and3A_1399, %eq3A_1401 : vector<16xi32>
          %or3A_1403 = arith.ori %eq3A_1396, %eq3A_1402 : vector<16xi1>
          %and3A_1404 = arith.constant 258048 : i32
          %and3A_1405 = vector.broadcast %and3A_1404 : i32 to vector<16xi32>
          %and3A_1406 = arith.andi %xor3A_1363, %and3A_1405 : vector<16xi32>
          %eq3A_1407 = arith.constant 0 : i32
          %eq3A_1408 = vector.broadcast %eq3A_1407 : i32 to vector<16xi32>
          %eq3A_1409 = arith.cmpi eq, %and3A_1406, %eq3A_1408 : vector<16xi32>
          %or3A_1410 = arith.ori %or3A_1403, %eq3A_1409 : vector<16xi1>
          %and3A_1411 = arith.constant 16515072 : i32
          %and3A_1412 = vector.broadcast %and3A_1411 : i32 to vector<16xi32>
          %and3A_1413 = arith.andi %xor3A_1363, %and3A_1412 : vector<16xi32>
          %eq3A_1414 = arith.constant 0 : i32
          %eq3A_1415 = vector.broadcast %eq3A_1414 : i32 to vector<16xi32>
          %eq3A_1416 = arith.cmpi eq, %and3A_1413, %eq3A_1415 : vector<16xi32>
          %or3A_1417 = arith.ori %or3A_1410, %eq3A_1416 : vector<16xi1>
          %get3A_1418 = arith.constant 0 : i32
          %get3A_1419 = arith.index_cast %get3A_1418 : i32 to index
          %get3A_1420 = arith.index_cast %mul3A_1353 : i32 to index
          %get3A_1421 = tpu.vector_load %arg6[%get3A_1419, %get3A_1420] {strides = array<i32>} : memref<2x2048xi32, #tpu.memory_space<vmem>>, vector<16xi32>,
          %eq3A_1422 = arith.cmpi eq, %get3A_1421, %add3A_45 : vector<16xi32>
          %and3A_1423 = arith.andi %eq3A_1422, %or3A_1390 : vector<16xi1>
          %get3A_1424 = arith.constant 1 : i32
          %get3A_1425 = arith.index_cast %get3A_1424 : i32 to index
          %get3A_1426 = arith.index_cast %mul3A_1353 : i32 to index
          %get3A_1427 = tpu.vector_load %arg6[%get3A_1425, %get3A_1426] {strides = array<i32>} : memref<2x2048xi32, #tpu.memory_space<vmem>>, vector<16xi32>,
          %eq3A_1428 = arith.cmpi eq, %get3A_1427, %add3A_53 : vector<16xi32>
          %and3A_1429 = arith.andi %eq3A_1428, %or3A_1417 : vector<16xi1>
          %or3A_1430 = arith.ori %and3A_1423, %and3A_1429 : vector<16xi1>
          %jit3A_1431 = arith.constant 1 : i32
          %jit3A_1432 = arith.constant 0 : i32
          %broadcast_in_dim3A_1433 = vector.broadcast %jit3A_1431 : i32 to vector<16xi32>
          %broadcast_in_dim3A_1434 = vector.broadcast %jit3A_1432 : i32 to vector<16xi32>
          %select_n3A_1435 = arith.select %or3A_1430, %broadcast_in_dim3A_1433, %broadcast_in_dim3A_1434 : vector<16xi1>, vector<16xi32>
          %swap3A_1436 = arith.index_cast %mul3A_1353 : i32 to index
          %swap3A_1437 = tpu.vector_load %arg11[%swap3A_1436] {strides = array<i32>} : memref<2048xi32, #tpu.memory_space<vmem>>, vector<16xi32>,
          tpu.vector_store %arg11[%swap3A_1436], %select_n3A_1435 {strides = array<i32>} : memref<2048xi32, #tpu.memory_space<vmem>>, vector<16xi32>,
          %mul3A_1438 = arith.constant 16 : i32
          %mul3A_1439 = arith.muli %scan3A_89, %mul3A_1438 : i32
          %add3A_1440 = arith.constant 15 : i32
          %add3A_1441 = arith.addi %mul3A_1439, %add3A_1440 : i32
          %mul3A_1442 = arith.constant 16 : i32
          %mul3A_1443 = arith.muli %add3A_1441, %mul3A_1442 : i32
          %get3A_1444 = arith.constant 0 : i32
          %get3A_1445 = arith.index_cast %get3A_1444 : i32 to index
          %get3A_1446 = arith.index_cast %mul3A_1443 : i32 to index
          %get3A_1447 = tpu.vector_load %arg7[%get3A_1445, %get3A_1446] {strides = array<i32>} : memref<2x2048xi32, #tpu.memory_space<vmem>>, vector<16xi32>,
          %xor3A_1448 = arith.xori %get3A_1447, %add3A_73 : vector<16xi32>
          %get3A_1449 = arith.constant 1 : i32
          %get3A_1450 = arith.index_cast %get3A_1449 : i32 to index
          %get3A_1451 = arith.index_cast %mul3A_1443 : i32 to index
          %get3A_1452 = tpu.vector_load %arg7[%get3A_1450, %get3A_1451] {strides = array<i32>} : memref<2x2048xi32, #tpu.memory_space<vmem>>, vector<16xi32>,
          %xor3A_1453 = arith.xori %get3A_1452, %add3A_81 : vector<16xi32>
          %and3A_1454 = arith.constant 63 : i32
          %and3A_1455 = vector.broadcast %and3A_1454 : i32 to vector<16xi32>
          %and3A_1456 = arith.andi %xor3A_1448, %and3A_1455 : vector<16xi32>
          %eq3A_1457 = arith.constant 0 : i32
          %eq3A_1458 = vector.broadcast %eq3A_1457 : i32 to vector<16xi32>
          %eq3A_1459 = arith.cmpi eq, %and3A_1456, %eq3A_1458 : vector<16xi32>
          %and3A_1460 = arith.constant 4032 : i32
          %and3A_1461 = vector.broadcast %and3A_1460 : i32 to vector<16xi32>
          %and3A_1462 = arith.andi %xor3A_1448, %and3A_1461 : vector<16xi32>
          %eq3A_1463 = arith.constant 0 : i32
          %eq3A_1464 = vector.broadcast %eq3A_1463 : i32 to vector<16xi32>
          %eq3A_1465 = arith.cmpi eq, %and3A_1462, %eq3A_1464 : vector<16xi32>
          %or3A_1466 = arith.ori %eq3A_1459, %eq3A_1465 : vector<16xi1>
          %and3A_1467 = arith.constant 258048 : i32
          %and3A_1468 = vector.broadcast %and3A_1467 : i32 to vector<16xi32>
          %and3A_1469 = arith.andi %xor3A_1448, %and3A_1468 : vector<16xi32>
          %eq3A_1470 = arith.constant 0 : i32
          %eq3A_1471 = vector.broadcast %eq3A_1470 : i32 to vector<16xi32>
          %eq3A_1472 = arith.cmpi eq, %and3A_1469, %eq3A_1471 : vector<16xi32>
          %or3A_1473 = arith.ori %or3A_1466, %eq3A_1472 : vector<16xi1>
          %and3A_1474 = arith.constant 16515072 : i32
          %and3A_1475 = vector.broadcast %and3A_1474 : i32 to vector<16xi32>
          %and3A_1476 = arith.andi %xor3A_1448, %and3A_1475 : vector<16xi32>
          %eq3A_1477 = arith.constant 0 : i32
          %eq3A_1478 = vector.broadcast %eq3A_1477 : i32 to vector<16xi32>
          %eq3A_1479 = arith.cmpi eq, %and3A_1476, %eq3A_1478 : vector<16xi32>
          %or3A_1480 = arith.ori %or3A_1473, %eq3A_1479 : vector<16xi1>
          %and3A_1481 = arith.constant 63 : i32
          %and3A_1482 = vector.broadcast %and3A_1481 : i32 to vector<16xi32>
          %and3A_1483 = arith.andi %xor3A_1453, %and3A_1482 : vector<16xi32>
          %eq3A_1484 = arith.constant 0 : i32
          %eq3A_1485 = vector.broadcast %eq3A_1484 : i32 to vector<16xi32>
          %eq3A_1486 = arith.cmpi eq, %and3A_1483, %eq3A_1485 : vector<16xi32>
          %and3A_1487 = arith.constant 4032 : i32
          %and3A_1488 = vector.broadcast %and3A_1487 : i32 to vector<16xi32>
          %and3A_1489 = arith.andi %xor3A_1453, %and3A_1488 : vector<16xi32>
          %eq3A_1490 = arith.constant 0 : i32
          %eq3A_1491 = vector.broadcast %eq3A_1490 : i32 to vector<16xi32>
          %eq3A_1492 = arith.cmpi eq, %and3A_1489, %eq3A_1491 : vector<16xi32>
          %or3A_1493 = arith.ori %eq3A_1486, %eq3A_1492 : vector<16xi1>
          %and3A_1494 = arith.constant 258048 : i32
          %and3A_1495 = vector.broadcast %and3A_1494 : i32 to vector<16xi32>
          %and3A_1496 = arith.andi %xor3A_1453, %and3A_1495 : vector<16xi32>
          %eq3A_1497 = arith.constant 0 : i32
          %eq3A_1498 = vector.broadcast %eq3A_1497 : i32 to vector<16xi32>
          %eq3A_1499 = arith.cmpi eq, %and3A_1496, %eq3A_1498 : vector<16xi32>
          %or3A_1500 = arith.ori %or3A_1493, %eq3A_1499 : vector<16xi1>
          %and3A_1501 = arith.constant 16515072 : i32
          %and3A_1502 = vector.broadcast %and3A_1501 : i32 to vector<16xi32>
          %and3A_1503 = arith.andi %xor3A_1453, %and3A_1502 : vector<16xi32>
          %eq3A_1504 = arith.constant 0 : i32
          %eq3A_1505 = vector.broadcast %eq3A_1504 : i32 to vector<16xi32>
          %eq3A_1506 = arith.cmpi eq, %and3A_1503, %eq3A_1505 : vector<16xi32>
          %or3A_1507 = arith.ori %or3A_1500, %eq3A_1506 : vector<16xi1>
          %get3A_1508 = arith.constant 0 : i32
          %get3A_1509 = arith.index_cast %get3A_1508 : i32 to index
          %get3A_1510 = arith.index_cast %mul3A_1443 : i32 to index
          %get3A_1511 = tpu.vector_load %arg6[%get3A_1509, %get3A_1510] {strides = array<i32>} : memref<2x2048xi32, #tpu.memory_space<vmem>>, vector<16xi32>,
          %eq3A_1512 = arith.cmpi eq, %get3A_1511, %add3A_45 : vector<16xi32>
          %and3A_1513 = arith.andi %eq3A_1512, %or3A_1480 : vector<16xi1>
          %get3A_1514 = arith.constant 1 : i32
          %get3A_1515 = arith.index_cast %get3A_1514 : i32 to index
          %get3A_1516 = arith.index_cast %mul3A_1443 : i32 to index
          %get3A_1517 = tpu.vector_load %arg6[%get3A_1515, %get3A_1516] {strides = array<i32>} : memref<2x2048xi32, #tpu.memory_space<vmem>>, vector<16xi32>,
          %eq3A_1518 = arith.cmpi eq, %get3A_1517, %add3A_53 : vector<16xi32>
          %and3A_1519 = arith.andi %eq3A_1518, %or3A_1507 : vector<16xi1>
          %or3A_1520 = arith.ori %and3A_1513, %and3A_1519 : vector<16xi1>
          %jit3A_1521 = arith.constant 1 : i32
          %jit3A_1522 = arith.constant 0 : i32
          %broadcast_in_dim3A_1523 = vector.broadcast %jit3A_1521 : i32 to vector<16xi32>
          %broadcast_in_dim3A_1524 = vector.broadcast %jit3A_1522 : i32 to vector<16xi32>
          %select_n3A_1525 = arith.select %or3A_1520, %broadcast_in_dim3A_1523, %broadcast_in_dim3A_1524 : vector<16xi1>, vector<16xi32>
          %swap3A_1526 = arith.index_cast %mul3A_1443 : i32 to index
          %swap3A_1527 = tpu.vector_load %arg11[%swap3A_1526] {strides = array<i32>} : memref<2048xi32, #tpu.memory_space<vmem>>, vector<16xi32>,
          tpu.vector_store %arg11[%swap3A_1526], %select_n3A_1525 {strides = array<i32>} : memref<2048xi32, #tpu.memory_space<vmem>>, vector<16xi32>,
        }
        %scan3A_87 = arith.constant 8 : i32
        %add3A_88 = arith.addi %mul3A_32, %scan3A_42 : i32
        "tpu.region"() ({
          %run_scoped3A_89 = tpu.sem_alloc : memref<!tpu.dma_semaphore, #tpu.memory_space<semaphore_mem>>
          %dma_start3A = arith.constant 0 : i32
          %dma_start3A_90 = tpu.memref_slice %arg5[%select_n3A, %add3A_88, %dma_start3A] : memref<2x2048x2048xi32, #tpu.memory_space<hbm>> -> memref<1x1x2048xi32, #tpu.memory_space<hbm>>
          %dma_start3A_91 = tpu.memref_squeeze %dma_start3A_90 : memref<1x1x2048xi32, #tpu.memory_space<hbm>> -> memref<2048xi32, #tpu.memory_space<hbm>>
          %dma_start3A_92 = arith.constant 0 : i32
          %dma_start3A_93 = tpu.memref_slice %arg5[%select_n3A, %add3A_88, %dma_start3A_92] : memref<2x2048x2048xi32, #tpu.memory_space<hbm>> -> memref<1x1x2048xi32, #tpu.memory_space<hbm>>
          %dma_start3A_94 = tpu.memref_squeeze %dma_start3A_93 : memref<1x1x2048xi32, #tpu.memory_space<hbm>> -> memref<2048xi32, #tpu.memory_space<hbm>>
          tpu.enqueue_dma source(%arg11 : memref<2048xi32, #tpu.memory_space<vmem>>) target(%dma_start3A_94 : memref<2048xi32, #tpu.memory_space<hbm>>) target_semaphore(%run_scoped3A_89 : memref<!tpu.dma_semaphore, #tpu.memory_space<semaphore_mem>>)
          %dma_wait3A = arith.constant 0 : i32
          %dma_wait3A_95 = tpu.memref_slice %arg5[%select_n3A, %add3A_88, %dma_wait3A] : memref<2x2048x2048xi32, #tpu.memory_space<hbm>> -> memref<1x1x2048xi32, #tpu.memory_space<hbm>>
          %dma_wait3A_96 = tpu.memref_squeeze %dma_wait3A_95 : memref<1x1x2048xi32, #tpu.memory_space<hbm>> -> memref<2048xi32, #tpu.memory_space<hbm>>
          %dma_wait3A_97 = arith.constant 0 : i32
          %dma_wait3A_98 = tpu.memref_slice %arg5[%select_n3A, %add3A_88, %dma_wait3A_97] : memref<2x2048x2048xi32, #tpu.memory_space<hbm>> -> memref<1x1x2048xi32, #tpu.memory_space<hbm>>
          %dma_wait3A_99 = tpu.memref_squeeze %dma_wait3A_98 : memref<1x1x2048xi32, #tpu.memory_space<hbm>> -> memref<2048xi32, #tpu.memory_space<hbm>>
          tpu.wait_dma2 semaphore(%run_scoped3A_89 : memref<!tpu.dma_semaphore, #tpu.memory_space<semaphore_mem>>) src(%arg11 : memref<2048xi32, #tpu.memory_space<vmem>>) dst(%dma_wait3A_99 : memref<2048xi32, #tpu.memory_space<hbm>>)
          tpu.yield
        }) : () -> ()
      } else {
      }
    }
    %scan3A_41 = arith.constant 128 : i32
    "tpu.region"() ({
      %run_scoped3A_42 = tpu.sem_alloc : memref<!tpu.dma_semaphore, #tpu.memory_space<semaphore_mem>>
      %dma_start3A = arith.constant 0 : i32
      %dma_start3A_43 = tpu.memref_slice %arg10[%dma_start3A] : memref<256xi32, #tpu.memory_space<vmem>> -> memref<128xi32, #tpu.memory_space<vmem>>
      %dma_start3A_44 = tpu.memref_slice %arg4[%select_n3A, %mul3A_32] : memref<2x2048xi32, #tpu.memory_space<hbm>> -> memref<1x128xi32, #tpu.memory_space<hbm>>
      %dma_start3A_45 = tpu.memref_squeeze %dma_start3A_44 : memref<1x128xi32, #tpu.memory_space<hbm>> -> memref<128xi32, #tpu.memory_space<hbm>>
      %dma_start3A_46 = tpu.memref_slice %arg4[%select_n3A, %mul3A_32] : memref<2x2048xi32, #tpu.memory_space<hbm>> -> memref<1x128xi32, #tpu.memory_space<hbm>>
      %dma_start3A_47 = tpu.memref_squeeze %dma_start3A_46 : memref<1x128xi32, #tpu.memory_space<hbm>> -> memref<128xi32, #tpu.memory_space<hbm>>
      %dma_start3A_48 = arith.constant 0 : i32
      %dma_start3A_49 = tpu.memref_slice %arg10[%dma_start3A_48] : memref<256xi32, #tpu.memory_space<vmem>> -> memref<128xi32, #tpu.memory_space<vmem>>
      tpu.enqueue_dma source(%dma_start3A_49 : memref<128xi32, #tpu.memory_space<vmem>>) target(%dma_start3A_47 : memref<128xi32, #tpu.memory_space<hbm>>) target_semaphore(%run_scoped3A_42 : memref<!tpu.dma_semaphore, #tpu.memory_space<semaphore_mem>>)
      %dma_wait3A = arith.constant 0 : i32
      %dma_wait3A_50 = tpu.memref_slice %arg10[%dma_wait3A] : memref<256xi32, #tpu.memory_space<vmem>> -> memref<128xi32, #tpu.memory_space<vmem>>
      %dma_wait3A_51 = tpu.memref_slice %arg4[%select_n3A, %mul3A_32] : memref<2x2048xi32, #tpu.memory_space<hbm>> -> memref<1x128xi32, #tpu.memory_space<hbm>>
      %dma_wait3A_52 = tpu.memref_squeeze %dma_wait3A_51 : memref<1x128xi32, #tpu.memory_space<hbm>> -> memref<128xi32, #tpu.memory_space<hbm>>
      %dma_wait3A_53 = tpu.memref_slice %arg4[%select_n3A, %mul3A_32] : memref<2x2048xi32, #tpu.memory_space<hbm>> -> memref<1x128xi32, #tpu.memory_space<hbm>>
      %dma_wait3A_54 = tpu.memref_squeeze %dma_wait3A_53 : memref<1x128xi32, #tpu.memory_space<hbm>> -> memref<128xi32, #tpu.memory_space<hbm>>
      %dma_wait3A_55 = arith.constant 0 : i32
      %dma_wait3A_56 = tpu.memref_slice %arg10[%dma_wait3A_55] : memref<256xi32, #tpu.memory_space<vmem>> -> memref<128xi32, #tpu.memory_space<vmem>>
      tpu.wait_dma2 semaphore(%run_scoped3A_42 : memref<!tpu.dma_semaphore, #tpu.memory_space<semaphore_mem>>) src(%dma_wait3A_56 : memref<128xi32, #tpu.memory_space<vmem>>) dst(%dma_wait3A_54 : memref<128xi32, #tpu.memory_space<hbm>>)
      tpu.yield
    }) : () -> ()
    return
  }
}

module attributes {stable_mosaic.version = 14 : i64} {
  func.func @_hash_body(%arg0: i32, %arg1: memref<1x64x2048xf32, #tpu.memory_space<vmem>>, %arg2: memref<1x64x2048xf32, #tpu.memory_space<vmem>>, %arg3: memref<32x4xf32, #tpu.memory_space<vmem>>, %arg4: memref<32x4xf32, #tpu.memory_space<vmem>>, %arg5: memref<1x4x2048xi32, #tpu.memory_space<vmem>>, %arg6: memref<1x4x2048xi32, #tpu.memory_space<vmem>>) attributes {dimension_semantics = [#tpu.dimension_semantics<arbitrary>], iteration_bounds = array<i64: 2>, scalar_prefetch = 0 : i64, scratch_operands = 0 : i64, tpu.core_type = #tpu.core_type<tc>, window_params = [{transform_indices = @transform_0, window_bounds = array<i64: 1, 64, 2048>}, {transform_indices = @transform_1, window_bounds = array<i64: 1, 64, 2048>}, {pipeline_mode = #tpu.pipeline_mode<synchronous>, transform_indices = @transform_2, window_bounds = array<i64: 32, 4>}, {pipeline_mode = #tpu.pipeline_mode<synchronous>, transform_indices = @transform_3, window_bounds = array<i64: 32, 4>}, {transform_indices = @transform_4, window_bounds = array<i64: 1, 4, 2048>}, {transform_indices = @transform_5, window_bounds = array<i64: 1, 4, 2048>}]} {
    %get3A = arith.constant 0 : index
    %get3A_0 = arith.constant 0 : index
    %get3A_1 = arith.constant 0 : index
    %get3A_2 = vector.load %arg1[%get3A, %get3A_0, %get3A_1] : memref<1x64x2048xf32, #tpu.memory_space<vmem>>, vector<1x64x2048xf32>
    %get3A_3 = vector.shape_cast %get3A_2 : vector<1x64x2048xf32> to vector<64x2048xf32>
    %slice3A = vector.extract_strided_slice %get3A_3 {offsets = [0, 0], sizes = [32, 2048], strides = [1, 1]} : vector<64x2048xf32> to vector<32x2048xf32>
    %gt3A = arith.constant 0.000000e+00 : f32
    %gt3A_4 = vector.broadcast %gt3A : f32 to vector<32x2048xf32>
    %gt3A_5 = arith.cmpf ogt, %slice3A, %gt3A_4 : vector<32x2048xf32>
    %convert_element_type3A = arith.extui %gt3A_5 : vector<32x2048xi1> to vector<32x2048xi32>
    %iota3A = tpu.iota {dimensions = array<i32: 0>} : vector<32x2048xi32>
    %and3A = arith.constant 15 : i32
    %and3A_6 = vector.broadcast %and3A : i32 to vector<32x2048xi32>
    %and3A_7 = arith.andi %iota3A, %and3A_6 : vector<32x2048xi32>
    %shift_left3A = arith.shli %convert_element_type3A, %and3A_7 : vector<32x2048xi32>
    %lt3A = arith.constant 16 : i32
    %lt3A_8 = vector.broadcast %lt3A : i32 to vector<32x2048xi32>
    %lt3A_9 = arith.cmpi slt, %iota3A, %lt3A_8 : vector<32x2048xi32>
    %jit3A = arith.constant 0 : i32
    %broadcast_in_dim3A = vector.broadcast %jit3A : i32 to vector<32x2048xi32>
    %select_n3A = arith.select %lt3A_9, %shift_left3A, %broadcast_in_dim3A : vector<32x2048xi1>, vector<32x2048xi32>
    %reduce_sum3A = arith.constant dense<0> : vector<2048xi32>
    %reduce_sum3A_10 = vector.multi_reduction <add>, %select_n3A, %reduce_sum3A [0] : vector<32x2048xi32> to vector<2048xi32>
    %broadcast_in_dim3A_11 = vector.shape_cast %reduce_sum3A_10 : vector<2048xi32> to vector<1x2048xi32>
    %ge3A = arith.constant 16 : i32
    %ge3A_12 = vector.broadcast %ge3A : i32 to vector<32x2048xi32>
    %ge3A_13 = arith.cmpi sge, %iota3A, %ge3A_12 : vector<32x2048xi32>
    %jit3A_14 = arith.constant 0 : i32
    %broadcast_in_dim3A_15 = vector.broadcast %jit3A_14 : i32 to vector<32x2048xi32>
    %select_n3A_16 = arith.select %ge3A_13, %shift_left3A, %broadcast_in_dim3A_15 : vector<32x2048xi1>, vector<32x2048xi32>
    %reduce_sum3A_17 = arith.constant dense<0> : vector<2048xi32>
    %reduce_sum3A_18 = vector.multi_reduction <add>, %select_n3A_16, %reduce_sum3A_17 [0] : vector<32x2048xi32> to vector<2048xi32>
    %broadcast_in_dim3A_19 = vector.shape_cast %reduce_sum3A_18 : vector<2048xi32> to vector<1x2048xi32>
    %shift_left3A_20 = arith.constant 16 : i32
    %shift_left3A_21 = vector.broadcast %shift_left3A_20 : i32 to vector<1x2048xi32>
    %shift_left3A_22 = arith.shli %broadcast_in_dim3A_19, %shift_left3A_21 : vector<1x2048xi32>
    %or3A = arith.ori %broadcast_in_dim3A_11, %shift_left3A_22 : vector<1x2048xi32>
    %get3A_23 = arith.constant 0 : index
    %get3A_24 = arith.constant 0 : index
    %get3A_25 = vector.load %arg3[%get3A_23, %get3A_24] : memref<32x4xf32, #tpu.memory_space<vmem>>, vector<32x4xf32>
    %dot_general3A = arith.constant dense<0.000000e+00> : vector<4x2048xf32>
    %dot_general3A_26 = tpu.matmul %get3A_25, %slice3A, %dot_general3A {dimension_numbers = #tpu.dot_dimension_numbers<[0], [0], [1], [1], [0, 1, 1, 1], [], []>, transpose_lhs_hint = false} : vector<32x4xf32>, vector<32x2048xf32>, vector<4x2048xf32> -> vector<4x2048xf32>
    %mul3A = arith.constant 5.000000e-01 : f32
    %mul3A_27 = vector.broadcast %mul3A : f32 to vector<4x2048xf32>
    %mul3A_28 = arith.mulf %dot_general3A_26, %mul3A_27 : vector<4x2048xf32>
    %floor3A = math.floor %mul3A_28 : vector<4x2048xf32>
    %convert_element_type3A_29 = arith.fptosi %floor3A : vector<4x2048xf32> to vector<4x2048xi32>
    %and3A_30 = arith.constant 63 : i32
    %and3A_31 = vector.broadcast %and3A_30 : i32 to vector<4x2048xi32>
    %and3A_32 = arith.andi %convert_element_type3A_29, %and3A_31 : vector<4x2048xi32>
    %iota3A_33 = tpu.iota {dimensions = array<i32: 0>} : vector<4x2048xi32>
    %mul3A_34 = arith.constant 6 : i32
    %mul3A_35 = vector.broadcast %mul3A_34 : i32 to vector<4x2048xi32>
    %mul3A_36 = arith.muli %mul3A_35, %iota3A_33 : vector<4x2048xi32>
    %shift_left3A_37 = arith.shli %and3A_32, %mul3A_36 : vector<4x2048xi32>
    %reduce_sum3A_38 = arith.constant dense<0> : vector<2048xi32>
    %reduce_sum3A_39 = vector.multi_reduction <add>, %shift_left3A_37, %reduce_sum3A_38 [0] : vector<4x2048xi32> to vector<2048xi32>
    %broadcast_in_dim3A_40 = vector.shape_cast %reduce_sum3A_39 : vector<2048xi32> to vector<1x2048xi32>
    %swap3A = arith.constant 0 : index
    %swap3A_41 = arith.constant 0 : index
    %swap3A_42 = arith.constant 0 : index
    %swap3A_43 = vector.load %arg5[%swap3A, %swap3A_41, %swap3A_42] : memref<1x4x2048xi32, #tpu.memory_space<vmem>>, vector<1x1x2048xi32>
    %swap3A_44 = vector.shape_cast %swap3A_43 : vector<1x1x2048xi32> to vector<1x2048xi32>
    %swap3A_45 = vector.shape_cast %or3A : vector<1x2048xi32> to vector<1x1x2048xi32>
    tpu.vector_store %arg5[%swap3A, %swap3A_41, %swap3A_42], %swap3A_45 {strides = array<i32>} : memref<1x4x2048xi32, #tpu.memory_space<vmem>>, vector<1x1x2048xi32>,
    %swap3A_46 = arith.constant 0 : index
    %swap3A_47 = arith.constant 0 : index
    %swap3A_48 = arith.constant 0 : index
    %swap3A_49 = vector.load %arg6[%swap3A_46, %swap3A_47, %swap3A_48] : memref<1x4x2048xi32, #tpu.memory_space<vmem>>, vector<1x1x2048xi32>
    %swap3A_50 = vector.shape_cast %swap3A_49 : vector<1x1x2048xi32> to vector<1x2048xi32>
    %swap3A_51 = vector.shape_cast %broadcast_in_dim3A_40 : vector<1x2048xi32> to vector<1x1x2048xi32>
    tpu.vector_store %arg6[%swap3A_46, %swap3A_47, %swap3A_48], %swap3A_51 {strides = array<i32>} : memref<1x4x2048xi32, #tpu.memory_space<vmem>>, vector<1x1x2048xi32>,
    %slice3A_52 = vector.extract_strided_slice %get3A_3 {offsets = [32, 0], sizes = [32, 2048], strides = [1, 1]} : vector<64x2048xf32> to vector<32x2048xf32>
    %gt3A_53 = arith.constant 0.000000e+00 : f32
    %gt3A_54 = vector.broadcast %gt3A_53 : f32 to vector<32x2048xf32>
    %gt3A_55 = arith.cmpf ogt, %slice3A_52, %gt3A_54 : vector<32x2048xf32>
    %convert_element_type3A_56 = arith.extui %gt3A_55 : vector<32x2048xi1> to vector<32x2048xi32>
    %iota3A_57 = tpu.iota {dimensions = array<i32: 0>} : vector<32x2048xi32>
    %and3A_58 = arith.constant 15 : i32
    %and3A_59 = vector.broadcast %and3A_58 : i32 to vector<32x2048xi32>
    %and3A_60 = arith.andi %iota3A_57, %and3A_59 : vector<32x2048xi32>
    %shift_left3A_61 = arith.shli %convert_element_type3A_56, %and3A_60 : vector<32x2048xi32>
    %lt3A_62 = arith.constant 16 : i32
    %lt3A_63 = vector.broadcast %lt3A_62 : i32 to vector<32x2048xi32>
    %lt3A_64 = arith.cmpi slt, %iota3A_57, %lt3A_63 : vector<32x2048xi32>
    %jit3A_65 = arith.constant 0 : i32
    %broadcast_in_dim3A_66 = vector.broadcast %jit3A_65 : i32 to vector<32x2048xi32>
    %select_n3A_67 = arith.select %lt3A_64, %shift_left3A_61, %broadcast_in_dim3A_66 : vector<32x2048xi1>, vector<32x2048xi32>
    %reduce_sum3A_68 = arith.constant dense<0> : vector<2048xi32>
    %reduce_sum3A_69 = vector.multi_reduction <add>, %select_n3A_67, %reduce_sum3A_68 [0] : vector<32x2048xi32> to vector<2048xi32>
    %broadcast_in_dim3A_70 = vector.shape_cast %reduce_sum3A_69 : vector<2048xi32> to vector<1x2048xi32>
    %ge3A_71 = arith.constant 16 : i32
    %ge3A_72 = vector.broadcast %ge3A_71 : i32 to vector<32x2048xi32>
    %ge3A_73 = arith.cmpi sge, %iota3A_57, %ge3A_72 : vector<32x2048xi32>
    %jit3A_74 = arith.constant 0 : i32
    %broadcast_in_dim3A_75 = vector.broadcast %jit3A_74 : i32 to vector<32x2048xi32>
    %select_n3A_76 = arith.select %ge3A_73, %shift_left3A_61, %broadcast_in_dim3A_75 : vector<32x2048xi1>, vector<32x2048xi32>
    %reduce_sum3A_77 = arith.constant dense<0> : vector<2048xi32>
    %reduce_sum3A_78 = vector.multi_reduction <add>, %select_n3A_76, %reduce_sum3A_77 [0] : vector<32x2048xi32> to vector<2048xi32>
    %broadcast_in_dim3A_79 = vector.shape_cast %reduce_sum3A_78 : vector<2048xi32> to vector<1x2048xi32>
    %shift_left3A_80 = arith.constant 16 : i32
    %shift_left3A_81 = vector.broadcast %shift_left3A_80 : i32 to vector<1x2048xi32>
    %shift_left3A_82 = arith.shli %broadcast_in_dim3A_79, %shift_left3A_81 : vector<1x2048xi32>
    %or3A_83 = arith.ori %broadcast_in_dim3A_70, %shift_left3A_82 : vector<1x2048xi32>
    %get3A_84 = arith.constant 0 : index
    %get3A_85 = arith.constant 0 : index
    %get3A_86 = vector.load %arg4[%get3A_84, %get3A_85] : memref<32x4xf32, #tpu.memory_space<vmem>>, vector<32x4xf32>
    %dot_general3A_87 = arith.constant dense<0.000000e+00> : vector<4x2048xf32>
    %dot_general3A_88 = tpu.matmul %get3A_86, %slice3A_52, %dot_general3A_87 {dimension_numbers = #tpu.dot_dimension_numbers<[0], [0], [1], [1], [0, 1, 1, 1], [], []>, transpose_lhs_hint = false} : vector<32x4xf32>, vector<32x2048xf32>, vector<4x2048xf32> -> vector<4x2048xf32>
    %mul3A_89 = arith.constant 5.000000e-01 : f32
    %mul3A_90 = vector.broadcast %mul3A_89 : f32 to vector<4x2048xf32>
    %mul3A_91 = arith.mulf %dot_general3A_88, %mul3A_90 : vector<4x2048xf32>
    %floor3A_92 = math.floor %mul3A_91 : vector<4x2048xf32>
    %convert_element_type3A_93 = arith.fptosi %floor3A_92 : vector<4x2048xf32> to vector<4x2048xi32>
    %and3A_94 = arith.constant 63 : i32
    %and3A_95 = vector.broadcast %and3A_94 : i32 to vector<4x2048xi32>
    %and3A_96 = arith.andi %convert_element_type3A_93, %and3A_95 : vector<4x2048xi32>
    %iota3A_97 = tpu.iota {dimensions = array<i32: 0>} : vector<4x2048xi32>
    %mul3A_98 = arith.constant 6 : i32
    %mul3A_99 = vector.broadcast %mul3A_98 : i32 to vector<4x2048xi32>
    %mul3A_100 = arith.muli %mul3A_99, %iota3A_97 : vector<4x2048xi32>
    %shift_left3A_101 = arith.shli %and3A_96, %mul3A_100 : vector<4x2048xi32>
    %reduce_sum3A_102 = arith.constant dense<0> : vector<2048xi32>
    %reduce_sum3A_103 = vector.multi_reduction <add>, %shift_left3A_101, %reduce_sum3A_102 [0] : vector<4x2048xi32> to vector<2048xi32>
    %broadcast_in_dim3A_104 = vector.shape_cast %reduce_sum3A_103 : vector<2048xi32> to vector<1x2048xi32>
    %swap3A_105 = arith.constant 0 : index
    %swap3A_106 = arith.constant 1 : index
    %swap3A_107 = arith.constant 0 : index
    %swap3A_108 = vector.load %arg5[%swap3A_105, %swap3A_106, %swap3A_107] : memref<1x4x2048xi32, #tpu.memory_space<vmem>>, vector<1x1x2048xi32>
    %swap3A_109 = vector.shape_cast %swap3A_108 : vector<1x1x2048xi32> to vector<1x2048xi32>
    %swap3A_110 = vector.shape_cast %or3A_83 : vector<1x2048xi32> to vector<1x1x2048xi32>
    tpu.vector_store %arg5[%swap3A_105, %swap3A_106, %swap3A_107], %swap3A_110 {strides = array<i32>} : memref<1x4x2048xi32, #tpu.memory_space<vmem>>, vector<1x1x2048xi32>,
    %swap3A_111 = arith.constant 0 : index
    %swap3A_112 = arith.constant 1 : index
    %swap3A_113 = arith.constant 0 : index
    %swap3A_114 = vector.load %arg6[%swap3A_111, %swap3A_112, %swap3A_113] : memref<1x4x2048xi32, #tpu.memory_space<vmem>>, vector<1x1x2048xi32>
    %swap3A_115 = vector.shape_cast %swap3A_114 : vector<1x1x2048xi32> to vector<1x2048xi32>
    %swap3A_116 = vector.shape_cast %broadcast_in_dim3A_104 : vector<1x2048xi32> to vector<1x1x2048xi32>
    tpu.vector_store %arg6[%swap3A_111, %swap3A_112, %swap3A_113], %swap3A_116 {strides = array<i32>} : memref<1x4x2048xi32, #tpu.memory_space<vmem>>, vector<1x1x2048xi32>,
    %get3A_117 = arith.constant 0 : index
    %get3A_118 = arith.constant 0 : index
    %get3A_119 = arith.constant 0 : index
    %get3A_120 = vector.load %arg2[%get3A_117, %get3A_118, %get3A_119] : memref<1x64x2048xf32, #tpu.memory_space<vmem>>, vector<1x64x2048xf32>
    %get3A_121 = vector.shape_cast %get3A_120 : vector<1x64x2048xf32> to vector<64x2048xf32>
    %slice3A_122 = vector.extract_strided_slice %get3A_121 {offsets = [0, 0], sizes = [32, 2048], strides = [1, 1]} : vector<64x2048xf32> to vector<32x2048xf32>
    %gt3A_123 = arith.constant 0.000000e+00 : f32
    %gt3A_124 = vector.broadcast %gt3A_123 : f32 to vector<32x2048xf32>
    %gt3A_125 = arith.cmpf ogt, %slice3A_122, %gt3A_124 : vector<32x2048xf32>
    %convert_element_type3A_126 = arith.extui %gt3A_125 : vector<32x2048xi1> to vector<32x2048xi32>
    %iota3A_127 = tpu.iota {dimensions = array<i32: 0>} : vector<32x2048xi32>
    %and3A_128 = arith.constant 15 : i32
    %and3A_129 = vector.broadcast %and3A_128 : i32 to vector<32x2048xi32>
    %and3A_130 = arith.andi %iota3A_127, %and3A_129 : vector<32x2048xi32>
    %shift_left3A_131 = arith.shli %convert_element_type3A_126, %and3A_130 : vector<32x2048xi32>
    %lt3A_132 = arith.constant 16 : i32
    %lt3A_133 = vector.broadcast %lt3A_132 : i32 to vector<32x2048xi32>
    %lt3A_134 = arith.cmpi slt, %iota3A_127, %lt3A_133 : vector<32x2048xi32>
    %jit3A_135 = arith.constant 0 : i32
    %broadcast_in_dim3A_136 = vector.broadcast %jit3A_135 : i32 to vector<32x2048xi32>
    %select_n3A_137 = arith.select %lt3A_134, %shift_left3A_131, %broadcast_in_dim3A_136 : vector<32x2048xi1>, vector<32x2048xi32>
    %reduce_sum3A_138 = arith.constant dense<0> : vector<2048xi32>
    %reduce_sum3A_139 = vector.multi_reduction <add>, %select_n3A_137, %reduce_sum3A_138 [0] : vector<32x2048xi32> to vector<2048xi32>
    %broadcast_in_dim3A_140 = vector.shape_cast %reduce_sum3A_139 : vector<2048xi32> to vector<1x2048xi32>
    %ge3A_141 = arith.constant 16 : i32
    %ge3A_142 = vector.broadcast %ge3A_141 : i32 to vector<32x2048xi32>
    %ge3A_143 = arith.cmpi sge, %iota3A_127, %ge3A_142 : vector<32x2048xi32>
    %jit3A_144 = arith.constant 0 : i32
    %broadcast_in_dim3A_145 = vector.broadcast %jit3A_144 : i32 to vector<32x2048xi32>
    %select_n3A_146 = arith.select %ge3A_143, %shift_left3A_131, %broadcast_in_dim3A_145 : vector<32x2048xi1>, vector<32x2048xi32>
    %reduce_sum3A_147 = arith.constant dense<0> : vector<2048xi32>
    %reduce_sum3A_148 = vector.multi_reduction <add>, %select_n3A_146, %reduce_sum3A_147 [0] : vector<32x2048xi32> to vector<2048xi32>
    %broadcast_in_dim3A_149 = vector.shape_cast %reduce_sum3A_148 : vector<2048xi32> to vector<1x2048xi32>
    %shift_left3A_150 = arith.constant 16 : i32
    %shift_left3A_151 = vector.broadcast %shift_left3A_150 : i32 to vector<1x2048xi32>
    %shift_left3A_152 = arith.shli %broadcast_in_dim3A_149, %shift_left3A_151 : vector<1x2048xi32>
    %or3A_153 = arith.ori %broadcast_in_dim3A_140, %shift_left3A_152 : vector<1x2048xi32>
    %get3A_154 = arith.constant 0 : index
    %get3A_155 = arith.constant 0 : index
    %get3A_156 = vector.load %arg3[%get3A_154, %get3A_155] : memref<32x4xf32, #tpu.memory_space<vmem>>, vector<32x4xf32>
    %dot_general3A_157 = arith.constant dense<0.000000e+00> : vector<4x2048xf32>
    %dot_general3A_158 = tpu.matmul %get3A_156, %slice3A_122, %dot_general3A_157 {dimension_numbers = #tpu.dot_dimension_numbers<[0], [0], [1], [1], [0, 1, 1, 1], [], []>, transpose_lhs_hint = false} : vector<32x4xf32>, vector<32x2048xf32>, vector<4x2048xf32> -> vector<4x2048xf32>
    %mul3A_159 = arith.constant 5.000000e-01 : f32
    %mul3A_160 = vector.broadcast %mul3A_159 : f32 to vector<4x2048xf32>
    %mul3A_161 = arith.mulf %dot_general3A_158, %mul3A_160 : vector<4x2048xf32>
    %floor3A_162 = math.floor %mul3A_161 : vector<4x2048xf32>
    %convert_element_type3A_163 = arith.fptosi %floor3A_162 : vector<4x2048xf32> to vector<4x2048xi32>
    %and3A_164 = arith.constant 63 : i32
    %and3A_165 = vector.broadcast %and3A_164 : i32 to vector<4x2048xi32>
    %and3A_166 = arith.andi %convert_element_type3A_163, %and3A_165 : vector<4x2048xi32>
    %iota3A_167 = tpu.iota {dimensions = array<i32: 0>} : vector<4x2048xi32>
    %mul3A_168 = arith.constant 6 : i32
    %mul3A_169 = vector.broadcast %mul3A_168 : i32 to vector<4x2048xi32>
    %mul3A_170 = arith.muli %mul3A_169, %iota3A_167 : vector<4x2048xi32>
    %shift_left3A_171 = arith.shli %and3A_166, %mul3A_170 : vector<4x2048xi32>
    %reduce_sum3A_172 = arith.constant dense<0> : vector<2048xi32>
    %reduce_sum3A_173 = vector.multi_reduction <add>, %shift_left3A_171, %reduce_sum3A_172 [0] : vector<4x2048xi32> to vector<2048xi32>
    %broadcast_in_dim3A_174 = vector.shape_cast %reduce_sum3A_173 : vector<2048xi32> to vector<1x2048xi32>
    %swap3A_175 = arith.constant 0 : index
    %swap3A_176 = arith.constant 2 : index
    %swap3A_177 = arith.constant 0 : index
    %swap3A_178 = vector.load %arg5[%swap3A_175, %swap3A_176, %swap3A_177] : memref<1x4x2048xi32, #tpu.memory_space<vmem>>, vector<1x1x2048xi32>
    %swap3A_179 = vector.shape_cast %swap3A_178 : vector<1x1x2048xi32> to vector<1x2048xi32>
    %swap3A_180 = vector.shape_cast %or3A_153 : vector<1x2048xi32> to vector<1x1x2048xi32>
    tpu.vector_store %arg5[%swap3A_175, %swap3A_176, %swap3A_177], %swap3A_180 {strides = array<i32>} : memref<1x4x2048xi32, #tpu.memory_space<vmem>>, vector<1x1x2048xi32>,
    %swap3A_181 = arith.constant 0 : index
    %swap3A_182 = arith.constant 2 : index
    %swap3A_183 = arith.constant 0 : index
    %swap3A_184 = vector.load %arg6[%swap3A_181, %swap3A_182, %swap3A_183] : memref<1x4x2048xi32, #tpu.memory_space<vmem>>, vector<1x1x2048xi32>
    %swap3A_185 = vector.shape_cast %swap3A_184 : vector<1x1x2048xi32> to vector<1x2048xi32>
    %swap3A_186 = vector.shape_cast %broadcast_in_dim3A_174 : vector<1x2048xi32> to vector<1x1x2048xi32>
    tpu.vector_store %arg6[%swap3A_181, %swap3A_182, %swap3A_183], %swap3A_186 {strides = array<i32>} : memref<1x4x2048xi32, #tpu.memory_space<vmem>>, vector<1x1x2048xi32>,
    %slice3A_187 = vector.extract_strided_slice %get3A_121 {offsets = [32, 0], sizes = [32, 2048], strides = [1, 1]} : vector<64x2048xf32> to vector<32x2048xf32>
    %gt3A_188 = arith.constant 0.000000e+00 : f32
    %gt3A_189 = vector.broadcast %gt3A_188 : f32 to vector<32x2048xf32>
    %gt3A_190 = arith.cmpf ogt, %slice3A_187, %gt3A_189 : vector<32x2048xf32>
    %convert_element_type3A_191 = arith.extui %gt3A_190 : vector<32x2048xi1> to vector<32x2048xi32>
    %iota3A_192 = tpu.iota {dimensions = array<i32: 0>} : vector<32x2048xi32>
    %and3A_193 = arith.constant 15 : i32
    %and3A_194 = vector.broadcast %and3A_193 : i32 to vector<32x2048xi32>
    %and3A_195 = arith.andi %iota3A_192, %and3A_194 : vector<32x2048xi32>
    %shift_left3A_196 = arith.shli %convert_element_type3A_191, %and3A_195 : vector<32x2048xi32>
    %lt3A_197 = arith.constant 16 : i32
    %lt3A_198 = vector.broadcast %lt3A_197 : i32 to vector<32x2048xi32>
    %lt3A_199 = arith.cmpi slt, %iota3A_192, %lt3A_198 : vector<32x2048xi32>
    %jit3A_200 = arith.constant 0 : i32
    %broadcast_in_dim3A_201 = vector.broadcast %jit3A_200 : i32 to vector<32x2048xi32>
    %select_n3A_202 = arith.select %lt3A_199, %shift_left3A_196, %broadcast_in_dim3A_201 : vector<32x2048xi1>, vector<32x2048xi32>
    %reduce_sum3A_203 = arith.constant dense<0> : vector<2048xi32>
    %reduce_sum3A_204 = vector.multi_reduction <add>, %select_n3A_202, %reduce_sum3A_203 [0] : vector<32x2048xi32> to vector<2048xi32>
    %broadcast_in_dim3A_205 = vector.shape_cast %reduce_sum3A_204 : vector<2048xi32> to vector<1x2048xi32>
    %ge3A_206 = arith.constant 16 : i32
    %ge3A_207 = vector.broadcast %ge3A_206 : i32 to vector<32x2048xi32>
    %ge3A_208 = arith.cmpi sge, %iota3A_192, %ge3A_207 : vector<32x2048xi32>
    %jit3A_209 = arith.constant 0 : i32
    %broadcast_in_dim3A_210 = vector.broadcast %jit3A_209 : i32 to vector<32x2048xi32>
    %select_n3A_211 = arith.select %ge3A_208, %shift_left3A_196, %broadcast_in_dim3A_210 : vector<32x2048xi1>, vector<32x2048xi32>
    %reduce_sum3A_212 = arith.constant dense<0> : vector<2048xi32>
    %reduce_sum3A_213 = vector.multi_reduction <add>, %select_n3A_211, %reduce_sum3A_212 [0] : vector<32x2048xi32> to vector<2048xi32>
    %broadcast_in_dim3A_214 = vector.shape_cast %reduce_sum3A_213 : vector<2048xi32> to vector<1x2048xi32>
    %shift_left3A_215 = arith.constant 16 : i32
    %shift_left3A_216 = vector.broadcast %shift_left3A_215 : i32 to vector<1x2048xi32>
    %shift_left3A_217 = arith.shli %broadcast_in_dim3A_214, %shift_left3A_216 : vector<1x2048xi32>
    %or3A_218 = arith.ori %broadcast_in_dim3A_205, %shift_left3A_217 : vector<1x2048xi32>
    %get3A_219 = arith.constant 0 : index
    %get3A_220 = arith.constant 0 : index
    %get3A_221 = vector.load %arg4[%get3A_219, %get3A_220] : memref<32x4xf32, #tpu.memory_space<vmem>>, vector<32x4xf32>
    %dot_general3A_222 = arith.constant dense<0.000000e+00> : vector<4x2048xf32>
    %dot_general3A_223 = tpu.matmul %get3A_221, %slice3A_187, %dot_general3A_222 {dimension_numbers = #tpu.dot_dimension_numbers<[0], [0], [1], [1], [0, 1, 1, 1], [], []>, transpose_lhs_hint = false} : vector<32x4xf32>, vector<32x2048xf32>, vector<4x2048xf32> -> vector<4x2048xf32>
    %mul3A_224 = arith.constant 5.000000e-01 : f32
    %mul3A_225 = vector.broadcast %mul3A_224 : f32 to vector<4x2048xf32>
    %mul3A_226 = arith.mulf %dot_general3A_223, %mul3A_225 : vector<4x2048xf32>
    %floor3A_227 = math.floor %mul3A_226 : vector<4x2048xf32>
    %convert_element_type3A_228 = arith.fptosi %floor3A_227 : vector<4x2048xf32> to vector<4x2048xi32>
    %and3A_229 = arith.constant 63 : i32
    %and3A_230 = vector.broadcast %and3A_229 : i32 to vector<4x2048xi32>
    %and3A_231 = arith.andi %convert_element_type3A_228, %and3A_230 : vector<4x2048xi32>
    %iota3A_232 = tpu.iota {dimensions = array<i32: 0>} : vector<4x2048xi32>
    %mul3A_233 = arith.constant 6 : i32
    %mul3A_234 = vector.broadcast %mul3A_233 : i32 to vector<4x2048xi32>
    %mul3A_235 = arith.muli %mul3A_234, %iota3A_232 : vector<4x2048xi32>
    %shift_left3A_236 = arith.shli %and3A_231, %mul3A_235 : vector<4x2048xi32>
    %reduce_sum3A_237 = arith.constant dense<0> : vector<2048xi32>
    %reduce_sum3A_238 = vector.multi_reduction <add>, %shift_left3A_236, %reduce_sum3A_237 [0] : vector<4x2048xi32> to vector<2048xi32>
    %broadcast_in_dim3A_239 = vector.shape_cast %reduce_sum3A_238 : vector<2048xi32> to vector<1x2048xi32>
    %swap3A_240 = arith.constant 0 : index
    %swap3A_241 = arith.constant 3 : index
    %swap3A_242 = arith.constant 0 : index
    %swap3A_243 = vector.load %arg5[%swap3A_240, %swap3A_241, %swap3A_242] : memref<1x4x2048xi32, #tpu.memory_space<vmem>>, vector<1x1x2048xi32>
    %swap3A_244 = vector.shape_cast %swap3A_243 : vector<1x1x2048xi32> to vector<1x2048xi32>
    %swap3A_245 = vector.shape_cast %or3A_218 : vector<1x2048xi32> to vector<1x1x2048xi32>
    tpu.vector_store %arg5[%swap3A_240, %swap3A_241, %swap3A_242], %swap3A_245 {strides = array<i32>} : memref<1x4x2048xi32, #tpu.memory_space<vmem>>, vector<1x1x2048xi32>,
    %swap3A_246 = arith.constant 0 : index
    %swap3A_247 = arith.constant 3 : index
    %swap3A_248 = arith.constant 0 : index
    %swap3A_249 = vector.load %arg6[%swap3A_246, %swap3A_247, %swap3A_248] : memref<1x4x2048xi32, #tpu.memory_space<vmem>>, vector<1x1x2048xi32>
    %swap3A_250 = vector.shape_cast %swap3A_249 : vector<1x1x2048xi32> to vector<1x2048xi32>
    %swap3A_251 = vector.shape_cast %broadcast_in_dim3A_239 : vector<1x2048xi32> to vector<1x1x2048xi32>
    tpu.vector_store %arg6[%swap3A_246, %swap3A_247, %swap3A_248], %swap3A_251 {strides = array<i32>} : memref<1x4x2048xi32, #tpu.memory_space<vmem>>, vector<1x1x2048xi32>,
    return
  }
  func.func @transform_0(%arg0: i32) -> (i32, i32, i32) {
    %c0_i32 = arith.constant 0 : i32
    %c0_i32_0 = arith.constant 0 : i32
    %c0_i32_1 = arith.constant 0 : i32
    return %arg0, %c0_i32, %c0_i32_0 : i32, i32, i32
  }
  func.func @transform_1(%arg0: i32) -> (i32, i32, i32) {
    %c0_i32 = arith.constant 0 : i32
    %c0_i32_0 = arith.constant 0 : i32
    %c0_i32_1 = arith.constant 0 : i32
    return %arg0, %c0_i32, %c0_i32_0 : i32, i32, i32
  }
  func.func @transform_2(%arg0: i32) -> (i32, i32) {
    %c0_i32 = arith.constant 0 : i32
    %c0_i32_0 = arith.constant 0 : i32
    %c0_i32_1 = arith.constant 0 : i32
    return %c0_i32, %c0_i32_0 : i32, i32
  }
  func.func @transform_3(%arg0: i32) -> (i32, i32) {
    %c0_i32 = arith.constant 0 : i32
    %c0_i32_0 = arith.constant 0 : i32
    %c0_i32_1 = arith.constant 0 : i32
    return %c0_i32, %c0_i32_0 : i32, i32
  }
  func.func @transform_4(%arg0: i32) -> (i32, i32, i32) {
    %c0_i32 = arith.constant 0 : i32
    %c0_i32_0 = arith.constant 0 : i32
    %c0_i32_1 = arith.constant 0 : i32
    return %arg0, %c0_i32, %c0_i32_0 : i32, i32, i32
  }
  func.func @transform_5(%arg0: i32) -> (i32, i32, i32) {
    %c0_i32 = arith.constant 0 : i32
    %c0_i32_0 = arith.constant 0 : i32
    %c0_i32_1 = arith.constant 0 : i32
    return %arg0, %c0_i32, %c0_i32_0 : i32, i32, i32
  }
}

module attributes {stable_mosaic.version = 14 : i64} {
  func.func @_score_body(%arg0: i32, %arg1: i32, %arg2: memref<1x256x64xf32, #tpu.memory_space<vmem>>, %arg3: memref<1x2048x64xf32, #tpu.memory_space<vmem>>, %arg4: memref<1x256x1xi32, #tpu.memory_space<vmem>>, %arg5: memref<1x256x2048xi32, #tpu.memory_space<vmem>>, %arg6: memref<1x256x64xf32, #tpu.memory_space<vmem>>, %arg7: memref<1x256x64xi32, #tpu.memory_space<vmem>>, %arg8: memref<256x2048xf32, #tpu.memory_space<vmem>>, %arg9: memref<1xi32, #tpu.memory_space<smem>>) attributes {dimension_semantics = [#tpu.dimension_semantics<arbitrary>, #tpu.dimension_semantics<arbitrary>], iteration_bounds = array<i64: 2, 8>, scalar_prefetch = 0 : i64, scratch_operands = 2 : i64, tpu.core_type = #tpu.core_type<tc>, window_params = [{transform_indices = @transform_0, window_bounds = array<i64: 1, 256, 64>}, {transform_indices = @transform_1, window_bounds = array<i64: 1, 2048, 64>}, {transform_indices = @transform_2, window_bounds = array<i64: 1, 256, 1>}, {transform_indices = @transform_3, window_bounds = array<i64: 1, 256, 2048>}, {transform_indices = @transform_4, window_bounds = array<i64: 1, 256, 64>}, {transform_indices = @transform_5, window_bounds = array<i64: 1, 256, 64>}]} {
    %get3A = arith.constant 0 : index
    %get3A_0 = arith.constant 0 : index
    %get3A_1 = arith.constant 0 : index
    %get3A_2 = vector.load %arg4[%get3A, %get3A_0, %get3A_1] : memref<1x256x1xi32, #tpu.memory_space<vmem>>, vector<1x256x1xi32>
    %get3A_3 = vector.shape_cast %get3A_2 : vector<1x256x1xi32> to vector<256x1xi32>
    %reduce_sum3A = vector.shape_cast %get3A_3 : vector<256x1xi32> to vector<1x256x1xi32>
    %reduce_sum3A_4 = arith.constant dense<0> : vector<1xi32>
    %reduce_sum3A_5 = vector.multi_reduction <add>, %reduce_sum3A, %reduce_sum3A_4 [1, 2] : vector<1x256x1xi32> to vector<1xi32>
    %reduce_sum3A_6 = vector.shape_cast %reduce_sum3A_5 : vector<1xi32> to vector<1x1x1xi32>
    %reduce_sum3A_7 = vector.extract %reduce_sum3A_6[0, 0, 0] : i32 from vector<1x1x1xi32>
    %broadcast_in_dim3A = arith.constant -1.000000e+09 : f32
    %broadcast_in_dim3A_8 = vector.broadcast %broadcast_in_dim3A : f32 to vector<256x64xf32>
    %swap3A = arith.constant 0 : index
    %swap3A_9 = arith.constant 0 : index
    %swap3A_10 = arith.constant 0 : index
    %swap3A_11 = vector.load %arg6[%swap3A, %swap3A_9, %swap3A_10] : memref<1x256x64xf32, #tpu.memory_space<vmem>>, vector<1x256x64xf32>
    %swap3A_12 = vector.shape_cast %swap3A_11 : vector<1x256x64xf32> to vector<256x64xf32>
    %swap3A_13 = vector.shape_cast %broadcast_in_dim3A_8 : vector<256x64xf32> to vector<1x256x64xf32>
    tpu.vector_store %arg6[%swap3A, %swap3A_9, %swap3A_10], %swap3A_13 {strides = array<i32>} : memref<1x256x64xf32, #tpu.memory_space<vmem>>, vector<1x256x64xf32>,
    %broadcast_in_dim3A_14 = arith.constant -1 : i32
    %broadcast_in_dim3A_15 = vector.broadcast %broadcast_in_dim3A_14 : i32 to vector<256x64xi32>
    %swap3A_16 = arith.constant 0 : index
    %swap3A_17 = arith.constant 0 : index
    %swap3A_18 = arith.constant 0 : index
    %swap3A_19 = vector.load %arg7[%swap3A_16, %swap3A_17, %swap3A_18] : memref<1x256x64xi32, #tpu.memory_space<vmem>>, vector<1x256x64xi32>
    %swap3A_20 = vector.shape_cast %swap3A_19 : vector<1x256x64xi32> to vector<256x64xi32>
    %swap3A_21 = vector.shape_cast %broadcast_in_dim3A_15 : vector<256x64xi32> to vector<1x256x64xi32>
    tpu.vector_store %arg7[%swap3A_16, %swap3A_17, %swap3A_18], %swap3A_21 {strides = array<i32>} : memref<1x256x64xi32, #tpu.memory_space<vmem>>, vector<1x256x64xi32>,
    %gt3A = arith.constant 0 : i32
    %gt3A_22 = arith.cmpi sgt, %reduce_sum3A_7, %gt3A : i32
    %jit3A = arith.constant 0 : i32
    %jit3A_23 = arith.constant 1 : i32
    %select_n3A = arith.select %gt3A_22, %jit3A, %jit3A_23 : i32
    %swap3A_24 = arith.constant 0 : index
    %swap3A_25 = memref.load %arg9[%swap3A_24] : memref<1xi32, #tpu.memory_space<smem>>
    memref.store %select_n3A, %arg9[%swap3A_24] : memref<1xi32, #tpu.memory_space<smem>>
    %gt3A_26 = arith.constant 0 : i32
    %gt3A_27 = arith.cmpi sgt, %reduce_sum3A_7, %gt3A_26 : i32
    %convert_element_type3A = arith.extui %gt3A_27 : i1 to i32
    %cond3A = arith.constant 0 : i32
    %cond3A_28 = arith.cmpi ne, %convert_element_type3A, %cond3A : i32
    scf.if %cond3A_28 {
      %get3A_34 = arith.constant 0 : index
      %get3A_35 = arith.constant 0 : index
      %get3A_36 = arith.constant 0 : index
      %get3A_37 = vector.load %arg2[%get3A_34, %get3A_35, %get3A_36] : memref<1x256x64xf32, #tpu.memory_space<vmem>>, vector<1x256x64xf32>
      %get3A_38 = vector.shape_cast %get3A_37 : vector<1x256x64xf32> to vector<256x64xf32>
      %get3A_39 = arith.constant 0 : index
      %get3A_40 = arith.constant 0 : index
      %get3A_41 = arith.constant 0 : index
      %get3A_42 = vector.load %arg3[%get3A_39, %get3A_40, %get3A_41] : memref<1x2048x64xf32, #tpu.memory_space<vmem>>, vector<1x2048x64xf32>
      %get3A_43 = vector.shape_cast %get3A_42 : vector<1x2048x64xf32> to vector<2048x64xf32>
      %dot_general3A = arith.constant dense<0.000000e+00> : vector<256x2048xf32>
      %dot_general3A_44 = tpu.matmul %get3A_38, %get3A_43, %dot_general3A {dimension_numbers = #tpu.dot_dimension_numbers<[1], [1], [0], [0], [0, 0, 1, 0], [], []>, transpose_lhs_hint = false} : vector<256x64xf32>, vector<2048x64xf32>, vector<256x2048xf32> -> vector<256x2048xf32>
      %get3A_45 = arith.constant 0 : index
      %get3A_46 = arith.constant 0 : index
      %get3A_47 = arith.constant 0 : index
      %get3A_48 = vector.load %arg5[%get3A_45, %get3A_46, %get3A_47] : memref<1x256x2048xi32, #tpu.memory_space<vmem>>, vector<1x256x2048xi32>
      %get3A_49 = vector.shape_cast %get3A_48 : vector<1x256x2048xi32> to vector<256x2048xi32>
      %gt3A_50 = arith.constant 0 : i32
      %gt3A_51 = vector.broadcast %gt3A_50 : i32 to vector<256x2048xi32>
      %gt3A_52 = arith.cmpi sgt, %get3A_49, %gt3A_51 : vector<256x2048xi32>
      %gt3A_53 = arith.constant 0 : i32
      %gt3A_54 = vector.broadcast %gt3A_53 : i32 to vector<256x1xi32>
      %gt3A_55 = arith.cmpi sgt, %get3A_3, %gt3A_54 : vector<256x1xi32>
      %and3A = vector.broadcast %gt3A_55 : vector<256x1xi1> to vector<256x2048xi1>
      %and3A_56 = arith.andi %gt3A_52, %and3A : vector<256x2048xi1>
      %jit3A_57 = arith.constant -1.000000e+09 : f32
      %broadcast_in_dim3A_58 = vector.broadcast %jit3A_57 : f32 to vector<256x2048xf32>
      %select_n3A_59 = arith.select %and3A_56, %dot_general3A_44, %broadcast_in_dim3A_58 : vector<256x2048xi1>, vector<256x2048xf32>
      %swap3A_60 = arith.constant 0 : index
      %swap3A_61 = arith.constant 0 : index
      %swap3A_62 = vector.load %arg8[%swap3A_60, %swap3A_61] : memref<256x2048xf32, #tpu.memory_space<vmem>>, vector<256x2048xf32>
      tpu.vector_store %arg8[%swap3A_60, %swap3A_61], %select_n3A_59 {strides = array<i32>} : memref<256x2048xf32, #tpu.memory_space<vmem>>, vector<256x2048xf32>,
    } else {
    }
    %iota3A = tpu.iota {dimensions = array<i32: 1>} : vector<256x2048xi32>
    %iota3A_29 = tpu.iota {dimensions = array<i32: 1>} : vector<256x64xi32>
    %scan3A = arith.constant 0 : i32
    %scan3A_30 = arith.constant 64 : i32
    %scan3A_31 = arith.addi %scan3A, %scan3A_30 : i32
    %scan3A_32 = arith.constant 1 : i32
    scf.for %scan3A_34 = %scan3A to %scan3A_31 step %scan3A_32  : i32 {
      %get3A_35 = arith.constant 0 : index
      %get3A_36 = memref.load %arg9[%get3A_35] : memref<1xi32, #tpu.memory_space<smem>>
      %eq3A = arith.constant 0 : i32
      %eq3A_37 = arith.cmpi eq, %get3A_36, %eq3A : i32
      %convert_element_type3A_38 = arith.extui %eq3A_37 : i1 to i32
      %cond3A_39 = arith.constant 0 : i32
      %cond3A_40 = arith.cmpi ne, %convert_element_type3A_38, %cond3A_39 : i32
      scf.if %cond3A_40 {
        %get3A_41 = arith.constant 0 : index
        %get3A_42 = arith.constant 0 : index
        %get3A_43 = vector.load %arg8[%get3A_41, %get3A_42] : memref<256x2048xf32, #tpu.memory_space<vmem>>, vector<256x2048xf32>
        %reduce_max3A = arith.constant dense<0xFF800000> : vector<256xf32>
        %reduce_max3A_44 = vector.multi_reduction <maximumf>, %get3A_43, %reduce_max3A [1] : vector<256x2048xf32> to vector<256xf32>
        %reduce_max3A_45 = vector.shape_cast %reduce_max3A_44 : vector<256xf32> to vector<1x256xf32>
        %reduce_max3A_46 = arith.constant dense<0xFF800000> : vector<1xf32>
        %reduce_max3A_47 = vector.multi_reduction <maximumf>, %reduce_max3A_45, %reduce_max3A_46 [1] : vector<1x256xf32> to vector<1xf32>
        %reduce_max3A_48 = vector.shape_cast %reduce_max3A_47 : vector<1xf32> to vector<1x1xf32>
        %reduce_max3A_49 = vector.extract %reduce_max3A_48[0, 0] : f32 from vector<1x1xf32>
        %le3A = arith.constant -1.000000e+08 : f32
        %le3A_50 = arith.cmpf ole, %reduce_max3A_49, %le3A : f32
        %convert_element_type3A_51 = arith.extui %le3A_50 : i1 to i32
        %cond3A_52 = arith.constant 0 : i32
        %cond3A_53 = arith.cmpi ne, %convert_element_type3A_51, %cond3A_52 : i32
        scf.if %cond3A_53 {
          %swap3A_59 = arith.constant 1 : i32
          %swap3A_60 = arith.constant 0 : index
          %swap3A_61 = memref.load %arg9[%swap3A_60] : memref<1xi32, #tpu.memory_space<smem>>
          memref.store %swap3A_59, %arg9[%swap3A_60] : memref<1xi32, #tpu.memory_space<smem>>
        } else {
        }
        %gt3A_54 = arith.constant -1.000000e+08 : f32
        %gt3A_55 = arith.cmpf ogt, %reduce_max3A_49, %gt3A_54 : f32
        %convert_element_type3A_56 = arith.extui %gt3A_55 : i1 to i32
        %cond3A_57 = arith.constant 0 : i32
        %cond3A_58 = arith.cmpi ne, %convert_element_type3A_56, %cond3A_57 : i32
        scf.if %cond3A_58 {
          %broadcast_in_dim3A_59 = vector.shape_cast %reduce_max3A_44 : vector<256xf32> to vector<256x1xf32>
          %eq3A_60 = vector.broadcast %broadcast_in_dim3A_59 : vector<256x1xf32> to vector<256x2048xf32>
          %eq3A_61 = arith.cmpf oeq, %get3A_43, %eq3A_60 : vector<256x2048xf32>
          %jit3A_62 = arith.constant 2048 : i32
          %broadcast_in_dim3A_63 = vector.broadcast %jit3A_62 : i32 to vector<256x2048xi32>
          %select_n3A_64 = arith.select %eq3A_61, %iota3A, %broadcast_in_dim3A_63 : vector<256x2048xi1>, vector<256x2048xi32>
          %reduce_min3A = arith.constant dense<2147483647> : vector<256xi32>
          %reduce_min3A_65 = vector.multi_reduction <minsi>, %select_n3A_64, %reduce_min3A [1] : vector<256x2048xi32> to vector<256xi32>
          %gt3A_66 = arith.constant -1.000000e+08 : f32
          %gt3A_67 = vector.broadcast %gt3A_66 : f32 to vector<256xf32>
          %gt3A_68 = arith.cmpf ogt, %reduce_max3A_44, %gt3A_67 : vector<256xf32>
          %jit3A_69 = arith.constant -1.000000e+09 : f32
          %broadcast_in_dim3A_70 = vector.broadcast %jit3A_69 : f32 to vector<256xf32>
          %select_n3A_71 = arith.select %gt3A_68, %reduce_max3A_44, %broadcast_in_dim3A_70 : vector<256xi1>, vector<256xf32>
          %jit3A_72 = arith.constant -1 : i32
          %broadcast_in_dim3A_73 = vector.broadcast %jit3A_72 : i32 to vector<256xi32>
          %select_n3A_74 = arith.select %gt3A_68, %reduce_min3A_65, %broadcast_in_dim3A_73 : vector<256xi1>, vector<256xi32>
          %eq3A_75 = vector.broadcast %scan3A_34 : i32 to vector<256x64xi32>
          %eq3A_76 = arith.cmpi eq, %iota3A_29, %eq3A_75 : vector<256x64xi32>
          %broadcast_in_dim3A_77 = vector.shape_cast %select_n3A_71 : vector<256xf32> to vector<256x1xf32>
          %get3A_78 = arith.constant 0 : index
          %get3A_79 = arith.constant 0 : index
          %get3A_80 = arith.constant 0 : index
          %get3A_81 = vector.load %arg6[%get3A_78, %get3A_79, %get3A_80] : memref<1x256x64xf32, #tpu.memory_space<vmem>>, vector<1x256x64xf32>
          %get3A_82 = vector.shape_cast %get3A_81 : vector<1x256x64xf32> to vector<256x64xf32>
          %broadcast_in_dim3A_83 = vector.shape_cast %broadcast_in_dim3A_77 : vector<256x1xf32> to vector<256x1xf32>
          %broadcast_in_dim3A_84 = vector.broadcast %broadcast_in_dim3A_83 : vector<256x1xf32> to vector<256x64xf32>
          %select_n3A_85 = arith.select %eq3A_76, %broadcast_in_dim3A_84, %get3A_82 : vector<256x64xi1>, vector<256x64xf32>
          %swap3A_86 = arith.constant 0 : index
          %swap3A_87 = arith.constant 0 : index
          %swap3A_88 = arith.constant 0 : index
          %swap3A_89 = vector.load %arg6[%swap3A_86, %swap3A_87, %swap3A_88] : memref<1x256x64xf32, #tpu.memory_space<vmem>>, vector<1x256x64xf32>
          %swap3A_90 = vector.shape_cast %swap3A_89 : vector<1x256x64xf32> to vector<256x64xf32>
          %swap3A_91 = vector.shape_cast %select_n3A_85 : vector<256x64xf32> to vector<1x256x64xf32>
          tpu.vector_store %arg6[%swap3A_86, %swap3A_87, %swap3A_88], %swap3A_91 {strides = array<i32>} : memref<1x256x64xf32, #tpu.memory_space<vmem>>, vector<1x256x64xf32>,
          %eq3A_92 = vector.broadcast %scan3A_34 : i32 to vector<256x64xi32>
          %eq3A_93 = arith.cmpi eq, %iota3A_29, %eq3A_92 : vector<256x64xi32>
          %broadcast_in_dim3A_94 = vector.shape_cast %select_n3A_74 : vector<256xi32> to vector<256x1xi32>
          %get3A_95 = arith.constant 0 : index
          %get3A_96 = arith.constant 0 : index
          %get3A_97 = arith.constant 0 : index
          %get3A_98 = vector.load %arg7[%get3A_95, %get3A_96, %get3A_97] : memref<1x256x64xi32, #tpu.memory_space<vmem>>, vector<1x256x64xi32>
          %get3A_99 = vector.shape_cast %get3A_98 : vector<1x256x64xi32> to vector<256x64xi32>
          %broadcast_in_dim3A_100 = vector.shape_cast %broadcast_in_dim3A_94 : vector<256x1xi32> to vector<256x1xi32>
          %broadcast_in_dim3A_101 = vector.broadcast %broadcast_in_dim3A_100 : vector<256x1xi32> to vector<256x64xi32>
          %select_n3A_102 = arith.select %eq3A_93, %broadcast_in_dim3A_101, %get3A_99 : vector<256x64xi1>, vector<256x64xi32>
          %swap3A_103 = arith.constant 0 : index
          %swap3A_104 = arith.constant 0 : index
          %swap3A_105 = arith.constant 0 : index
          %swap3A_106 = vector.load %arg7[%swap3A_103, %swap3A_104, %swap3A_105] : memref<1x256x64xi32, #tpu.memory_space<vmem>>, vector<1x256x64xi32>
          %swap3A_107 = vector.shape_cast %swap3A_106 : vector<1x256x64xi32> to vector<256x64xi32>
          %swap3A_108 = vector.shape_cast %select_n3A_102 : vector<256x64xi32> to vector<1x256x64xi32>
          tpu.vector_store %arg7[%swap3A_103, %swap3A_104, %swap3A_105], %swap3A_108 {strides = array<i32>} : memref<1x256x64xi32, #tpu.memory_space<vmem>>, vector<1x256x64xi32>,
          %broadcast_in_dim3A_109 = vector.shape_cast %reduce_min3A_65 : vector<256xi32> to vector<256x1xi32>
          %eq3A_110 = vector.broadcast %broadcast_in_dim3A_109 : vector<256x1xi32> to vector<256x2048xi32>
          %eq3A_111 = arith.cmpi eq, %iota3A, %eq3A_110 : vector<256x2048xi32>
          %broadcast_in_dim3A_112 = vector.shape_cast %gt3A_68 : vector<256xi1> to vector<256x1xi1>
          %and3A = vector.broadcast %broadcast_in_dim3A_112 : vector<256x1xi1> to vector<256x2048xi1>
          %and3A_113 = arith.andi %eq3A_111, %and3A : vector<256x2048xi1>
          %jit3A_114 = arith.constant -1.000000e+09 : f32
          %broadcast_in_dim3A_115 = vector.broadcast %jit3A_114 : f32 to vector<256x2048xf32>
          %select_n3A_116 = arith.select %and3A_113, %broadcast_in_dim3A_115, %get3A_43 : vector<256x2048xi1>, vector<256x2048xf32>
          %swap3A_117 = arith.constant 0 : index
          %swap3A_118 = arith.constant 0 : index
          %swap3A_119 = vector.load %arg8[%swap3A_117, %swap3A_118] : memref<256x2048xf32, #tpu.memory_space<vmem>>, vector<256x2048xf32>
          tpu.vector_store %arg8[%swap3A_117, %swap3A_118], %select_n3A_116 {strides = array<i32>} : memref<256x2048xf32, #tpu.memory_space<vmem>>, vector<256x2048xf32>,
        } else {
        }
      } else {
      }
    }
    %scan3A_33 = arith.constant 64 : i32
    return
  }
  func.func @transform_0(%arg0: i32, %arg1: i32) -> (i32, i32, i32) {
    %c0_i32 = arith.constant 0 : i32
    %c0_i32_0 = arith.constant 0 : i32
    return %arg0, %arg1, %c0_i32 : i32, i32, i32
  }
  func.func @transform_1(%arg0: i32, %arg1: i32) -> (i32, i32, i32) {
    %c0_i32 = arith.constant 0 : i32
    %c0_i32_0 = arith.constant 0 : i32
    %c0_i32_1 = arith.constant 0 : i32
    return %arg0, %c0_i32, %c0_i32_0 : i32, i32, i32
  }
  func.func @transform_2(%arg0: i32, %arg1: i32) -> (i32, i32, i32) {
    %c0_i32 = arith.constant 0 : i32
    %c0_i32_0 = arith.constant 0 : i32
    return %arg0, %arg1, %c0_i32 : i32, i32, i32
  }
  func.func @transform_3(%arg0: i32, %arg1: i32) -> (i32, i32, i32) {
    %c0_i32 = arith.constant 0 : i32
    %c0_i32_0 = arith.constant 0 : i32
    return %arg0, %arg1, %c0_i32 : i32, i32, i32
  }
  func.func @transform_4(%arg0: i32, %arg1: i32) -> (i32, i32, i32) {
    %c0_i32 = arith.constant 0 : i32
    %c0_i32_0 = arith.constant 0 : i32
    return %arg0, %arg1, %c0_i32 : i32, i32, i32
  }
  func.func @transform_5(%arg0: i32, %arg1: i32) -> (i32, i32, i32) {
    %c0_i32 = arith.constant 0 : i32
    %c0_i32_0 = arith.constant 0 : i32
    return %arg0, %arg1, %c0_i32 : i32, i32, i32
  }
}

</mosaic_0001>

<sc_bundles>
// kernel: _run.5.cloned.1.call-start
scs
__scs_entry_jumppad:
0x0: {  	(pc) =	sbr.rel $0x88, $3  }
0x1: {  	(tag) =	ssettag $0x0;
	lr =	simm.s32 $0x1  }
0x2: {  	[smem:$0x3F9D] =	sst lr;
	_ =	strace $0xD0000000  }
0x3: {  	_ = 	snop  }
0x4: {  	_ = 	snop  }
0x5: {  	_ = 	snop  }
0x6: {  	_ = 	snop  }
0x7: {  	_ = 	snop  }
__scs_overlays_trampoline_lowered:
0x8: {  	[smem:$0x3FAC] =	sst s0  }
0x9: {  	[smem:$0x3FAD] =	sst s1  }
0xa: {  	[smem:$0x3FAE] =	sst s2  }
0xb: {  	[smem:$0x3FAF] =	sst s3  }
0xc: {  	[smem:$0x3FB0] =	sst s4  }
0xd: {  	[smem:$0x3FB1] =	sst s5  }
0xe: {  	[smem:$0x3FB2] =	sst s6  }
0xf: {  	[smem:$0x3FB3] =	sst s7  }
0x10: {  	[smem:$0x3FB4] =	sst s8  }
0x11: {  	[smem:$0x3FB5] =	sst s9;
	s0 =	simm.s32 @!p0 $0x0  }
0x12: {  	s1 =	sld [smem:$0x3F9B];
	s0 =	simm.s32 @p0 $0x1  }
0x13: {  	[smem:$0x3FB6] =	sst s0;
	s0 =	simm.s32 @!p1 $0x0  }
0x14: {  	s2 =	sld [smem:$0x3F9A];
	s0 =	simm.s32 @p1 $0x1  }
0x15: {  	[smem:$0x3FB7] =	sst s0;
	s0 =	simm.s32 @!p2 $0x0  }
0x16: {  	s3 =	sld [smem:$0x3FDB];
	s0 =	simm.s32 @p2 $0x1  }
0x17: {  	s4 =	simm.s32 $0x1BF5;
	[smem:$0x3FB9] =	sst s0  }
0x18: {  	s0 =	sld [smem:$0x3F9C];
	_ =	swait.ge [sflag:s4], $0x0  }
0x19: {  	s7 =	sld [smem:$0x3F9D]  }
0x1a: {  	s8 =	sadd.s32 $0xFFFFE003, lr  }
0x1b: {  	s9 =	sadd.s32 $0xFFFFFEF7, lr;
	s5 =	simm.s32 $0xFFFFFFFF;
	p2 =	slt.u32 s8, $0xFFFFF086  }
0x1c: {  	p1 =	slt.u32 s9, $0xF7A;
	s5 =	simm.s32 @!p2 $0x0  }
0x1d: {  	s5 =	simm.s32 @p1 $0x1;
	p0 =	seq.s32 s7, s2  }
0x1e: {  	s7 =	smul.u32 @!p0 $0xF7A, s2;
	p2 =	seq.s32 @!p0 s5, $0x0  }
0x1f: {  	s9 =	smul.u32 $0xF7A, s1;
	s8 =	simm.s32 @!p0 $0x1BF5;
	p2 =	por !p2, p0  }
0x20: {  	[sflag:s8] =	ssyncset.s32 @!p0 $0xFFFFF086;
	s6 =	sadd.s32 @!p0 s3, s7;
	s7 =	simm.s32 @!p0 $0x108  }
0x21: {  	s3 =	sadd.s32 s3, s9;
	s6 =	sadd.s32 @!p0 $0x88, s6;
	s7 =	simm.s32 @p2 $0x1082  }
0x22: {  	[simem:s7], [sflag:s8] =	dma.local @!p0 [hbm:s6], $0xF7A  }
0x23: {  	s9 =	sor.u32 $0xD0000000, s2;
	s6 =	simm.s32 $0x108;
	_ =	swait.ge @!p0 [sflag:s8], $0x0  }
0x24: {  	s3 =	sadd.s32 $0x88, s3;
	s6 =	simm.s32 @!p1 $0x1082;
	[sflag:s4] =	ssyncset.s32 $0xFFFFF086  }
0x25: {  	[simem:s6], [sflag:s4] =	dma.local [hbm:s3], $0xF7A  }
0x26: {  	[smem:$0x3F9D] =	sst s1;
	(tag) =	ssettag s2;
	_ =	strace s9  }
0x27: {  	s1 =	sld [smem:$0x3FAD]  }
0x28: {  	s2 =	sld [smem:$0x3FAE]  }
0x29: {  	s4 =	sld [smem:$0x3FB0]  }
0x2a: {  	p0 =	seq.s32 s5, $0x0;
	s5 =	sld [smem:$0x3FB1]  }
0x2b: {  	s6 =	sld [smem:$0x3FB2]  }
0x2c: {  	s7 =	sld [smem:$0x3FB3]  }
0x2d: {  	s3 =	simm.s32 $0x108;
	s8 =	sld [smem:$0x3FB4]  }
0x2e: {  	s3 =	simm.s32 @!p0 $0x1082;
	s9 =	sld [smem:$0x3FB5]  }
0x2f: {  	lr =	sadd.s32 s0, s3;
	s0 =	sld [smem:$0x3FAC]  }
0x30: {  	s3 =	sld [smem:$0x3FAF]  }
0x31: {  	[smem:$0x3FB8] =	sst s10  }
0x32: {  	s10 =	sld [smem:$0x3FB6];
	_ =	sdelay $0x3  }
0x33: {  	p0 =	seq.s32 s10, $0x1;
	s10 =	sld [smem:$0x3FB8];
	_ =	sdelay $0x3  }
0x34: {  	[smem:$0x3FB8] =	sst s10  }
0x35: {  	s10 =	sld [smem:$0x3FB7];
	_ =	sdelay $0x3  }
0x36: {  	p1 =	seq.s32 s10, $0x1;
	s10 =	sld [smem:$0x3FB8];
	_ =	sdelay $0x3  }
0x37: {  	[smem:$0x3FB8] =	sst s10  }
0x38: {  	s10 =	sld [smem:$0x3FB9]  }
0x39: {  	_ = 	snop;
	(pc) =	sbr.ind lr, $3  }
0x3a: {  	_ = 	snop  }
0x3b: {  	_ = 	snop  }
0x3c: {  	p2 =	seq.s32 s10, $0x1;
	s10 =	sld [smem:$0x3FB8]  }
0x3d: {  	_ =	shalt  }
0x3e: {  	_ =	shalt  }
0x3f: {  	_ =	shalt  }
0x40: {  	_ =	shalt  }
0x41: {  	_ =	shalt  }
0x42: {  	_ =	shalt  }
0x43: {  	_ =	shalt  }
0x44: {  	_ =	shalt  }
0x45: {  	_ =	shalt  }
0x46: {  	_ =	shalt  }
0x47: {  	_ =	shalt  }
0x48: {  	_ =	shalt  }
0x49: {  	_ =	shalt  }
0x4a: {  	_ =	shalt  }
0x4b: {  	_ =	shalt  }
0x4c: {  	_ =	shalt  }
0x4d: {  	_ =	shalt  }
0x4e: {  	_ =	shalt  }
0x4f: {  	_ =	shalt  }
0x50: {  	_ =	shalt  }
0x51: {  	_ =	shalt  }
0x52: {  	_ =	shalt  }
0x53: {  	_ =	shalt  }
0x54: {  	_ =	shalt  }
0x55: {  	_ =	shalt  }
0x56: {  	_ =	shalt  }
0x57: {  	_ =	shalt  }
0x58: {  	_ =	shalt  }
0x59: {  	_ =	shalt  }
0x5a: {  	_ =	shalt  }
0x5b: {  	_ =	shalt  }
0x5c: {  	_ =	shalt  }
0x5d: {  	_ =	shalt  }
0x5e: {  	_ =	shalt  }
0x5f: {  	_ =	shalt  }
0x60: {  	_ =	shalt  }
0x61: {  	_ =	shalt  }
0x62: {  	_ =	shalt  }
0x63: {  	_ =	shalt  }
0x64: {  	_ =	shalt  }
0x65: {  	_ =	shalt  }
0x66: {  	_ =	shalt  }
0x67: {  	_ =	shalt  }
0x68: {  	_ =	shalt  }
0x69: {  	_ =	shalt  }
0x6a: {  	_ =	shalt  }
0x6b: {  	_ =	shalt  }
0x6c: {  	_ =	shalt  }
0x6d: {  	_ =	shalt  }
0x6e: {  	_ =	shalt  }
0x6f: {  	_ =	shalt  }
0x70: {  	_ =	shalt  }
0x71: {  	_ =	shalt  }
0x72: {  	_ =	shalt  }
0x73: {  	_ =	shalt  }
0x74: {  	_ =	shalt  }
0x75: {  	_ =	shalt  }
0x76: {  	_ =	shalt  }
0x77: {  	_ =	shalt  }
0x78: {  	_ =	shalt  }
0x79: {  	_ =	shalt  }
0x7a: {  	_ =	shalt  }
0x7b: {  	_ =	shalt  }
0x7c: {  	_ =	shalt  }
0x7d: {  	_ =	shalt  }
0x7e: {  	_ =	shalt  }
0x7f: {  	_ =	shalt  }
0x80: {  	_ =	shalt  }
0x81: {  	_ =	shalt  }
0x82: {  	_ =	shalt  }
0x83: {  	_ =	shalt  }
0x84: {  	_ =	shalt  }
0x85: {  	_ =	shalt  }
0x86: {  	_ =	shalt  }
0x87: {  	_ =	shalt  }
.Lfunc_end0:
.L_simem_size_0:
called_computation_lowered:
.L_overlay_start_0:
0x88: {  	s2 =	sld [smem:$0x3FD9]  }
0x89: {  	s3 =	sld [smem:$0x3FFE];
	_ =	sdelay $0x1  }
0x8a: {  	s1 =	srdreg.scid  }
0x8b: {  	s0 =	sand.u32 $0x1, s1  }
0x8c: {  	s14 =	sshll.u32 s0, $0xA;
	s2 =	sadd.s32 s3, s2  }
0x8d: {  	s2 =	sadd.s32 s2, s14  }
0x8e: {  	[smem:$0x3FC4] =	sst s2  }
0x8f: {  	_ = 	snop  }
0x90: {  	s2 =	sld [smem:$0x3FD0];
	_ =	sdelay $0x2  }
0x91: {  	s15 =	simm.s32 $0xA;
	s4 =	simm.s32 $0x10  }
0x92: {  	[smem:s4], [sflag:s15] =	dma.local [hbm:s2], $0x1  }
0x93: {  	_ =	swait.eq [sflag:s15], $0x1  }
0x94: {  	[sflag:s15] =	ssyncset.done $0x0  }
0x95: {  	s16 =	sld [smem:$0x10];
	[sflag:s15] =	ssyncadd.s32 $0xFFFFFFFF  }
0x96: {  	s17 =	sld [smem:$0x11];
	(tm) =	ssettm $0x1  }
0x97: {  	s18 =	sld [smem:$0x3FFB];
	_ =	sdelay $0x3  }
0x98: {  	_ =	strace s18  }
0x99: {  	s4 =	sld [smem:$0x3FFC];
	_ =	sdelay $0x3  }
0x9a: {  	_ =	strace s4  }
0x9b: {  	s4 =	sld [smem:$0x3FFD];
	_ =	sdelay $0x3  }
0x9c: {  	_ =	strace s4  }
0x9d: {  	_ =	strace $0x8FFFFFFF  }
0x9e: {  	s19 =	sld [smem:$0x3FDB];
	_ =	sdelay $0x1  }
0x9f: {  	s5 =	simm.s32 $_scs_section_size  }
0xa0: {  	s6 =	simm.s32 $_size__tile_overlayer_lowered;
	s7 =	simm.s32 $_tile_overlayer_lowered  }
0xa1: {  	s22 =	simm.s32 $0x1BFF;
	s21 =	sshll.u32 s7, $0x1;
	s4 =	sadd.s32 s5, s19  }
0xa2: {  	s8 =	simm.s32 $0x0;
	s20 =	sshll.u32 s6, $0x1;
	s6 =	sadd.s32 s21, s4  }
0xa3: {  	[timem:s8], [sflag:s22] =	dma.local [hbm:s6], s20  }
0xa4: {  	_ =	swait.ge [sflag:s22], s20  }
0xa5: {  	s5 =	ssub.s32 $0x0, s20;
	[sflag:s22] =	ssyncset.done $0x0  }
0xa6: {  	[sflag:s22] =	ssyncadd.s32 s5;
	_ =	sdelay $0x1  }
0xa7: {  	s23 =	simm.s32 $0x1B8B  }
0xa8: {  	_ =	swait.ge [sflag:s23], $0x1  }
0xa9: {  	[sflag:s23] =	ssyncset.done $0x0  }
0xaa: {  	s25 =	simm.s32 $0x1B8E;
	s24 =	sld [smem:$0x3FFE];
	[sflag:s23] =	ssyncadd.s32 $0xFFFFFFFF  }
0xab: {  	s26 =	simm.s32 $execute0_lowered;
	[smem:$0x3FD2] =	sst s25  }
0xac: {  	s6 =	sshll.u32 s26, $0x1;
	_ =	strace $0x80000046;
	[dreg:$0x1] =	wrdreg $0xFFFFFFFF  }
0xad: {  	s28 =	simm.s32 $_size_execute0_lowered;
	s4 =	sadd.s32 s4, s6;
	[dreg:$0x0] =	wrdreg $0x0  }
0xae: {  	s6 =	sshll.u32 s28, $0x1;
	[dreg:$0x2] =	wrdreg s4  }
0xaf: {  	[dreg:$0x3] =	wrdreg s6  }
0xb0: {  	[dreg:$0x4] =	wrdreg $0xC0  }
0xb1: {  	_ =	task [dreg:s8], $0x5FFFF  }
0xb2: {  	[dreg:$0x1] =	wrdreg $0xFFFFFFFF  }
0xb3: {  	[dreg:$0x0] =	wrdreg $0x60  }
0xb4: {  	[dreg:$0x2] =	wrdreg s17  }
0xb5: {  	[dreg:$0x3] =	wrdreg s16  }
0xb6: {  	[dreg:$0x4] =	wrdreg s24  }
0xb7: {  	[dreg:$0x5] =	wrdreg $0x9  }
0xb8: {  	_ =	task.clear_ibuf [dreg:s8], $0x6FFFF;
	_ =	strace $0x90000046  }
0xb9: {  	s29 =	simm.s32 $0x9;
	_ =	strace $0x80000048  }
0xba: {  	_ =	swait.ge [sflag:s29], $0x1  }
0xbb: {  	[sflag:s29] =	ssyncadd.s32 $0xFFFFFFFF  }
0xbc: {  	_ =	strace $0x90000048  }
0xbd: {  	_ =	sfence  }
0xbe: {  	s30 =	sld [smem:$0x0];
	_ =	sdelay $0x2  }
0xbf: {  	s31 =	sshll.u32 s1, $0xD;
	s1 =	sshrl.u32 s1, $0x2  }
0xc0: {  	s3 =	sand.u32 $0x4000, s31;
	s1 =	sadd.s32 s1, s30  }
0xc1: {  	s0 =	sor.u32 s3, s0;
	s1 =	sshll.u32 s1, $0x11  }
0xc2: {  	s0 =	sor.u32 s1, s0  }
0xc3: {  	s0 =	sadd.s32 $0x8F2B, s0  }
0xc4: {  	[sflag:s0] =	ssyncadd.remote.s32 $0x1  }
0xc5: {  	_ =	sfence.sel $0xFFFF  }
0xc6: {  	[dreg:$0x0] =	wrdreg $0xFFFFFFFF;
	(pc) =	sbr.abs _section_cstart, $3  }
0xc7: {  	[dreg:$0x1] =	wrdreg $0xFFFFFFFF  }
0xc8: {  	_ =	task.clear_ibuf [dreg:s8], $0x2FFFF;
	_ =	strace $0x9FFFFFFF  }
0xc9: {  	(tm) =	ssettm $0x7FFFFFFF  }
tec
execute0_lowered:
.L_overlay_start_1:
0x0: {  	(tag) =	ssettag $0x1  }
0x1: {  	s6 =	rddreg [dreg:$0x0]  }
0x2: {  	s8 =	rddreg [dreg:$0x1]  }
0x3: {  	s3 =	rddreg [dreg:$0x2]  }
0x4: {  	s0 =	rddreg [dreg:$0x3];
	s2 =	simm.s32 $0x0  }
0x5: {  	s1 =	stileid.u32;
	s28 =	srdreg.scid;
	s15 =	simm.s32 $0x1000  }
0x6: {  	s16 =	simm.s32 $0x2000;
	s17 =	simm.s32 $0x2080;
	s18 =	simm.s32 $0x2180  }
0x7: {  	s19 =	simm.s32 $0x2200;
	s20 =	simm.s32 $0x80;
	s21 =	simm.s32 $0x400  }
0x8: {  	s22 =	simm.s32 $0x2400;
	s23 =	simm.s32 $0x2300;
	s24 =	simm.s32 $0x0  }
0x9: {  	[smem:$0x7FF] =	sst s2;
	s4 =	sshrl.u32 s1, $0x3;
	s7 =	sshll.u32 s1, $0x1  }
0xa: {  	_ =	strace $0x80000047;
	s5 =	sshll.u32 s4, $0x4;
	s9 =	sshll.u32 s4, $0x13  }
0xb: {  	s7 =	sand.u32 $0xE, s7;
	s4 =	sshll.u32 s4, $0xA;
	s10 =	sadd.s32 s5, s3  }
0xc: {  	s5 =	sand.u32 $0x1, s28;
	s9 =	sadd.s32 s9, s3;
	s31 =	sor.u32 $0x20, s4  }
0xd: {  	s29 =	ssub.s32 $0x2, s5;
	s11 =	sor.u32 s5, s7;
	s3 =	sadd.s32 s6, s31  }
0xe: {  	s30 =	sshrl.u32 s29, $0x1;
	s7 =	sshll.u32 s11, $0x6;
	s14 =	sshll.u32 s11, $0xF  }
0xf: {  	s11 =	sshll.u32 s11, $0x5;
	s12 =	ssub.s32 s29, s30;
	s7 =	sor.u32 s4, s7  }
.Ltmp0:
0x10: {  	s4 =	sadd.s32 s8, s31;
	s9 =	sadd.s32 s14, s9;
	(pc) =	sbr.rel .LBB2_1-.Ltmp0, $4  }
0x11: {  	s10 =	sadd.s32 s11, s10;
	s14 =	simm.s32 $0x1;
	s13 =	sor.u32 $0x10, s7  }
0x12: {  	s5 =	sadd.s32 s6, s7;
	s7 =	sadd.s32 s8, s7;
	s9 =	sadd.s32 $0x1A00, s9  }
0x13: {  	s10 =	sadd.s32 $0x1800, s10;
	s11 =	smax.u32 s12, $0x1;
	s12 =	simm.s32 $0x100  }
0x14: {  	v0 =	vimm.s32 $0x0;
	s6 =	sadd.s32 s6, s13;
	s8 =	sadd.s32 s8, s13;
	s13 =	simm.s32 $0x200  }
.LBB2_9:
0x15: {  	s24 =	sadd.s32 $0x1, s24  }
0x16: {  	p0 =	sne.s32 s24, s11  }
.Ltmp1:
0x17: {  	_ = 	snop;
	(pc) =	sbr.rel @!p0 .LBB2_10-.Ltmp1, $4  }
0x18: {  	[hbm4b:s10+s2] =	stream.linear.scatter [tilespmem:s23], [sflag:$0x1], $0x80, $0x38;
	[tilespmem:$0x2C00] =	vst v63  }
0x19: {  	_ =	swait.ge [sflag:s14], $0x80  }
0x1a: {  	[sflag:s14] =	ssyncset.done $0x0  }
0x1b: {  	[sflag:s14] =	ssyncadd.s32 $0xFFFFFF80  }
.LBB2_1:
0x1c: {  	[tilespmem:s2], [sflag:$0x1] =	stream.strided.gather [hbm4b:s3+s12], $0x1000, s13, s12, $0x38;
	[tilespmem:$0x2C00] =	vst v63  }
0x1d: {  	_ =	swait.ge [sflag:s14], $0x1000  }
0x1e: {  	[sflag:s14] =	ssyncset.done $0x0  }
0x1f: {  	[sflag:s14] =	ssyncadd.s32 $0xFFFFF000  }
0x20: {  	[tilespmem:s15], [sflag:$0x1] =	stream.strided.gather [hbm4b:s4+s12], $0x1000, s13, s12, $0x38;
	[tilespmem:$0x2C00] =	vst v63  }
0x21: {  	_ =	swait.ge [sflag:s14], $0x1000  }
0x22: {  	[sflag:s14] =	ssyncset.done $0x0  }
0x23: {  	[sflag:s14] =	ssyncadd.s32 $0xFFFFF000  }
0x24: {  	[tilespmem:s16], [sflag:$0x1] =	stream.linear.gather [hbm4b:s5+s2], $0x80, $0x38;
	[tilespmem:$0x2C00] =	vst v63  }
0x25: {  	_ =	swait.ge [sflag:s14], $0x80  }
0x26: {  	[sflag:s14] =	ssyncset.done $0x0  }
0x27: {  	[sflag:s14] =	ssyncadd.s32 $0xFFFFFF80  }
0x28: {  	[tilespmem:s17], [sflag:$0x1] =	stream.linear.gather [hbm4b:s6+s2], $0x80, $0x38;
	[tilespmem:$0x2C00] =	vst v63  }
0x29: {  	_ =	swait.ge [sflag:s14], $0x80  }
0x2a: {  	[sflag:s14] =	ssyncset.done $0x0  }
0x2b: {  	[sflag:s14] =	ssyncadd.s32 $0xFFFFFF80  }
0x2c: {  	[tilespmem:s18], [sflag:$0x1] =	stream.linear.gather [hbm4b:s7+s2], $0x80, $0x38;
	[tilespmem:$0x2C00] =	vst v63  }
0x2d: {  	_ =	swait.ge [sflag:s14], $0x80  }
0x2e: {  	[sflag:s14] =	ssyncset.done $0x0  }
.Ltmp2:
0x2f: {  	[sflag:s14] =	ssyncadd.s32 $0xFFFFFF80;
	(pc) =	sbr.rel .LBB2_2-.Ltmp2, $4  }
0x30: {  	[tilespmem:s19], [sflag:$0x1] =	stream.linear.gather [hbm4b:s8+s2], $0x80, $0x38;
	[tilespmem:$0x2C00] =	vst v63  }
0x31: {  	_ =	swait.ge [sflag:s14], $0x80  }
0x32: {  	[sflag:s14] =	ssyncset.done $0x0  }
0x33: {  	s25 =	simm.s32 $0x0;
	[sflag:s14] =	ssyncadd.s32 $0xFFFFFF80  }
.LBB2_8:
0x34: {  	s25 =	sadd.s32 $0x1, s25  }
0x35: {  	p0 =	sne.s32 s25, $0x80  }
.Ltmp3:
0x36: {  	_ = 	snop;
	(pc) =	sbr.rel @!p0 .LBB2_9-.Ltmp3, $1  }
0x37: {  	_ =	sdelay $0x3  }
.LBB2_2:
0x38: {  	v1 =	vld.msk [tilespmem:s25+$0x2000 ss:$0x0], $0xffff  }
0x39: {  	v2 =	vld.msk [tilespmem:s25+$0x2080 ss:$0x0], $0xffff;
	s28 =	simm.s32 $0x0  }
0x3a: {  	v4 =	vld [tilespmem:s28+$0x170]  }
0x3b: {  	v5 =	vld [tilespmem:s28+$0x160]  }
0x3c: {  	v6 =	vld [tilespmem:s28+$0x150]  }
0x3d: {  	v7 =	vld [tilespmem:s28+$0x140]  }
0x3e: {  	v8 =	vld [tilespmem:s28+$0x130]  }
0x3f: {  	v9 =	vld [tilespmem:s28+$0x120]  }
0x40: {  	v10 =	vld [tilespmem:s28+$0x110]  }
0x41: {  	v11 =	vld [tilespmem:s28+$0x100]  }
0x42: {  	v12 =	vld [tilespmem:s28+$0x70]  }
0x43: {  	v13 =	vld [tilespmem:s28+$0x60]  }
0x44: {  	v14 =	vld [tilespmem:s28+$0x50]  }
0x45: {  	v15 =	vld [tilespmem:s28+$0x40]  }
0x46: {  	v16 =	vld [tilespmem:s28+$0x30]  }
0x47: {  	v17 =	vld [tilespmem:s28+$0x20]  }
0x48: {  	v19 =	vld [tilespmem:s28+$0x0]  }
0x49: {  	v18 =	vld [tilespmem:s28+$0x80]  }
0x4a: {  	s26 =	sor.u32 $0x80, s25;
	v3 =	vimm.s32 $0x0;
	s29 =	simm.s32 $0x800;
	v20 =	vld [tilespmem:s28+$0x10]  }
.LBB2_3:
0x4b: {  	v21 =	vld [tilespmem:s28+$0x90]  }
0x4c: {  	vm2 =	veq.s32 v6, v1;
	v6 =	vld [tilespmem:s28+$0xC0]  }
0x4d: {  	vm0 =	veq.s32 v5, v1;
	vm3 =	veq.s32 v7, v1;
	v7 =	vld [tilespmem:s28+$0xD0]  }
0x4e: {  	vm14 =	veq.s32 v4, v1;
	v4 =	vimm.s32 $0x0;
	vm4 =	veq.s32 v8, v1;
	v8 =	vld [tilespmem:s28+$0xE0]  }
0x4f: {  	v5 =	vimm.s32 $0x0;
	vm5 =	veq.s32 v9, v1;
	v9 =	vld [tilespmem:s28+$0x1C0];
	v4 =	vsel vm14, $0xFFFFFFFF, v4  }
0x50: {  	v5 =	vsel vm0, $0xFFFFFFFF, v5;
	[tilespmem:$0x1FFF0] =	vst v4;
	v4 =	vld [tilespmem:s28+$0xA0]  }
0x51: {  	[tilespmem:$0x1FFE0] =	vst v5;
	v5 =	vld [tilespmem:s28+$0xB0]  }
0x52: {  	vm6 =	veq.s32 v10, v1;
	v10 =	vld [tilespmem:s28+$0x1D0]  }
0x53: {  	vm8 =	veq.s32 v12, v1;
	vm7 =	veq.s32 v11, v1;
	vm12 =	veq.s32 v19, v1;
	v11 =	vld [tilespmem:s28+$0x1E0]  }
0x54: {  	vm15 =	veq.s32 v18, v2;
	vm1 =	veq.s32 v20, v1;
	v12 =	vld [tilespmem:s28+$0x1F0];
	vm0 =	veq.s32 v21, v2  }
0x55: {  	vm12 =	vmor vm12, vm15;
	vm0 =	vmor vm1, vm0;
	vm15 =	veq.s32 v4, v2;
	v4 =	vld [tilespmem:s28+$0xF0]  }
0x56: {  	vm13 =	veq.s32 v17, v1;
	vm0 =	vmor vm12, vm0;
	vm12 =	veq.s32 v5, v2;
	v5 =	vld [tilespmem:s28+$0x180]  }
0x57: {  	vm1 =	vmor vm13, vm15;
	vm13 =	veq.s32 v7, v2;
	v7 =	vld [tilespmem:s28+$0x1A0]  }
0x58: {  	vm14 =	veq.s32 v16, v1;
	vm15 =	veq.s32 v8, v2;
	v8 =	vld [tilespmem:s28+$0x1B0]  }
0x59: {  	vm0 =	vmor vm0, vm1;
	vm1 =	vmor vm14, vm12;
	vm12 =	veq.s32 v6, v2;
	v6 =	vld [tilespmem:s28+$0x190];
	s28 =	sshra.s32 s29, $0x2  }
0x5a: {  	vm10 =	veq.s32 v14, v1;
	v14 =	vld [tilespmem:s28+$0x50]  }
0x5b: {  	vm11 =	veq.s32 v15, v1;
	v15 =	vld [tilespmem:s28+$0x40]  }
0x5c: {  	v16 =	vld [tilespmem:s28+$0x30]  }
0x5d: {  	vm0 =	vmor vm0, vm1;
	vm12 =	vmor vm11, vm12;
	v17 =	vld [tilespmem:s28+$0x20]  }
0x5e: {  	vm9 =	veq.s32 v13, v1;
	vm14 =	vmor vm10, vm13;
	v19 =	vld [tilespmem:s28+$0x0];
	vm0 =	vmor vm0, vm12  }
0x5f: {  	v18 =	vld [tilespmem:s28+$0x80];
	vm12 =	vmor vm9, vm15;
	vm0 =	vmor vm0, vm14  }
0x60: {  	v20 =	vld [tilespmem:s28+$0x10];
	vm13 =	veq.s32 v4, v2;
	vm15 =	veq.s32 v5, v2;
	vm0 =	vmor vm0, vm12  }
0x61: {  	v4 =	vld [tilespmem:s28+$0x170];
	vm14 =	vmor vm8, vm13;
	vm9 =	vmor vm7, vm15;
	vm12 =	veq.s32 v7, v2  }
0x62: {  	vm8 =	veq.s32 v9, v2;
	v9 =	vld [tilespmem:$0x1FFE0];
	vm0 =	vmor vm0, vm14;
	vm10 =	veq.s32 v6, v2  }
0x63: {  	vm0 =	vmor vm0, vm9;
	vm11 =	vmor vm6, vm10;
	vm10 =	veq.s32 v10, v2;
	v10 =	vld [tilespmem:$0x1FFF0]  }
0x64: {  	v5 =	vld [tilespmem:s28+$0x160];
	vm13 =	vmor vm5, vm12;
	vm14 =	veq.s32 v8, v2;
	vm0 =	vmor vm0, vm11  }
0x65: {  	v7 =	vld [tilespmem:s28+$0x140];
	vm12 =	veq.s32 v11, v2;
	vm15 =	vmor vm4, vm14;
	vm0 =	vmor vm0, vm13  }
0x66: {  	v6 =	vld [tilespmem:s28+$0x150];
	vm9 =	vmor vm3, vm8;
	vm14 =	veq.s32 v12, v2;
	vm0 =	vmor vm0, vm15  }
0x67: {  	p0 =	sne.s32 s29, $0x3800;
	v8 =	vld [tilespmem:s28+$0x130];
	vm11 =	vmor vm2, vm10;
	vm13 =	vnez.u8 v9;
	vm0 =	vmor vm0, vm9  }
.Ltmp4:
0x68: {  	v11 =	vld [tilespmem:s28+$0x100];
	vm1 =	vmor vm13, vm12;
	vm0 =	vmor vm0, vm11;
	vm15 =	vnez.u8 v10;
	(pc) =	sbr.rel @p0 .LBB2_3-.Ltmp4, $4  }
0x69: {  	v12 =	vld [tilespmem:s28+$0x70];
	vm0 =	vmor vm0, vm1;
	vm1 =	vmor vm15, vm14  }
0x6a: {  	v9 =	vld [tilespmem:s28+$0x120];
	vm0 =	vmor vm0, vm1  }
0x6b: {  	v10 =	vld [tilespmem:s28+$0x110];
	v13 =	vsel vm0, $0x1, v0  }
0x6c: {  	s29 =	sadd.s32 $0x800, s29;
	v3 =	vor.u32 v13, v3;
	v13 =	vld [tilespmem:s28+$0x60]  }
0x6d: {  	v21 =	vld [tilespmem:s28+$0x90]  }
0x6e: {  	v22 =	vld [tilespmem:s28+$0xA0]  }
0x6f: {  	v23 =	vld [tilespmem:s28+$0xB0]  }
0x70: {  	v51 =	vld [tilespmem:s28+$0xC0]  }
0x71: {  	v52 =	vld [tilespmem:s28+$0xD0]  }
0x72: {  	vm0 =	veq.s32 v19, v1;
	vm1 =	veq.s32 v18, v2;
	vm2 =	veq.s32 v20, v1;
	v53 =	vld [tilespmem:s28+$0xE0]  }
0x73: {  	vm8 =	veq.s32 v17, v1;
	vm10 =	veq.s32 v16, v1;
	v54 =	vld [tilespmem:s28+$0xF0];
	vm12 =	veq.s32 v15, v1  }
0x74: {  	vm14 =	veq.s32 v14, v1;
	v55 =	vld [tilespmem:s28+$0x180];
	vm0 =	vmor vm0, vm1;
	vm6 =	veq.s32 v13, v1  }
0x75: {  	v56 =	vld [tilespmem:s28+$0x190];
	vm3 =	veq.s32 v21, v2;
	vm9 =	veq.s32 v22, v2;
	vm11 =	veq.s32 v23, v2  }
0x76: {  	vm13 =	veq.s32 v51, v2;
	vm15 =	veq.s32 v52, v2;
	vm7 =	vmor vm2, vm3  }
0x77: {  	v57 =	vld [tilespmem:s28+$0x1A0];
	vm2 =	vmor vm8, vm9;
	vm1 =	vmor vm10, vm11;
	vm8 =	veq.s32 v12, v1  }
0x78: {  	v58 =	vld [tilespmem:s28+$0x1B0];
	vm9 =	veq.s32 v54, v2;
	vm10 =	veq.s32 v11, v1;
	vm0 =	vmor vm0, vm7  }
0x79: {  	vm11 =	veq.s32 v55, v2;
	vm7 =	veq.s32 v53, v2;
	vm0 =	vmor vm0, vm2  }
0x7a: {  	v59 =	vld [tilespmem:s28+$0x1C0];
	vm2 =	vmor vm12, vm13;
	vm12 =	veq.s32 v10, v1;
	vm13 =	veq.s32 v56, v2  }
0x7b: {  	vm0 =	vmor vm0, vm1;
	vm1 =	vmor vm14, vm15;
	vm14 =	veq.s32 v9, v1  }
0x7c: {  	v60 =	vld [tilespmem:s28+$0x1D0];
	vm15 =	veq.s32 v57, v2;
	vm0 =	vmor vm0, vm2;
	vm2 =	vmor vm6, vm7  }
0x7d: {  	vm6 =	veq.s32 v8, v1;
	vm7 =	veq.s32 v58, v2;
	vm0 =	vmor vm0, vm1  }
0x7e: {  	v61 =	vld [tilespmem:s28+$0x1E0];
	vm1 =	vmor vm8, vm9;
	vm8 =	veq.s32 v7, v1;
	vm0 =	vmor vm0, vm2  }
0x7f: {  	vm9 =	veq.s32 v59, v2;
	vm2 =	vmor vm10, vm11;
	vm0 =	vmor vm0, vm1  }
0x80: {  	v62 =	vld [tilespmem:s28+$0x1F0];
	vm10 =	veq.s32 v6, v1;
	vm1 =	vmor vm12, vm13;
	vm0 =	vmor vm0, vm2  }
0x81: {  	vm11 =	veq.s32 v60, v2;
	vm2 =	vmor vm14, vm15;
	vm0 =	vmor vm0, vm1  }
0x82: {  	vm12 =	veq.s32 v5, v1;
	vm1 =	vmor vm6, vm7;
	vm0 =	vmor vm0, vm2  }
0x83: {  	vm13 =	veq.s32 v61, v2;
	vm2 =	vmor vm8, vm9;
	vm0 =	vmor vm0, vm1  }
0x84: {  	vm14 =	veq.s32 v4, v1;
	vm1 =	vmor vm10, vm11;
	vm0 =	vmor vm0, vm2  }
0x85: {  	vm15 =	veq.s32 v62, v2;
	vm2 =	vmor vm12, vm13;
	vm0 =	vmor vm0, vm1  }
0x86: {  	vm1 =	vmor vm14, vm15;
	vm0 =	vmor vm0, vm2  }
0x87: {  	vm0 =	vmor vm0, vm1  }
0x88: {  	v63 =	vsel vm0, $0x1, v0  }
0x89: {  	v3 =	vor.u32 v63, v3  }
0x8a: {  	(xrf0) =	vadd.scan.msk.s32 $0xffff, v3;
	_ =	sdelay $0x5  }
0x8b: {  	v3, _, _ =	vpop (xrf0)  }
0x8c: {  	(v2sf) =	vpush v3, $0xF;
	_ =	sdelay $0xe  }
0x8d: {  	s31 =	spop (v2sf)  }
0x8e: {  	p0 =	slt.s32 s31, $0x1  }
.Ltmp5:
0x8f: {  	_ = 	snop;
	(pc) =	sbr.rel @p0 .LBB2_8-.Ltmp5, $3  }
0x90: {  	_ = 	snop  }
0x91: {  	v3 =	vbroadcast v3, $0xF;
	_ =	sdelay $0x1  }
0x92: {  	[tilespmem:s25+$0x2300] =	vst v3  }
0x93: {  	v3 =	vld.msk [tilespmem:s25+$0x2180 ss:$0x0], $0xffff  }
0x94: {  	v4 =	vld.msk [tilespmem:s26+$0x2180 ss:$0x0], $0xffff;
	s26 =	simm.s32 $0x0;
	s28 =	simm.s32 $0x2480  }
.LBB2_6:
0x95: {  	s29 =	sshra.s32 s26, $0x2  }
0x96: {  	v5 =	vld [tilespmem:s29+$0x1000];
	_ =	sdelay $0x1  }
0x97: {  	v6 =	vld [tilespmem:s29+$0x1080];
	_ =	sdelay $0x2  }
0x98: {  	v8 =	vld [tilespmem:s29+$0x0];
	v5 =	vxor.u32 v3, v5  }
0x99: {  	v7 =	vand.u32 $0x3F, v5  }
0x9a: {  	v6 =	vxor.u32 v4, v6;
	vm0 =	veq.s32 v7, $0x0;
	v7 =	vand.u32 $0xFC0, v5  }
0x9b: {  	vm1 =	veq.s32 v7, $0x0;
	v7 =	vand.u32 $0x3F000, v5;
	v5 =	vand.u32 $0xFC0000, v5  }
0x9c: {  	vm2 =	veq.s32 v7, $0x0;
	vm3 =	veq.s32 v5, $0x0;
	v5 =	vand.u32 $0x3F, v6;
	v7 =	vld [tilespmem:s29+$0x80]  }
0x9d: {  	vm14 =	veq.s32 v8, v1;
	vm10 =	veq.s32 v5, $0x0;
	v5 =	vand.u32 $0xFC0, v6  }
0x9e: {  	vm0 =	vmor vm0, vm1;
	vm11 =	veq.s32 v5, $0x0;
	v5 =	vand.u32 $0x3F000, v6  }
0x9f: {  	vm1 =	vmor vm10, vm11;
	vm12 =	veq.s32 v5, $0x0;
	v5 =	vand.u32 $0xFC0000, v6  }
0xa0: {  	vm0 =	vmor vm2, vm0;
	vm1 =	vmor vm12, vm1;
	vm13 =	veq.s32 v5, $0x0  }
0xa1: {  	vm0 =	vmor vm3, vm0;
	vm1 =	vmor vm13, vm1;
	vm15 =	veq.s32 v7, v2  }
0xa2: {  	vm0 =	vmand vm14, vm0;
	vm1 =	vmand vm15, vm1  }
0xa3: {  	vm0 =	vmor vm0, vm1  }
0xa4: {  	v5 =	vsel vm0, $0x1, v0  }
0xa5: {  	[tilespmem:s28+$0xFFFFFF80] =	vst v5  }
0xa6: {  	v5 =	vld [tilespmem:s29+$0x1010];
	_ =	sdelay $0x1  }
0xa7: {  	v6 =	vld [tilespmem:s29+$0x1090];
	_ =	sdelay $0x2  }
0xa8: {  	v49 =	vld [tilespmem:s29+$0x10];
	v5 =	vxor.u32 v3, v5  }
0xa9: {  	v7 =	vand.u32 $0x3F, v5  }
0xaa: {  	v6 =	vxor.u32 v4, v6;
	vm6 =	veq.s32 v7, $0x0;
	v7 =	vand.u32 $0xFC0, v5  }
0xab: {  	vm7 =	veq.s32 v7, $0x0;
	v7 =	vand.u32 $0x3F000, v5;
	v5 =	vand.u32 $0xFC0000, v5  }
0xac: {  	vm8 =	veq.s32 v7, $0x0;
	vm9 =	veq.s32 v5, $0x0;
	v5 =	vand.u32 $0x3F, v6;
	v7 =	vld [tilespmem:s29+$0x90]  }
0xad: {  	vm14 =	veq.s32 v49, v1;
	vm10 =	veq.s32 v5, $0x0;
	v5 =	vand.u32 $0xFC0, v6  }
0xae: {  	vm0 =	vmor vm6, vm7;
	vm11 =	veq.s32 v5, $0x0;
	v5 =	vand.u32 $0x3F000, v6  }
0xaf: {  	vm1 =	vmor vm10, vm11;
	vm12 =	veq.s32 v5, $0x0;
	v5 =	vand.u32 $0xFC0000, v6  }
0xb0: {  	vm0 =	vmor vm8, vm0;
	vm1 =	vmor vm12, vm1;
	vm13 =	veq.s32 v5, $0x0  }
0xb1: {  	vm0 =	vmor vm9, vm0;
	vm1 =	vmor vm13, vm1;
	vm15 =	veq.s32 v7, v2  }
0xb2: {  	vm0 =	vmand vm14, vm0;
	vm1 =	vmand vm15, vm1  }
0xb3: {  	vm0 =	vmor vm0, vm1  }
0xb4: {  	v5 =	vsel vm0, $0x1, v0  }
0xb5: {  	[tilespmem:s28+$0xFFFFFF90] =	vst v5  }
0xb6: {  	v5 =	vld [tilespmem:s29+$0x1020];
	_ =	sdelay $0x1  }
0xb7: {  	v6 =	vld [tilespmem:s29+$0x10A0];
	_ =	sdelay $0x2  }
0xb8: {  	v50 =	vld [tilespmem:s29+$0x20];
	v5 =	vxor.u32 v3, v5  }
0xb9: {  	v7 =	vand.u32 $0x3F, v5  }
0xba: {  	v6 =	vxor.u32 v4, v6;
	vm6 =	veq.s32 v7, $0x0;
	v7 =	vand.u32 $0xFC0, v5  }
0xbb: {  	vm7 =	veq.s32 v7, $0x0;
	v7 =	vand.u32 $0x3F000, v5;
	v5 =	vand.u32 $0xFC0000, v5  }
0xbc: {  	vm8 =	veq.s32 v7, $0x0;
	vm9 =	veq.s32 v5, $0x0;
	v5 =	vand.u32 $0x3F, v6;
	v7 =	vld [tilespmem:s29+$0xA0]  }
0xbd: {  	vm14 =	veq.s32 v50, v1;
	vm10 =	veq.s32 v5, $0x0;
	v5 =	vand.u32 $0xFC0, v6  }
0xbe: {  	vm0 =	vmor vm6, vm7;
	vm11 =	veq.s32 v5, $0x0;
	v5 =	vand.u32 $0x3F000, v6  }
0xbf: {  	vm1 =	vmor vm10, vm11;
	vm12 =	veq.s32 v5, $0x0;
	v5 =	vand.u32 $0xFC0000, v6  }
0xc0: {  	vm0 =	vmor vm8, vm0;
	vm1 =	vmor vm12, vm1;
	vm13 =	veq.s32 v5, $0x0  }
0xc1: {  	vm0 =	vmor vm9, vm0;
	vm1 =	vmor vm13, vm1;
	vm15 =	veq.s32 v7, v2  }
0xc2: {  	vm0 =	vmand vm14, vm0;
	vm1 =	vmand vm15, vm1  }
0xc3: {  	vm0 =	vmor vm0, vm1  }
0xc4: {  	v5 =	vsel vm0, $0x1, v0  }
0xc5: {  	[tilespmem:s28+$0xFFFFFFA0] =	vst v5  }
0xc6: {  	v5 =	vld [tilespmem:s29+$0x1030];
	_ =	sdelay $0x1  }
0xc7: {  	v6 =	vld [tilespmem:s29+$0x10B0];
	_ =	sdelay $0x2  }
0xc8: {  	v51 =	vld [tilespmem:s29+$0x30];
	v5 =	vxor.u32 v3, v5  }
0xc9: {  	v7 =	vand.u32 $0x3F, v5  }
0xca: {  	v6 =	vxor.u32 v4, v6;
	vm6 =	veq.s32 v7, $0x0;
	v7 =	vand.u32 $0xFC0, v5  }
0xcb: {  	vm7 =	veq.s32 v7, $0x0;
	v7 =	vand.u32 $0x3F000, v5;
	v5 =	vand.u32 $0xFC0000, v5  }
0xcc: {  	vm8 =	veq.s32 v7, $0x0;
	vm9 =	veq.s32 v5, $0x0;
	v5 =	vand.u32 $0x3F, v6;
	v7 =	vld [tilespmem:s29+$0xB0]  }
0xcd: {  	vm14 =	veq.s32 v51, v1;
	vm10 =	veq.s32 v5, $0x0;
	v5 =	vand.u32 $0xFC0, v6  }
0xce: {  	vm0 =	vmor vm6, vm7;
	vm11 =	veq.s32 v5, $0x0;
	v5 =	vand.u32 $0x3F000, v6  }
0xcf: {  	vm1 =	vmor vm10, vm11;
	vm12 =	veq.s32 v5, $0x0;
	v5 =	vand.u32 $0xFC0000, v6  }
0xd0: {  	vm0 =	vmor vm8, vm0;
	vm1 =	vmor vm12, vm1;
	vm13 =	veq.s32 v5, $0x0  }
0xd1: {  	vm0 =	vmor vm9, vm0;
	vm1 =	vmor vm13, vm1;
	vm15 =	veq.s32 v7, v2  }
0xd2: {  	vm0 =	vmand vm14, vm0;
	vm1 =	vmand vm15, vm1  }
0xd3: {  	vm0 =	vmor vm0, vm1  }
0xd4: {  	v5 =	vsel vm0, $0x1, v0  }
0xd5: {  	[tilespmem:s28+$0xFFFFFFB0] =	vst v5  }
0xd6: {  	v5 =	vld [tilespmem:s29+$0x1040];
	_ =	sdelay $0x1  }
0xd7: {  	v6 =	vld [tilespmem:s29+$0x10C0];
	_ =	sdelay $0x2  }
0xd8: {  	v52 =	vld [tilespmem:s29+$0x40];
	v5 =	vxor.u32 v3, v5  }
0xd9: {  	v7 =	vand.u32 $0x3F, v5  }
0xda: {  	v6 =	vxor.u32 v4, v6;
	vm6 =	veq.s32 v7, $0x0;
	v7 =	vand.u32 $0xFC0, v5  }
0xdb: {  	vm7 =	veq.s32 v7, $0x0;
	v7 =	vand.u32 $0x3F000, v5;
	v5 =	vand.u32 $0xFC0000, v5  }
0xdc: {  	vm8 =	veq.s32 v7, $0x0;
	vm9 =	veq.s32 v5, $0x0;
	v5 =	vand.u32 $0x3F, v6;
	v7 =	vld [tilespmem:s29+$0xC0]  }
0xdd: {  	vm14 =	veq.s32 v52, v1;
	vm10 =	veq.s32 v5, $0x0;
	v5 =	vand.u32 $0xFC0, v6  }
0xde: {  	vm0 =	vmor vm6, vm7;
	vm11 =	veq.s32 v5, $0x0;
	v5 =	vand.u32 $0x3F000, v6  }
0xdf: {  	vm1 =	vmor vm10, vm11;
	vm12 =	veq.s32 v5, $0x0;
	v5 =	vand.u32 $0xFC0000, v6  }
0xe0: {  	vm0 =	vmor vm8, vm0;
	vm1 =	vmor vm12, vm1;
	vm13 =	veq.s32 v5, $0x0  }
0xe1: {  	vm0 =	vmor vm9, vm0;
	vm1 =	vmor vm13, vm1;
	vm15 =	veq.s32 v7, v2  }
0xe2: {  	vm0 =	vmand vm14, vm0;
	vm1 =	vmand vm15, vm1  }
0xe3: {  	vm0 =	vmor vm0, vm1  }
0xe4: {  	v5 =	vsel vm0, $0x1, v0  }
0xe5: {  	[tilespmem:s28+$0xFFFFFFC0] =	vst v5  }
0xe6: {  	v5 =	vld [tilespmem:s29+$0x1050];
	_ =	sdelay $0x1  }
0xe7: {  	v6 =	vld [tilespmem:s29+$0x10D0];
	_ =	sdelay $0x2  }
0xe8: {  	v53 =	vld [tilespmem:s29+$0x50];
	v5 =	vxor.u32 v3, v5  }
0xe9: {  	v7 =	vand.u32 $0x3F, v5  }
0xea: {  	v6 =	vxor.u32 v4, v6;
	vm6 =	veq.s32 v7, $0x0;
	v7 =	vand.u32 $0xFC0, v5  }
0xeb: {  	vm7 =	veq.s32 v7, $0x0;
	v7 =	vand.u32 $0x3F000, v5;
	v5 =	vand.u32 $0xFC0000, v5  }
0xec: {  	vm8 =	veq.s32 v7, $0x0;
	vm9 =	veq.s32 v5, $0x0;
	v5 =	vand.u32 $0x3F, v6;
	v7 =	vld [tilespmem:s29+$0xD0]  }
0xed: {  	vm14 =	veq.s32 v53, v1;
	vm10 =	veq.s32 v5, $0x0;
	v5 =	vand.u32 $0xFC0, v6  }
0xee: {  	vm0 =	vmor vm6, vm7;
	vm11 =	veq.s32 v5, $0x0;
	v5 =	vand.u32 $0x3F000, v6  }
0xef: {  	vm1 =	vmor vm10, vm11;
	vm12 =	veq.s32 v5, $0x0;
	v5 =	vand.u32 $0xFC0000, v6  }
0xf0: {  	vm0 =	vmor vm8, vm0;
	vm1 =	vmor vm12, vm1;
	vm13 =	veq.s32 v5, $0x0  }
0xf1: {  	vm0 =	vmor vm9, vm0;
	vm1 =	vmor vm13, vm1;
	vm15 =	veq.s32 v7, v2  }
0xf2: {  	vm0 =	vmand vm14, vm0;
	vm1 =	vmand vm15, vm1  }
0xf3: {  	vm0 =	vmor vm0, vm1  }
0xf4: {  	v5 =	vsel vm0, $0x1, v0  }
0xf5: {  	[tilespmem:s28+$0xFFFFFFD0] =	vst v5  }
0xf6: {  	v5 =	vld [tilespmem:s29+$0x1060];
	_ =	sdelay $0x1  }
0xf7: {  	v6 =	vld [tilespmem:s29+$0x10E0];
	_ =	sdelay $0x2  }
0xf8: {  	v54 =	vld [tilespmem:s29+$0x60];
	v5 =	vxor.u32 v3, v5  }
0xf9: {  	v7 =	vand.u32 $0x3F, v5  }
0xfa: {  	v6 =	vxor.u32 v4, v6;
	vm6 =	veq.s32 v7, $0x0;
	v7 =	vand.u32 $0xFC0, v5  }
0xfb: {  	vm7 =	veq.s32 v7, $0x0;
	v7 =	vand.u32 $0x3F000, v5;
	v5 =	vand.u32 $0xFC0000, v5  }
0xfc: {  	vm8 =	veq.s32 v7, $0x0;
	vm9 =	veq.s32 v5, $0x0;
	v5 =	vand.u32 $0x3F, v6;
	v7 =	vld [tilespmem:s29+$0xE0]  }
0xfd: {  	vm14 =	veq.s32 v54, v1;
	vm10 =	veq.s32 v5, $0x0;
	v5 =	vand.u32 $0xFC0, v6  }
0xfe: {  	vm0 =	vmor vm6, vm7;
	vm11 =	veq.s32 v5, $0x0;
	v5 =	vand.u32 $0x3F000, v6  }
0xff: {  	vm1 =	vmor vm10, vm11;
	vm12 =	veq.s32 v5, $0x0;
	v5 =	vand.u32 $0xFC0000, v6  }
0x100: {  	vm0 =	vmor vm8, vm0;
	vm1 =	vmor vm12, vm1;
	vm13 =	veq.s32 v5, $0x0  }
0x101: {  	vm0 =	vmor vm9, vm0;
	vm1 =	vmor vm13, vm1;
	vm15 =	veq.s32 v7, v2  }
0x102: {  	vm0 =	vmand vm14, vm0;
	vm1 =	vmand vm15, vm1  }
0x103: {  	vm0 =	vmor vm0, vm1  }
0x104: {  	v5 =	vsel vm0, $0x1, v0  }
0x105: {  	[tilespmem:s28+$0xFFFFFFE0] =	vst v5  }
0x106: {  	v5 =	vld [tilespmem:s29+$0x1070];
	_ =	sdelay $0x1  }
0x107: {  	v6 =	vld [tilespmem:s29+$0x10F0];
	_ =	sdelay $0x2  }
0x108: {  	v55 =	vld [tilespmem:s29+$0x70];
	v5 =	vxor.u32 v3, v5  }
0x109: {  	v7 =	vand.u32 $0x3F, v5  }
0x10a: {  	v6 =	vxor.u32 v4, v6;
	vm6 =	veq.s32 v7, $0x0;
	v7 =	vand.u32 $0xFC0, v5  }
0x10b: {  	vm7 =	veq.s32 v7, $0x0;
	v7 =	vand.u32 $0x3F000, v5;
	v5 =	vand.u32 $0xFC0000, v5  }
0x10c: {  	vm8 =	veq.s32 v7, $0x0;
	vm9 =	veq.s32 v5, $0x0;
	v5 =	vand.u32 $0x3F, v6;
	v7 =	vld [tilespmem:s29+$0xF0]  }
0x10d: {  	vm14 =	veq.s32 v55, v1;
	vm10 =	veq.s32 v5, $0x0;
	v5 =	vand.u32 $0xFC0, v6  }
0x10e: {  	vm0 =	vmor vm6, vm7;
	vm11 =	veq.s32 v5, $0x0;
	v5 =	vand.u32 $0x3F000, v6  }
0x10f: {  	vm1 =	vmor vm10, vm11;
	vm12 =	veq.s32 v5, $0x0;
	v5 =	vand.u32 $0xFC0000, v6  }
0x110: {  	vm0 =	vmor vm8, vm0;
	vm1 =	vmor vm12, vm1;
	vm13 =	veq.s32 v5, $0x0  }
0x111: {  	vm0 =	vmor vm9, vm0;
	vm1 =	vmor vm13, vm1;
	vm15 =	veq.s32 v7, v2  }
0x112: {  	vm0 =	vmand vm14, vm0;
	vm1 =	vmand vm15, vm1  }
0x113: {  	vm0 =	vmor vm0, vm1  }
0x114: {  	v5 =	vsel vm0, $0x1, v0  }
0x115: {  	[tilespmem:s28+$0xFFFFFFF0] =	vst v5  }
0x116: {  	v5 =	vld [tilespmem:s29+$0x1100];
	_ =	sdelay $0x1  }
0x117: {  	v6 =	vld [tilespmem:s29+$0x1180];
	_ =	sdelay $0x2  }
0x118: {  	v56 =	vld [tilespmem:s29+$0x100];
	v5 =	vxor.u32 v3, v5  }
0x119: {  	v7 =	vand.u32 $0x3F, v5  }
0x11a: {  	v6 =	vxor.u32 v4, v6;
	vm6 =	veq.s32 v7, $0x0;
	v7 =	vand.u32 $0xFC0, v5  }
0x11b: {  	vm7 =	veq.s32 v7, $0x0;
	v7 =	vand.u32 $0x3F000, v5;
	v5 =	vand.u32 $0xFC0000, v5  }
0x11c: {  	vm8 =	veq.s32 v7, $0x0;
	vm9 =	veq.s32 v5, $0x0;
	v5 =	vand.u32 $0x3F, v6;
	v7 =	vld [tilespmem:s29+$0x180]  }
0x11d: {  	vm14 =	veq.s32 v56, v1;
	vm10 =	veq.s32 v5, $0x0;
	v5 =	vand.u32 $0xFC0, v6  }
0x11e: {  	vm0 =	vmor vm6, vm7;
	vm11 =	veq.s32 v5, $0x0;
	v5 =	vand.u32 $0x3F000, v6  }
0x11f: {  	vm1 =	vmor vm10, vm11;
	vm12 =	veq.s32 v5, $0x0;
	v5 =	vand.u32 $0xFC0000, v6  }
0x120: {  	vm0 =	vmor vm8, vm0;
	vm1 =	vmor vm12, vm1;
	vm13 =	veq.s32 v5, $0x0  }
0x121: {  	vm0 =	vmor vm9, vm0;
	vm1 =	vmor vm13, vm1;
	vm15 =	veq.s32 v7, v2  }
0x122: {  	vm0 =	vmand vm14, vm0;
	vm1 =	vmand vm15, vm1  }
0x123: {  	vm0 =	vmor vm0, vm1  }
0x124: {  	v5 =	vsel vm0, $0x1, v0  }
0x125: {  	[tilespmem:s28+$0x0] =	vst v5  }
0x126: {  	v5 =	vld [tilespmem:s29+$0x1110];
	_ =	sdelay $0x1  }
0x127: {  	v6 =	vld [tilespmem:s29+$0x1190];
	_ =	sdelay $0x2  }
0x128: {  	v57 =	vld [tilespmem:s29+$0x110];
	v5 =	vxor.u32 v3, v5  }
0x129: {  	v7 =	vand.u32 $0x3F, v5  }
0x12a: {  	v6 =	vxor.u32 v4, v6;
	vm6 =	veq.s32 v7, $0x0;
	v7 =	vand.u32 $0xFC0, v5  }
0x12b: {  	vm7 =	veq.s32 v7, $0x0;
	v7 =	vand.u32 $0x3F000, v5;
	v5 =	vand.u32 $0xFC0000, v5  }
0x12c: {  	vm8 =	veq.s32 v7, $0x0;
	vm9 =	veq.s32 v5, $0x0;
	v5 =	vand.u32 $0x3F, v6;
	v7 =	vld [tilespmem:s29+$0x190]  }
0x12d: {  	vm14 =	veq.s32 v57, v1;
	vm10 =	veq.s32 v5, $0x0;
	v5 =	vand.u32 $0xFC0, v6  }
0x12e: {  	vm0 =	vmor vm6, vm7;
	vm11 =	veq.s32 v5, $0x0;
	v5 =	vand.u32 $0x3F000, v6  }
0x12f: {  	vm1 =	vmor vm10, vm11;
	vm12 =	veq.s32 v5, $0x0;
	v5 =	vand.u32 $0xFC0000, v6  }
0x130: {  	vm0 =	vmor vm8, vm0;
	vm1 =	vmor vm12, vm1;
	vm13 =	veq.s32 v5, $0x0  }
0x131: {  	vm0 =	vmor vm9, vm0;
	vm1 =	vmor vm13, vm1;
	vm15 =	veq.s32 v7, v2  }
0x132: {  	vm0 =	vmand vm14, vm0;
	vm1 =	vmand vm15, vm1  }
0x133: {  	vm0 =	vmor vm0, vm1  }
0x134: {  	v5 =	vsel vm0, $0x1, v0  }
0x135: {  	[tilespmem:s28+$0x10] =	vst v5  }
0x136: {  	v5 =	vld [tilespmem:s29+$0x1120];
	_ =	sdelay $0x1  }
0x137: {  	v6 =	vld [tilespmem:s29+$0x11A0];
	_ =	sdelay $0x2  }
0x138: {  	v58 =	vld [tilespmem:s29+$0x120];
	v5 =	vxor.u32 v3, v5  }
0x139: {  	v7 =	vand.u32 $0x3F, v5  }
0x13a: {  	v6 =	vxor.u32 v4, v6;
	vm6 =	veq.s32 v7, $0x0;
	v7 =	vand.u32 $0xFC0, v5  }
0x13b: {  	vm7 =	veq.s32 v7, $0x0;
	v7 =	vand.u32 $0x3F000, v5;
	v5 =	vand.u32 $0xFC0000, v5  }
0x13c: {  	vm8 =	veq.s32 v7, $0x0;
	vm9 =	veq.s32 v5, $0x0;
	v5 =	vand.u32 $0x3F, v6;
	v7 =	vld [tilespmem:s29+$0x1A0]  }
0x13d: {  	vm14 =	veq.s32 v58, v1;
	vm10 =	veq.s32 v5, $0x0;
	v5 =	vand.u32 $0xFC0, v6  }
0x13e: {  	vm0 =	vmor vm6, vm7;
	vm11 =	veq.s32 v5, $0x0;
	v5 =	vand.u32 $0x3F000, v6  }
0x13f: {  	vm1 =	vmor vm10, vm11;
	vm12 =	veq.s32 v5, $0x0;
	v5 =	vand.u32 $0xFC0000, v6  }
0x140: {  	vm0 =	vmor vm8, vm0;
	vm1 =	vmor vm12, vm1;
	vm13 =	veq.s32 v5, $0x0  }
0x141: {  	vm0 =	vmor vm9, vm0;
	vm1 =	vmor vm13, vm1;
	vm15 =	veq.s32 v7, v2  }
0x142: {  	vm0 =	vmand vm14, vm0;
	vm1 =	vmand vm15, vm1  }
0x143: {  	vm0 =	vmor vm0, vm1  }
0x144: {  	v5 =	vsel vm0, $0x1, v0  }
0x145: {  	[tilespmem:s28+$0x20] =	vst v5  }
0x146: {  	v5 =	vld [tilespmem:s29+$0x1130];
	_ =	sdelay $0x1  }
0x147: {  	v6 =	vld [tilespmem:s29+$0x11B0];
	_ =	sdelay $0x2  }
0x148: {  	v59 =	vld [tilespmem:s29+$0x130];
	v5 =	vxor.u32 v3, v5  }
0x149: {  	v7 =	vand.u32 $0x3F, v5  }
0x14a: {  	v6 =	vxor.u32 v4, v6;
	vm6 =	veq.s32 v7, $0x0;
	v7 =	vand.u32 $0xFC0, v5  }
0x14b: {  	vm7 =	veq.s32 v7, $0x0;
	v7 =	vand.u32 $0x3F000, v5;
	v5 =	vand.u32 $0xFC0000, v5  }
0x14c: {  	vm8 =	veq.s32 v7, $0x0;
	vm9 =	veq.s32 v5, $0x0;
	v5 =	vand.u32 $0x3F, v6;
	v7 =	vld [tilespmem:s29+$0x1B0]  }
0x14d: {  	vm14 =	veq.s32 v59, v1;
	vm10 =	veq.s32 v5, $0x0;
	v5 =	vand.u32 $0xFC0, v6  }
0x14e: {  	vm0 =	vmor vm6, vm7;
	vm11 =	veq.s32 v5, $0x0;
	v5 =	vand.u32 $0x3F000, v6  }
0x14f: {  	vm1 =	vmor vm10, vm11;
	vm12 =	veq.s32 v5, $0x0;
	v5 =	vand.u32 $0xFC0000, v6  }
0x150: {  	vm0 =	vmor vm8, vm0;
	vm1 =	vmor vm12, vm1;
	vm13 =	veq.s32 v5, $0x0  }
0x151: {  	vm0 =	vmor vm9, vm0;
	vm1 =	vmor vm13, vm1;
	vm15 =	veq.s32 v7, v2  }
0x152: {  	vm0 =	vmand vm14, vm0;
	vm1 =	vmand vm15, vm1  }
0x153: {  	vm0 =	vmor vm0, vm1  }
0x154: {  	v5 =	vsel vm0, $0x1, v0  }
0x155: {  	[tilespmem:s28+$0x30] =	vst v5  }
0x156: {  	v5 =	vld [tilespmem:s29+$0x1140];
	_ =	sdelay $0x1  }
0x157: {  	v6 =	vld [tilespmem:s29+$0x11C0];
	_ =	sdelay $0x2  }
0x158: {  	v60 =	vld [tilespmem:s29+$0x140];
	v5 =	vxor.u32 v3, v5  }
0x159: {  	v7 =	vand.u32 $0x3F, v5  }
0x15a: {  	v6 =	vxor.u32 v4, v6;
	vm6 =	veq.s32 v7, $0x0;
	v7 =	vand.u32 $0xFC0, v5  }
0x15b: {  	vm7 =	veq.s32 v7, $0x0;
	v7 =	vand.u32 $0x3F000, v5;
	v5 =	vand.u32 $0xFC0000, v5  }
0x15c: {  	vm8 =	veq.s32 v7, $0x0;
	vm9 =	veq.s32 v5, $0x0;
	v5 =	vand.u32 $0x3F, v6;
	v7 =	vld [tilespmem:s29+$0x1C0]  }
0x15d: {  	vm14 =	veq.s32 v60, v1;
	vm10 =	veq.s32 v5, $0x0;
	v5 =	vand.u32 $0xFC0, v6  }
0x15e: {  	vm0 =	vmor vm6, vm7;
	vm11 =	veq.s32 v5, $0x0;
	v5 =	vand.u32 $0x3F000, v6  }
0x15f: {  	vm1 =	vmor vm10, vm11;
	vm12 =	veq.s32 v5, $0x0;
	v5 =	vand.u32 $0xFC0000, v6  }
0x160: {  	vm0 =	vmor vm8, vm0;
	vm1 =	vmor vm12, vm1;
	vm13 =	veq.s32 v5, $0x0  }
0x161: {  	vm0 =	vmor vm9, vm0;
	vm1 =	vmor vm13, vm1;
	vm15 =	veq.s32 v7, v2  }
0x162: {  	vm0 =	vmand vm14, vm0;
	vm1 =	vmand vm15, vm1  }
0x163: {  	vm0 =	vmor vm0, vm1  }
0x164: {  	v5 =	vsel vm0, $0x1, v0  }
0x165: {  	[tilespmem:s28+$0x40] =	vst v5  }
0x166: {  	v5 =	vld [tilespmem:s29+$0x1150];
	_ =	sdelay $0x1  }
0x167: {  	v6 =	vld [tilespmem:s29+$0x11D0];
	_ =	sdelay $0x2  }
0x168: {  	v61 =	vld [tilespmem:s29+$0x150];
	v5 =	vxor.u32 v3, v5  }
0x169: {  	v7 =	vand.u32 $0x3F, v5  }
0x16a: {  	v6 =	vxor.u32 v4, v6;
	vm6 =	veq.s32 v7, $0x0;
	v7 =	vand.u32 $0xFC0, v5  }
0x16b: {  	vm7 =	veq.s32 v7, $0x0;
	v7 =	vand.u32 $0x3F000, v5;
	v5 =	vand.u32 $0xFC0000, v5  }
0x16c: {  	vm8 =	veq.s32 v7, $0x0;
	vm9 =	veq.s32 v5, $0x0;
	v5 =	vand.u32 $0x3F, v6;
	v7 =	vld [tilespmem:s29+$0x1D0]  }
0x16d: {  	vm14 =	veq.s32 v61, v1;
	vm10 =	veq.s32 v5, $0x0;
	v5 =	vand.u32 $0xFC0, v6  }
0x16e: {  	vm0 =	vmor vm6, vm7;
	vm11 =	veq.s32 v5, $0x0;
	v5 =	vand.u32 $0x3F000, v6  }
0x16f: {  	vm1 =	vmor vm10, vm11;
	vm12 =	veq.s32 v5, $0x0;
	v5 =	vand.u32 $0xFC0000, v6  }
0x170: {  	vm0 =	vmor vm8, vm0;
	vm1 =	vmor vm12, vm1;
	vm13 =	veq.s32 v5, $0x0  }
0x171: {  	vm0 =	vmor vm9, vm0;
	vm1 =	vmor vm13, vm1;
	vm15 =	veq.s32 v7, v2  }
0x172: {  	vm0 =	vmand vm14, vm0;
	vm1 =	vmand vm15, vm1  }
0x173: {  	vm0 =	vmor vm0, vm1  }
0x174: {  	v5 =	vsel vm0, $0x1, v0  }
0x175: {  	[tilespmem:s28+$0x50] =	vst v5  }
0x176: {  	v5 =	vld [tilespmem:s29+$0x1160];
	_ =	sdelay $0x1  }
0x177: {  	v6 =	vld [tilespmem:s29+$0x11E0];
	_ =	sdelay $0x2  }
0x178: {  	v62 =	vld [tilespmem:s29+$0x160];
	v5 =	vxor.u32 v3, v5  }
0x179: {  	v7 =	vand.u32 $0x3F, v5  }
0x17a: {  	v6 =	vxor.u32 v4, v6;
	vm6 =	veq.s32 v7, $0x0;
	v7 =	vand.u32 $0xFC0, v5  }
0x17b: {  	vm7 =	veq.s32 v7, $0x0;
	v7 =	vand.u32 $0x3F000, v5;
	v5 =	vand.u32 $0xFC0000, v5  }
0x17c: {  	vm8 =	veq.s32 v7, $0x0;
	vm9 =	veq.s32 v5, $0x0;
	v5 =	vand.u32 $0x3F, v6;
	v7 =	vld [tilespmem:s29+$0x1E0]  }
0x17d: {  	vm14 =	veq.s32 v62, v1;
	vm10 =	veq.s32 v5, $0x0;
	v5 =	vand.u32 $0xFC0, v6  }
0x17e: {  	vm0 =	vmor vm6, vm7;
	vm11 =	veq.s32 v5, $0x0;
	v5 =	vand.u32 $0x3F000, v6  }
0x17f: {  	vm1 =	vmor vm10, vm11;
	vm12 =	veq.s32 v5, $0x0;
	v5 =	vand.u32 $0xFC0000, v6  }
0x180: {  	vm0 =	vmor vm8, vm0;
	vm1 =	vmor vm12, vm1;
	vm13 =	veq.s32 v5, $0x0  }
0x181: {  	vm0 =	vmor vm9, vm0;
	vm1 =	vmor vm13, vm1;
	vm15 =	veq.s32 v7, v2  }
0x182: {  	vm0 =	vmand vm14, vm0;
	vm1 =	vmand vm15, vm1  }
0x183: {  	vm0 =	vmor vm0, vm1  }
0x184: {  	v5 =	vsel vm0, $0x1, v0  }
0x185: {  	[tilespmem:s28+$0x60] =	vst v5  }
0x186: {  	v5 =	vld [tilespmem:s29+$0x1170];
	_ =	sdelay $0x1  }
0x187: {  	v6 =	vld [tilespmem:s29+$0x11F0];
	_ =	sdelay $0x2  }
0x188: {  	v63 =	vld [tilespmem:s29+$0x170];
	v5 =	vxor.u32 v3, v5  }
0x189: {  	v7 =	vand.u32 $0x3F, v5  }
0x18a: {  	v6 =	vxor.u32 v4, v6;
	vm6 =	veq.s32 v7, $0x0;
	v7 =	vand.u32 $0xFC0, v5  }
0x18b: {  	vm7 =	veq.s32 v7, $0x0;
	v7 =	vand.u32 $0x3F000, v5;
	v5 =	vand.u32 $0xFC0000, v5  }
0x18c: {  	vm8 =	veq.s32 v7, $0x0;
	vm9 =	veq.s32 v5, $0x0;
	v5 =	vand.u32 $0x3F, v6;
	v7 =	vld [tilespmem:s29+$0x1F0]  }
0x18d: {  	vm14 =	veq.s32 v63, v1;
	vm10 =	veq.s32 v5, $0x0;
	v5 =	vand.u32 $0xFC0, v6  }
0x18e: {  	vm0 =	vmor vm6, vm7;
	vm11 =	veq.s32 v5, $0x0;
	v5 =	vand.u32 $0x3F000, v6  }
0x18f: {  	vm1 =	vmor vm10, vm11;
	vm12 =	veq.s32 v5, $0x0;
	v5 =	vand.u32 $0xFC0000, v6  }
0x190: {  	p0 =	sne.s32 s26, $0x3800;
	vm0 =	vmor vm8, vm0;
	vm1 =	vmor vm12, vm1;
	vm13 =	veq.s32 v5, $0x0  }
.Ltmp6:
0x191: {  	vm0 =	vmor vm9, vm0;
	vm1 =	vmor vm13, vm1;
	vm15 =	veq.s32 v7, v2;
	(pc) =	sbr.rel @p0 .LBB2_6-.Ltmp6, $4  }
0x192: {  	vm0 =	vmand vm14, vm0;
	vm1 =	vmand vm15, vm1  }
0x193: {  	vm0 =	vmor vm0, vm1  }
0x194: {  	v5 =	vsel vm0, $0x1, v0  }
0x195: {  	s26 =	sadd.s32 $0x800, s26;
	[tilespmem:s28+$0x70] =	vst v5;
	s28 =	sadd.s32 $0x100, s28  }
0x196: {  	s26 =	sshll.u32 s25, $0x8  }
0x197: {  	s28 =	sshll.u32 s25, $0x4;
	s26 =	sand.u32 $0x7800, s26  }
0x198: {  	s28 =	sand.u32 $0x70, s28;
	s26 =	sadd.s32 s26, s9  }
.Ltmp7:
0x199: {  	s26 =	sadd.s32 s28, s26;
	(pc) =	sbr.rel .LBB2_8-.Ltmp7, $4  }
0x19a: {  	[hbm4b:s26+s20] =	stream.strided.scatter [tilespmem:s22], [sflag:$0x1], $0x800, s21, s20, $0x38;
	[tilespmem:$0x2C00] =	vst v63  }
0x19b: {  	_ =	swait.ge [sflag:s14], $0x800  }
0x19c: {  	[sflag:s14] =	ssyncset.done $0x0  }
0x19d: {  	[sflag:s14] =	ssyncadd.s32 $0xFFFFF800  }
.LBB2_10:
0x19e: {  	_ =	sfence.sel $0x180000  }
0x19f: {  	[bflag:$0x0] =	sbarrier.arrive $0xFFFF  }
0x1a0: {  	p0 =	sne.s32 s1, $0x0;
	_ =	strace $0x90000047  }
0x1a1: {  	s0 =	sadd.s32 @!p0 $0x100000, s0;
	[bflag:$0x2] =	sbarrier.arrive $0xFFFF  }
0x1a2: {  	[sflag:s0] =	ssyncadd.tile.s32 @!p0 $0x1;
	_ =	shalt  }
.Lfunc_end2:
_tile_overlayer_lowered:
.L_overlay_start_2:
0x1a3: {  	(tag) =	ssettag $0x2  }
0x1a4: {  	s0 =	rddreg [dreg:$0x0];
	s2 =	stileid.u32  }
0x1a5: {  	s1 =	rddreg [dreg:$0x1];
	p0 =	sne.s32 s2, $0x0  }
0x1a6: {  	s3 =	rddreg [dreg:$0x2];
	[bflag:$0x3] =	sbarrier.arrive $0xFFFF;
	s2 =	simm.s32 @!p0 $0x1C01  }
0x1a7: {  	[timem:s3], [sflag:s2] =	dma.local @!p0 [hbm:s0], s1  }
0x1a8: {  	s0 =	simm.s32 @!p0 $0x1  }
0x1a9: {  	_ =	swait.ge @!p0 [sflag:s0], s1  }
0x1aa: {  	s1 =	ssub.s32 @!p0 $0x0, s1;
	[sflag:s0] =	ssyncset.done @!p0 $0x0  }
0x1ab: {  	[sflag:s0] =	ssyncadd.s32 @!p0 s1  }
0x1ac: {  	[bflag:$0x3] =	sbarrier.arrive $0xFFFF  }
0x1ad: {  	_ =	shalt  }

</sc_bundles>
